<compile_context>
chip_gen: v7x
topology: tpu7x:2x2x1
jax: 0.10.2.dev20260603
libtpu: 0.0.44.dev20260713+nightly
codegen_flags: <defaults>
</compile_context>

<pallas_src>
import functools

import jax
import jax.numpy as jnp
from jax import lax
from jax.experimental import pallas as pl
from jax.experimental.pallas import tpu as pltpu
from jax.experimental.pallas import tpu_sc as plsc

VOCAB = 1000000
EMBED = 32
BATCH = 16384
N_FIELDS = 26
B = BATCH * N_FIELDS

NC = 2
NS = 16
NW = NC * NS

B_PER_W = B // NW
BATCH_PER_W = BATCH // NW
N_GROUPS = BATCH_PER_W // 16


def _make_gather():
    mesh = plsc.VectorSubcoreMesh(core_axis_name="c", subcore_axis_name="s")

    @functools.partial(
        pl.kernel,
        mesh=mesh,
        out_type=jax.ShapeDtypeStruct((N_FIELDS, 4, 128, 1024), jnp.float32),
        scratch_types=[
            pltpu.VMEM((B_PER_W,), jnp.int32),
            pltpu.VMEM((N_FIELDS, BATCH_PER_W), jnp.int32),
            pltpu.VMEM((2, BATCH_PER_W, EMBED), jnp.float32),
            pltpu.VMEM((2, 4, 4, 1024), jnp.float32),
            pltpu.SemaphoreType.DMA,
            pltpu.SemaphoreType.DMA,
            pltpu.SemaphoreType.DMA,
            pltpu.SemaphoreType.DMA,
        ],
        compiler_params=pltpu.CompilerParams(
            use_tc_tiling_on_sc=False, needs_layout_passes=False
        ),
    )
    def gather_kernel(idx_hbm, w_hbm, out_hbm, idx_all, fidx, rows_v, tbuf,
                      g0, g1, o0, o1):
        wid = lax.axis_index("s") * NC + lax.axis_index("c")
        base = wid * B_PER_W
        bb0 = wid * 4

        pltpu.sync_copy(idx_hbm.at[pl.ds(base, B_PER_W)], idx_all)

        iota16 = lax.iota(jnp.int32, 16)
        iota26 = iota16 * N_FIELDS

        @pl.loop(0, N_FIELDS)
        def _(f):
            for k in range(N_GROUPS):
                picks = plsc.load_gather(idx_all, [iota26 + (f + 26 * 16 * k)])
                fidx[f, pl.ds(16 * k, 16)] = picks

        def start_gather(f, buf, sem):
            return pltpu.async_copy(
                w_hbm.at[fidx.at[f]], rows_v.at[buf], sem
            )

        def wait_gather(f, buf, sem):
            pltpu.make_async_copy(
                w_hbm.at[fidx.at[f]], rows_v.at[buf], sem
            ).wait()

        c8_lo = lax.shift_right_logical(iota16, 3)
        c8_hi = c8_lo + 2
        pat_in = (iota16 & 7) * 128

        def transpose(buf):
            tb = tbuf.at[buf]

            @plsc.parallel_loop(0, N_GROUPS, unroll=2)
            def _(k):
                jbb = lax.shift_right_logical(k, 3)
                jl0 = (k & 7) * 16
                idx_jbb = jnp.broadcast_to(jbb, (16,))
                base_in = pat_in + jl0
                for jq in range(16):
                    j = 16 * k + jq
                    idx_in = base_in + jq
                    v_lo = rows_v[buf, j, pl.ds(0, 16)]
                    v_hi = rows_v[buf, j, pl.ds(16, 16)]
                    plsc.store_scatter(tb, [c8_lo, idx_jbb, idx_in], v_lo)
                    plsc.store_scatter(tb, [c8_hi, idx_jbb, idx_in], v_hi)

        def start_out(f, buf, sem):
            return pltpu.async_copy(
                tbuf.at[buf],
                out_hbm.at[f, :, pl.ds(bb0, 4), :],
                sem,
            )

        def wait_out(f, buf, sem):
            pltpu.make_async_copy(
                tbuf.at[buf],
                out_hbm.at[f, :, pl.ds(bb0, 4), :],
                sem,
            ).wait()

        start_gather(0, 0, g0)

        @pl.loop(0, N_FIELDS // 2)
        def _(g):
            f0 = 2 * g
            f1 = f0 + 1
            start_gather(f1, 1, g1)
            wait_gather(f0, 0, g0)

            @pl.when(g > 0)
            def _():
                wait_out(f0 - 2, 0, o0)

            transpose(0)
            start_out(f0, 0, o0)

            @pl.when(g < N_FIELDS // 2 - 1)
            def _():
                start_gather(f0 + 2, 0, g0)

            wait_gather(f1, 1, g1)

            @pl.when(g > 0)
            def _():
                wait_out(f1 - 2, 1, o1)

            transpose(1)
            start_out(f1, 1, o1)

        wait_out(N_FIELDS - 2, 0, o0)
        wait_out(N_FIELDS - 1, 1, o1)

    return gather_kernel


_gather = _make_gather()


@jax.jit
def kernel(input, weight):
    idx = input.reshape(B)
    out_t = _gather(idx, weight)
    return (
        out_t.reshape(N_FIELDS, 4, 128, 8, 128)
        .transpose(2, 4, 0, 1, 3)
        .reshape(BATCH, N_FIELDS, EMBED)
    )

# --- scband reference (transcript-rebuilt; emitter-appended) ---
"""Pipeline reference for scband-my-embedding2-1846835937765 (READ-ONLY COPY).

The authoritative reference and input builder live on the scoring server;
editing this copy changes nothing except your own understanding.
"""

import jax, jax.numpy as jnp
import numpy as np

VOCAB = 1000000
EMBED_DIM = 32
BATCH = 16384
N_FIELDS = 26


def setup_inputs(seed: int = 0) -> dict:
    key = jax.random.key(seed)
    k_w, k_i = jax.random.split(key)
    # Learned parameter: the remapped embedding table. In the torch module the
    # table is initialized by gathering rows of a source embedding via `mapping`;
    # with an identity mapping this is just a [vocab, embed_dim] table.
    weight = jax.random.normal(k_w, (VOCAB, EMBED_DIM), dtype=jnp.float32)
    inp = jax.random.randint(k_i, (BATCH, N_FIELDS), 0, VOCAB, dtype=jnp.int32)
    return {"input": inp, "weight": weight}


def reference(input, weight):
    # MyEmbedding2.forward: plain embedding lookup on the remapped table.
    return jnp.take(weight, input, axis=0)

if __name__ == "__main__":
    import jax
    _d = setup_inputs()
    print(jax.jit(kernel)(*tuple(_d.values())))

</pallas_src>

<mosaic_0001>
#map = affine_map<(d0, d1) -> (0)>
#map1 = affine_map<(d0, d1) -> (0, 0)>
#map2 = affine_map<(d0, d1) -> (0, 0, 0, 0)>
module attributes {stable_mosaic.version = 14 : i64} {
  func.func @gather_kernel(%arg0: i32, %arg1: i32, %arg2: memref<425984xi32, #tpu.memory_space<hbm>>, %arg3: memref<1000000x32xf32, #tpu.memory_space<hbm>>, %arg4: memref<26x4x128x1024xf32, #tpu.memory_space<hbm>>, %arg5: memref<13312xi32, #tpu.memory_space<vmem>>, %arg6: memref<26x512xi32, #tpu.memory_space<vmem>>, %arg7: memref<2x512x32xf32, #tpu.memory_space<vmem>>, %arg8: memref<2x4x4x1024xf32, #tpu.memory_space<vmem>>, %arg9: memref<!tpu.dma_semaphore, #tpu.memory_space<semaphore_mem>>, %arg10: memref<!tpu.dma_semaphore, #tpu.memory_space<semaphore_mem>>, %arg11: memref<!tpu.dma_semaphore, #tpu.memory_space<semaphore_mem>>, %arg12: memref<!tpu.dma_semaphore, #tpu.memory_space<semaphore_mem>>) attributes {dimension_semantics = [#tpu.dimension_semantics<core_parallel>, #tpu.dimension_semantics<subcore_parallel>], iteration_bounds = array<i64: 2, 16>, scalar_prefetch = 0 : i64, scratch_operands = 8 : i64, tpu.core_type = #tpu.core_type<sc_vector_subcore>, window_params = [{transform_indices = #map}, {transform_indices = #map1}, {transform_indices = #map2}]} {
    %mul3A = arith.constant 2 : i32
    %mul3A_0 = arith.muli %arg1, %mul3A : i32
    %add3A = arith.addi %mul3A_0, %arg0 : i32
    %mul3A_1 = arith.constant 13312 : i32
    %mul3A_2 = arith.muli %add3A, %mul3A_1 : i32
    %mul3A_3 = arith.constant 4 : i32
    %mul3A_4 = arith.muli %add3A, %mul3A_3 : i32
    "tpu.region"() ({
      %run_scoped3A = tpu.sem_alloc : memref<!tpu.dma_semaphore, #tpu.memory_space<semaphore_mem>>
      %dma_start3A_77 = tpu.memref_slice %arg2[%mul3A_2] : memref<425984xi32, #tpu.memory_space<hbm>> -> memref<13312xi32, #tpu.memory_space<hbm>>
      %dma_start3A_78 = tpu.memref_slice %arg2[%mul3A_2] : memref<425984xi32, #tpu.memory_space<hbm>> -> memref<13312xi32, #tpu.memory_space<hbm>>
      tpu.enqueue_dma source(%dma_start3A_78 : memref<13312xi32, #tpu.memory_space<hbm>>) target(%arg5 : memref<13312xi32, #tpu.memory_space<vmem>>) target_semaphore(%run_scoped3A : memref<!tpu.dma_semaphore, #tpu.memory_space<semaphore_mem>>)
      %dma_wait3A_79 = tpu.memref_slice %arg2[%mul3A_2] : memref<425984xi32, #tpu.memory_space<hbm>> -> memref<13312xi32, #tpu.memory_space<hbm>>
      %dma_wait3A_80 = tpu.memref_slice %arg2[%mul3A_2] : memref<425984xi32, #tpu.memory_space<hbm>> -> memref<13312xi32, #tpu.memory_space<hbm>>
      tpu.wait_dma2 semaphore(%run_scoped3A : memref<!tpu.dma_semaphore, #tpu.memory_space<semaphore_mem>>) src(%dma_wait3A_80 : memref<13312xi32, #tpu.memory_space<hbm>>) dst(%arg5 : memref<13312xi32, #tpu.memory_space<vmem>>)
      tpu.yield
    }) : () -> ()
    %iota3A = tpu.iota {dimensions = array<i32: 0>} : vector<16xi32>
    %mul3A_5 = arith.constant 26 : i32
    %mul3A_6 = vector.broadcast %mul3A_5 : i32 to vector<16xi32>
    %mul3A_7 = arith.muli %iota3A, %mul3A_6 : vector<16xi32>
    %scan3A = arith.constant 0 : i32
    %scan3A_8 = arith.constant 26 : i32
    %scan3A_9 = arith.addi %scan3A, %scan3A_8 : i32
    %scan3A_10 = arith.constant 1 : i32
    scf.for %scan3A_77 = %scan3A to %scan3A_9 step %scan3A_10  : i32 {
      %mul3A_78 = arith.constant 1 : i32
      %mul3A_79 = arith.muli %scan3A_77, %mul3A_78 : i32
      %add3A_80 = arith.constant 0 : i32
      %add3A_81 = arith.addi %add3A_80, %mul3A_79 : i32
      %add3A_82 = arith.constant 0 : i32
      %add3A_83 = arith.addi %add3A_81, %add3A_82 : i32
      %add3A_84 = vector.broadcast %add3A_83 : i32 to vector<16xi32>
      %add3A_85 = arith.addi %mul3A_7, %add3A_84 : vector<16xi32>
      %gather3A = tpu.vector_load_idx %arg5[%add3A_85] : memref<13312xi32, #tpu.memory_space<vmem>>[vector<16xi32>], vector<16xi32>,
      %swap3A = arith.index_cast %add3A_81 : i32 to index
      %swap3A_86 = arith.constant 0 : index
      %swap3A_87 = tpu.vector_load %arg6[%swap3A, %swap3A_86] {strides = array<i32>} : memref<26x512xi32, #tpu.memory_space<vmem>>, vector<16xi32>,
      tpu.vector_store %arg6[%swap3A, %swap3A_86], %gather3A {strides = array<i32>} : memref<26x512xi32, #tpu.memory_space<vmem>>, vector<16xi32>,
      %add3A_88 = arith.constant 416 : i32
      %add3A_89 = arith.addi %add3A_81, %add3A_88 : i32
      %add3A_90 = vector.broadcast %add3A_89 : i32 to vector<16xi32>
      %add3A_91 = arith.addi %mul3A_7, %add3A_90 : vector<16xi32>
      %gather3A_92 = tpu.vector_load_idx %arg5[%add3A_91] : memref<13312xi32, #tpu.memory_space<vmem>>[vector<16xi32>], vector<16xi32>,
      %swap3A_93 = arith.index_cast %add3A_81 : i32 to index
      %swap3A_94 = arith.constant 16 : index
      %swap3A_95 = tpu.vector_load %arg6[%swap3A_93, %swap3A_94] {strides = array<i32>} : memref<26x512xi32, #tpu.memory_space<vmem>>, vector<16xi32>,
      tpu.vector_store %arg6[%swap3A_93, %swap3A_94], %gather3A_92 {strides = array<i32>} : memref<26x512xi32, #tpu.memory_space<vmem>>, vector<16xi32>,
      %add3A_96 = arith.constant 832 : i32
      %add3A_97 = arith.addi %add3A_81, %add3A_96 : i32
      %add3A_98 = vector.broadcast %add3A_97 : i32 to vector<16xi32>
      %add3A_99 = arith.addi %mul3A_7, %add3A_98 : vector<16xi32>
      %gather3A_100 = tpu.vector_load_idx %arg5[%add3A_99] : memref<13312xi32, #tpu.memory_space<vmem>>[vector<16xi32>], vector<16xi32>,
      %swap3A_101 = arith.index_cast %add3A_81 : i32 to index
      %swap3A_102 = arith.constant 32 : index
      %swap3A_103 = tpu.vector_load %arg6[%swap3A_101, %swap3A_102] {strides = array<i32>} : memref<26x512xi32, #tpu.memory_space<vmem>>, vector<16xi32>,
      tpu.vector_store %arg6[%swap3A_101, %swap3A_102], %gather3A_100 {strides = array<i32>} : memref<26x512xi32, #tpu.memory_space<vmem>>, vector<16xi32>,
      %add3A_104 = arith.constant 1248 : i32
      %add3A_105 = arith.addi %add3A_81, %add3A_104 : i32
      %add3A_106 = vector.broadcast %add3A_105 : i32 to vector<16xi32>
      %add3A_107 = arith.addi %mul3A_7, %add3A_106 : vector<16xi32>
      %gather3A_108 = tpu.vector_load_idx %arg5[%add3A_107] : memref<13312xi32, #tpu.memory_space<vmem>>[vector<16xi32>], vector<16xi32>,
      %swap3A_109 = arith.index_cast %add3A_81 : i32 to index
      %swap3A_110 = arith.constant 48 : index
      %swap3A_111 = tpu.vector_load %arg6[%swap3A_109, %swap3A_110] {strides = array<i32>} : memref<26x512xi32, #tpu.memory_space<vmem>>, vector<16xi32>,
      tpu.vector_store %arg6[%swap3A_109, %swap3A_110], %gather3A_108 {strides = array<i32>} : memref<26x512xi32, #tpu.memory_space<vmem>>, vector<16xi32>,
      %add3A_112 = arith.constant 1664 : i32
      %add3A_113 = arith.addi %add3A_81, %add3A_112 : i32
      %add3A_114 = vector.broadcast %add3A_113 : i32 to vector<16xi32>
      %add3A_115 = arith.addi %mul3A_7, %add3A_114 : vector<16xi32>
      %gather3A_116 = tpu.vector_load_idx %arg5[%add3A_115] : memref<13312xi32, #tpu.memory_space<vmem>>[vector<16xi32>], vector<16xi32>,
      %swap3A_117 = arith.index_cast %add3A_81 : i32 to index
      %swap3A_118 = arith.constant 64 : index
      %swap3A_119 = tpu.vector_load %arg6[%swap3A_117, %swap3A_118] {strides = array<i32>} : memref<26x512xi32, #tpu.memory_space<vmem>>, vector<16xi32>,
      tpu.vector_store %arg6[%swap3A_117, %swap3A_118], %gather3A_116 {strides = array<i32>} : memref<26x512xi32, #tpu.memory_space<vmem>>, vector<16xi32>,
      %add3A_120 = arith.constant 2080 : i32
      %add3A_121 = arith.addi %add3A_81, %add3A_120 : i32
      %add3A_122 = vector.broadcast %add3A_121 : i32 to vector<16xi32>
      %add3A_123 = arith.addi %mul3A_7, %add3A_122 : vector<16xi32>
      %gather3A_124 = tpu.vector_load_idx %arg5[%add3A_123] : memref<13312xi32, #tpu.memory_space<vmem>>[vector<16xi32>], vector<16xi32>,
      %swap3A_125 = arith.index_cast %add3A_81 : i32 to index
      %swap3A_126 = arith.constant 80 : index
      %swap3A_127 = tpu.vector_load %arg6[%swap3A_125, %swap3A_126] {strides = array<i32>} : memref<26x512xi32, #tpu.memory_space<vmem>>, vector<16xi32>,
      tpu.vector_store %arg6[%swap3A_125, %swap3A_126], %gather3A_124 {strides = array<i32>} : memref<26x512xi32, #tpu.memory_space<vmem>>, vector<16xi32>,
      %add3A_128 = arith.constant 2496 : i32
      %add3A_129 = arith.addi %add3A_81, %add3A_128 : i32
      %add3A_130 = vector.broadcast %add3A_129 : i32 to vector<16xi32>
      %add3A_131 = arith.addi %mul3A_7, %add3A_130 : vector<16xi32>
      %gather3A_132 = tpu.vector_load_idx %arg5[%add3A_131] : memref<13312xi32, #tpu.memory_space<vmem>>[vector<16xi32>], vector<16xi32>,
      %swap3A_133 = arith.index_cast %add3A_81 : i32 to index
      %swap3A_134 = arith.constant 96 : index
      %swap3A_135 = tpu.vector_load %arg6[%swap3A_133, %swap3A_134] {strides = array<i32>} : memref<26x512xi32, #tpu.memory_space<vmem>>, vector<16xi32>,
      tpu.vector_store %arg6[%swap3A_133, %swap3A_134], %gather3A_132 {strides = array<i32>} : memref<26x512xi32, #tpu.memory_space<vmem>>, vector<16xi32>,
      %add3A_136 = arith.constant 2912 : i32
      %add3A_137 = arith.addi %add3A_81, %add3A_136 : i32
      %add3A_138 = vector.broadcast %add3A_137 : i32 to vector<16xi32>
      %add3A_139 = arith.addi %mul3A_7, %add3A_138 : vector<16xi32>
      %gather3A_140 = tpu.vector_load_idx %arg5[%add3A_139] : memref<13312xi32, #tpu.memory_space<vmem>>[vector<16xi32>], vector<16xi32>,
      %swap3A_141 = arith.index_cast %add3A_81 : i32 to index
      %swap3A_142 = arith.constant 112 : index
      %swap3A_143 = tpu.vector_load %arg6[%swap3A_141, %swap3A_142] {strides = array<i32>} : memref<26x512xi32, #tpu.memory_space<vmem>>, vector<16xi32>,
      tpu.vector_store %arg6[%swap3A_141, %swap3A_142], %gather3A_140 {strides = array<i32>} : memref<26x512xi32, #tpu.memory_space<vmem>>, vector<16xi32>,
      %add3A_144 = arith.constant 3328 : i32
      %add3A_145 = arith.addi %add3A_81, %add3A_144 : i32
      %add3A_146 = vector.broadcast %add3A_145 : i32 to vector<16xi32>
      %add3A_147 = arith.addi %mul3A_7, %add3A_146 : vector<16xi32>
      %gather3A_148 = tpu.vector_load_idx %arg5[%add3A_147] : memref<13312xi32, #tpu.memory_space<vmem>>[vector<16xi32>], vector<16xi32>,
      %swap3A_149 = arith.index_cast %add3A_81 : i32 to index
      %swap3A_150 = arith.constant 128 : index
      %swap3A_151 = tpu.vector_load %arg6[%swap3A_149, %swap3A_150] {strides = array<i32>} : memref<26x512xi32, #tpu.memory_space<vmem>>, vector<16xi32>,
      tpu.vector_store %arg6[%swap3A_149, %swap3A_150], %gather3A_148 {strides = array<i32>} : memref<26x512xi32, #tpu.memory_space<vmem>>, vector<16xi32>,
      %add3A_152 = arith.constant 3744 : i32
      %add3A_153 = arith.addi %add3A_81, %add3A_152 : i32
      %add3A_154 = vector.broadcast %add3A_153 : i32 to vector<16xi32>
      %add3A_155 = arith.addi %mul3A_7, %add3A_154 : vector<16xi32>
      %gather3A_156 = tpu.vector_load_idx %arg5[%add3A_155] : memref<13312xi32, #tpu.memory_space<vmem>>[vector<16xi32>], vector<16xi32>,
      %swap3A_157 = arith.index_cast %add3A_81 : i32 to index
      %swap3A_158 = arith.constant 144 : index
      %swap3A_159 = tpu.vector_load %arg6[%swap3A_157, %swap3A_158] {strides = array<i32>} : memref<26x512xi32, #tpu.memory_space<vmem>>, vector<16xi32>,
      tpu.vector_store %arg6[%swap3A_157, %swap3A_158], %gather3A_156 {strides = array<i32>} : memref<26x512xi32, #tpu.memory_space<vmem>>, vector<16xi32>,
      %add3A_160 = arith.constant 4160 : i32
      %add3A_161 = arith.addi %add3A_81, %add3A_160 : i32
      %add3A_162 = vector.broadcast %add3A_161 : i32 to vector<16xi32>
      %add3A_163 = arith.addi %mul3A_7, %add3A_162 : vector<16xi32>
      %gather3A_164 = tpu.vector_load_idx %arg5[%add3A_163] : memref<13312xi32, #tpu.memory_space<vmem>>[vector<16xi32>], vector<16xi32>,
      %swap3A_165 = arith.index_cast %add3A_81 : i32 to index
      %swap3A_166 = arith.constant 160 : index
      %swap3A_167 = tpu.vector_load %arg6[%swap3A_165, %swap3A_166] {strides = array<i32>} : memref<26x512xi32, #tpu.memory_space<vmem>>, vector<16xi32>,
      tpu.vector_store %arg6[%swap3A_165, %swap3A_166], %gather3A_164 {strides = array<i32>} : memref<26x512xi32, #tpu.memory_space<vmem>>, vector<16xi32>,
      %add3A_168 = arith.constant 4576 : i32
      %add3A_169 = arith.addi %add3A_81, %add3A_168 : i32
      %add3A_170 = vector.broadcast %add3A_169 : i32 to vector<16xi32>
      %add3A_171 = arith.addi %mul3A_7, %add3A_170 : vector<16xi32>
      %gather3A_172 = tpu.vector_load_idx %arg5[%add3A_171] : memref<13312xi32, #tpu.memory_space<vmem>>[vector<16xi32>], vector<16xi32>,
      %swap3A_173 = arith.index_cast %add3A_81 : i32 to index
      %swap3A_174 = arith.constant 176 : index
      %swap3A_175 = tpu.vector_load %arg6[%swap3A_173, %swap3A_174] {strides = array<i32>} : memref<26x512xi32, #tpu.memory_space<vmem>>, vector<16xi32>,
      tpu.vector_store %arg6[%swap3A_173, %swap3A_174], %gather3A_172 {strides = array<i32>} : memref<26x512xi32, #tpu.memory_space<vmem>>, vector<16xi32>,
      %add3A_176 = arith.constant 4992 : i32
      %add3A_177 = arith.addi %add3A_81, %add3A_176 : i32
      %add3A_178 = vector.broadcast %add3A_177 : i32 to vector<16xi32>
      %add3A_179 = arith.addi %mul3A_7, %add3A_178 : vector<16xi32>
      %gather3A_180 = tpu.vector_load_idx %arg5[%add3A_179] : memref<13312xi32, #tpu.memory_space<vmem>>[vector<16xi32>], vector<16xi32>,
      %swap3A_181 = arith.index_cast %add3A_81 : i32 to index
      %swap3A_182 = arith.constant 192 : index
      %swap3A_183 = tpu.vector_load %arg6[%swap3A_181, %swap3A_182] {strides = array<i32>} : memref<26x512xi32, #tpu.memory_space<vmem>>, vector<16xi32>,
      tpu.vector_store %arg6[%swap3A_181, %swap3A_182], %gather3A_180 {strides = array<i32>} : memref<26x512xi32, #tpu.memory_space<vmem>>, vector<16xi32>,
      %add3A_184 = arith.constant 5408 : i32
      %add3A_185 = arith.addi %add3A_81, %add3A_184 : i32
      %add3A_186 = vector.broadcast %add3A_185 : i32 to vector<16xi32>
      %add3A_187 = arith.addi %mul3A_7, %add3A_186 : vector<16xi32>
      %gather3A_188 = tpu.vector_load_idx %arg5[%add3A_187] : memref<13312xi32, #tpu.memory_space<vmem>>[vector<16xi32>], vector<16xi32>,
      %swap3A_189 = arith.index_cast %add3A_81 : i32 to index
      %swap3A_190 = arith.constant 208 : index
      %swap3A_191 = tpu.vector_load %arg6[%swap3A_189, %swap3A_190] {strides = array<i32>} : memref<26x512xi32, #tpu.memory_space<vmem>>, vector<16xi32>,
      tpu.vector_store %arg6[%swap3A_189, %swap3A_190], %gather3A_188 {strides = array<i32>} : memref<26x512xi32, #tpu.memory_space<vmem>>, vector<16xi32>,
      %add3A_192 = arith.constant 5824 : i32
      %add3A_193 = arith.addi %add3A_81, %add3A_192 : i32
      %add3A_194 = vector.broadcast %add3A_193 : i32 to vector<16xi32>
      %add3A_195 = arith.addi %mul3A_7, %add3A_194 : vector<16xi32>
      %gather3A_196 = tpu.vector_load_idx %arg5[%add3A_195] : memref<13312xi32, #tpu.memory_space<vmem>>[vector<16xi32>], vector<16xi32>,
      %swap3A_197 = arith.index_cast %add3A_81 : i32 to index
      %swap3A_198 = arith.constant 224 : index
      %swap3A_199 = tpu.vector_load %arg6[%swap3A_197, %swap3A_198] {strides = array<i32>} : memref<26x512xi32, #tpu.memory_space<vmem>>, vector<16xi32>,
      tpu.vector_store %arg6[%swap3A_197, %swap3A_198], %gather3A_196 {strides = array<i32>} : memref<26x512xi32, #tpu.memory_space<vmem>>, vector<16xi32>,
      %add3A_200 = arith.constant 6240 : i32
      %add3A_201 = arith.addi %add3A_81, %add3A_200 : i32
      %add3A_202 = vector.broadcast %add3A_201 : i32 to vector<16xi32>
      %add3A_203 = arith.addi %mul3A_7, %add3A_202 : vector<16xi32>
      %gather3A_204 = tpu.vector_load_idx %arg5[%add3A_203] : memref<13312xi32, #tpu.memory_space<vmem>>[vector<16xi32>], vector<16xi32>,
      %swap3A_205 = arith.index_cast %add3A_81 : i32 to index
      %swap3A_206 = arith.constant 240 : index
      %swap3A_207 = tpu.vector_load %arg6[%swap3A_205, %swap3A_206] {strides = array<i32>} : memref<26x512xi32, #tpu.memory_space<vmem>>, vector<16xi32>,
      tpu.vector_store %arg6[%swap3A_205, %swap3A_206], %gather3A_204 {strides = array<i32>} : memref<26x512xi32, #tpu.memory_space<vmem>>, vector<16xi32>,
      %add3A_208 = arith.constant 6656 : i32
      %add3A_209 = arith.addi %add3A_81, %add3A_208 : i32
      %add3A_210 = vector.broadcast %add3A_209 : i32 to vector<16xi32>
      %add3A_211 = arith.addi %mul3A_7, %add3A_210 : vector<16xi32>
      %gather3A_212 = tpu.vector_load_idx %arg5[%add3A_211] : memref<13312xi32, #tpu.memory_space<vmem>>[vector<16xi32>], vector<16xi32>,
      %swap3A_213 = arith.index_cast %add3A_81 : i32 to index
      %swap3A_214 = arith.constant 256 : index
      %swap3A_215 = tpu.vector_load %arg6[%swap3A_213, %swap3A_214] {strides = array<i32>} : memref<26x512xi32, #tpu.memory_space<vmem>>, vector<16xi32>,
      tpu.vector_store %arg6[%swap3A_213, %swap3A_214], %gather3A_212 {strides = array<i32>} : memref<26x512xi32, #tpu.memory_space<vmem>>, vector<16xi32>,
      %add3A_216 = arith.constant 7072 : i32
      %add3A_217 = arith.addi %add3A_81, %add3A_216 : i32
      %add3A_218 = vector.broadcast %add3A_217 : i32 to vector<16xi32>
      %add3A_219 = arith.addi %mul3A_7, %add3A_218 : vector<16xi32>
      %gather3A_220 = tpu.vector_load_idx %arg5[%add3A_219] : memref<13312xi32, #tpu.memory_space<vmem>>[vector<16xi32>], vector<16xi32>,
      %swap3A_221 = arith.index_cast %add3A_81 : i32 to index
      %swap3A_222 = arith.constant 272 : index
      %swap3A_223 = tpu.vector_load %arg6[%swap3A_221, %swap3A_222] {strides = array<i32>} : memref<26x512xi32, #tpu.memory_space<vmem>>, vector<16xi32>,
      tpu.vector_store %arg6[%swap3A_221, %swap3A_222], %gather3A_220 {strides = array<i32>} : memref<26x512xi32, #tpu.memory_space<vmem>>, vector<16xi32>,
      %add3A_224 = arith.constant 7488 : i32
      %add3A_225 = arith.addi %add3A_81, %add3A_224 : i32
      %add3A_226 = vector.broadcast %add3A_225 : i32 to vector<16xi32>
      %add3A_227 = arith.addi %mul3A_7, %add3A_226 : vector<16xi32>
      %gather3A_228 = tpu.vector_load_idx %arg5[%add3A_227] : memref<13312xi32, #tpu.memory_space<vmem>>[vector<16xi32>], vector<16xi32>,
      %swap3A_229 = arith.index_cast %add3A_81 : i32 to index
      %swap3A_230 = arith.constant 288 : index
      %swap3A_231 = tpu.vector_load %arg6[%swap3A_229, %swap3A_230] {strides = array<i32>} : memref<26x512xi32, #tpu.memory_space<vmem>>, vector<16xi32>,
      tpu.vector_store %arg6[%swap3A_229, %swap3A_230], %gather3A_228 {strides = array<i32>} : memref<26x512xi32, #tpu.memory_space<vmem>>, vector<16xi32>,
      %add3A_232 = arith.constant 7904 : i32
      %add3A_233 = arith.addi %add3A_81, %add3A_232 : i32
      %add3A_234 = vector.broadcast %add3A_233 : i32 to vector<16xi32>
      %add3A_235 = arith.addi %mul3A_7, %add3A_234 : vector<16xi32>
      %gather3A_236 = tpu.vector_load_idx %arg5[%add3A_235] : memref<13312xi32, #tpu.memory_space<vmem>>[vector<16xi32>], vector<16xi32>,
      %swap3A_237 = arith.index_cast %add3A_81 : i32 to index
      %swap3A_238 = arith.constant 304 : index
      %swap3A_239 = tpu.vector_load %arg6[%swap3A_237, %swap3A_238] {strides = array<i32>} : memref<26x512xi32, #tpu.memory_space<vmem>>, vector<16xi32>,
      tpu.vector_store %arg6[%swap3A_237, %swap3A_238], %gather3A_236 {strides = array<i32>} : memref<26x512xi32, #tpu.memory_space<vmem>>, vector<16xi32>,
      %add3A_240 = arith.constant 8320 : i32
      %add3A_241 = arith.addi %add3A_81, %add3A_240 : i32
      %add3A_242 = vector.broadcast %add3A_241 : i32 to vector<16xi32>
      %add3A_243 = arith.addi %mul3A_7, %add3A_242 : vector<16xi32>
      %gather3A_244 = tpu.vector_load_idx %arg5[%add3A_243] : memref<13312xi32, #tpu.memory_space<vmem>>[vector<16xi32>], vector<16xi32>,
      %swap3A_245 = arith.index_cast %add3A_81 : i32 to index
      %swap3A_246 = arith.constant 320 : index
      %swap3A_247 = tpu.vector_load %arg6[%swap3A_245, %swap3A_246] {strides = array<i32>} : memref<26x512xi32, #tpu.memory_space<vmem>>, vector<16xi32>,
      tpu.vector_store %arg6[%swap3A_245, %swap3A_246], %gather3A_244 {strides = array<i32>} : memref<26x512xi32, #tpu.memory_space<vmem>>, vector<16xi32>,
      %add3A_248 = arith.constant 8736 : i32
      %add3A_249 = arith.addi %add3A_81, %add3A_248 : i32
      %add3A_250 = vector.broadcast %add3A_249 : i32 to vector<16xi32>
      %add3A_251 = arith.addi %mul3A_7, %add3A_250 : vector<16xi32>
      %gather3A_252 = tpu.vector_load_idx %arg5[%add3A_251] : memref<13312xi32, #tpu.memory_space<vmem>>[vector<16xi32>], vector<16xi32>,
      %swap3A_253 = arith.index_cast %add3A_81 : i32 to index
      %swap3A_254 = arith.constant 336 : index
      %swap3A_255 = tpu.vector_load %arg6[%swap3A_253, %swap3A_254] {strides = array<i32>} : memref<26x512xi32, #tpu.memory_space<vmem>>, vector<16xi32>,
      tpu.vector_store %arg6[%swap3A_253, %swap3A_254], %gather3A_252 {strides = array<i32>} : memref<26x512xi32, #tpu.memory_space<vmem>>, vector<16xi32>,
      %add3A_256 = arith.constant 9152 : i32
      %add3A_257 = arith.addi %add3A_81, %add3A_256 : i32
      %add3A_258 = vector.broadcast %add3A_257 : i32 to vector<16xi32>
      %add3A_259 = arith.addi %mul3A_7, %add3A_258 : vector<16xi32>
      %gather3A_260 = tpu.vector_load_idx %arg5[%add3A_259] : memref<13312xi32, #tpu.memory_space<vmem>>[vector<16xi32>], vector<16xi32>,
      %swap3A_261 = arith.index_cast %add3A_81 : i32 to index
      %swap3A_262 = arith.constant 352 : index
      %swap3A_263 = tpu.vector_load %arg6[%swap3A_261, %swap3A_262] {strides = array<i32>} : memref<26x512xi32, #tpu.memory_space<vmem>>, vector<16xi32>,
      tpu.vector_store %arg6[%swap3A_261, %swap3A_262], %gather3A_260 {strides = array<i32>} : memref<26x512xi32, #tpu.memory_space<vmem>>, vector<16xi32>,
      %add3A_264 = arith.constant 9568 : i32
      %add3A_265 = arith.addi %add3A_81, %add3A_264 : i32
      %add3A_266 = vector.broadcast %add3A_265 : i32 to vector<16xi32>
      %add3A_267 = arith.addi %mul3A_7, %add3A_266 : vector<16xi32>
      %gather3A_268 = tpu.vector_load_idx %arg5[%add3A_267] : memref<13312xi32, #tpu.memory_space<vmem>>[vector<16xi32>], vector<16xi32>,
      %swap3A_269 = arith.index_cast %add3A_81 : i32 to index
      %swap3A_270 = arith.constant 368 : index
      %swap3A_271 = tpu.vector_load %arg6[%swap3A_269, %swap3A_270] {strides = array<i32>} : memref<26x512xi32, #tpu.memory_space<vmem>>, vector<16xi32>,
      tpu.vector_store %arg6[%swap3A_269, %swap3A_270], %gather3A_268 {strides = array<i32>} : memref<26x512xi32, #tpu.memory_space<vmem>>, vector<16xi32>,
      %add3A_272 = arith.constant 9984 : i32
      %add3A_273 = arith.addi %add3A_81, %add3A_272 : i32
      %add3A_274 = vector.broadcast %add3A_273 : i32 to vector<16xi32>
      %add3A_275 = arith.addi %mul3A_7, %add3A_274 : vector<16xi32>
      %gather3A_276 = tpu.vector_load_idx %arg5[%add3A_275] : memref<13312xi32, #tpu.memory_space<vmem>>[vector<16xi32>], vector<16xi32>,
      %swap3A_277 = arith.index_cast %add3A_81 : i32 to index
      %swap3A_278 = arith.constant 384 : index
      %swap3A_279 = tpu.vector_load %arg6[%swap3A_277, %swap3A_278] {strides = array<i32>} : memref<26x512xi32, #tpu.memory_space<vmem>>, vector<16xi32>,
      tpu.vector_store %arg6[%swap3A_277, %swap3A_278], %gather3A_276 {strides = array<i32>} : memref<26x512xi32, #tpu.memory_space<vmem>>, vector<16xi32>,
      %add3A_280 = arith.constant 10400 : i32
      %add3A_281 = arith.addi %add3A_81, %add3A_280 : i32
      %add3A_282 = vector.broadcast %add3A_281 : i32 to vector<16xi32>
      %add3A_283 = arith.addi %mul3A_7, %add3A_282 : vector<16xi32>
      %gather3A_284 = tpu.vector_load_idx %arg5[%add3A_283] : memref<13312xi32, #tpu.memory_space<vmem>>[vector<16xi32>], vector<16xi32>,
      %swap3A_285 = arith.index_cast %add3A_81 : i32 to index
      %swap3A_286 = arith.constant 400 : index
      %swap3A_287 = tpu.vector_load %arg6[%swap3A_285, %swap3A_286] {strides = array<i32>} : memref<26x512xi32, #tpu.memory_space<vmem>>, vector<16xi32>,
      tpu.vector_store %arg6[%swap3A_285, %swap3A_286], %gather3A_284 {strides = array<i32>} : memref<26x512xi32, #tpu.memory_space<vmem>>, vector<16xi32>,
      %add3A_288 = arith.constant 10816 : i32
      %add3A_289 = arith.addi %add3A_81, %add3A_288 : i32
      %add3A_290 = vector.broadcast %add3A_289 : i32 to vector<16xi32>
      %add3A_291 = arith.addi %mul3A_7, %add3A_290 : vector<16xi32>
      %gather3A_292 = tpu.vector_load_idx %arg5[%add3A_291] : memref<13312xi32, #tpu.memory_space<vmem>>[vector<16xi32>], vector<16xi32>,
      %swap3A_293 = arith.index_cast %add3A_81 : i32 to index
      %swap3A_294 = arith.constant 416 : index
      %swap3A_295 = tpu.vector_load %arg6[%swap3A_293, %swap3A_294] {strides = array<i32>} : memref<26x512xi32, #tpu.memory_space<vmem>>, vector<16xi32>,
      tpu.vector_store %arg6[%swap3A_293, %swap3A_294], %gather3A_292 {strides = array<i32>} : memref<26x512xi32, #tpu.memory_space<vmem>>, vector<16xi32>,
      %add3A_296 = arith.constant 11232 : i32
      %add3A_297 = arith.addi %add3A_81, %add3A_296 : i32
      %add3A_298 = vector.broadcast %add3A_297 : i32 to vector<16xi32>
      %add3A_299 = arith.addi %mul3A_7, %add3A_298 : vector<16xi32>
      %gather3A_300 = tpu.vector_load_idx %arg5[%add3A_299] : memref<13312xi32, #tpu.memory_space<vmem>>[vector<16xi32>], vector<16xi32>,
      %swap3A_301 = arith.index_cast %add3A_81 : i32 to index
      %swap3A_302 = arith.constant 432 : index
      %swap3A_303 = tpu.vector_load %arg6[%swap3A_301, %swap3A_302] {strides = array<i32>} : memref<26x512xi32, #tpu.memory_space<vmem>>, vector<16xi32>,
      tpu.vector_store %arg6[%swap3A_301, %swap3A_302], %gather3A_300 {strides = array<i32>} : memref<26x512xi32, #tpu.memory_space<vmem>>, vector<16xi32>,
      %add3A_304 = arith.constant 11648 : i32
      %add3A_305 = arith.addi %add3A_81, %add3A_304 : i32
      %add3A_306 = vector.broadcast %add3A_305 : i32 to vector<16xi32>
      %add3A_307 = arith.addi %mul3A_7, %add3A_306 : vector<16xi32>
      %gather3A_308 = tpu.vector_load_idx %arg5[%add3A_307] : memref<13312xi32, #tpu.memory_space<vmem>>[vector<16xi32>], vector<16xi32>,
      %swap3A_309 = arith.index_cast %add3A_81 : i32 to index
      %swap3A_310 = arith.constant 448 : index
      %swap3A_311 = tpu.vector_load %arg6[%swap3A_309, %swap3A_310] {strides = array<i32>} : memref<26x512xi32, #tpu.memory_space<vmem>>, vector<16xi32>,
      tpu.vector_store %arg6[%swap3A_309, %swap3A_310], %gather3A_308 {strides = array<i32>} : memref<26x512xi32, #tpu.memory_space<vmem>>, vector<16xi32>,
      %add3A_312 = arith.constant 12064 : i32
      %add3A_313 = arith.addi %add3A_81, %add3A_312 : i32
      %add3A_314 = vector.broadcast %add3A_313 : i32 to vector<16xi32>
      %add3A_315 = arith.addi %mul3A_7, %add3A_314 : vector<16xi32>
      %gather3A_316 = tpu.vector_load_idx %arg5[%add3A_315] : memref<13312xi32, #tpu.memory_space<vmem>>[vector<16xi32>], vector<16xi32>,
      %swap3A_317 = arith.index_cast %add3A_81 : i32 to index
      %swap3A_318 = arith.constant 464 : index
      %swap3A_319 = tpu.vector_load %arg6[%swap3A_317, %swap3A_318] {strides = array<i32>} : memref<26x512xi32, #tpu.memory_space<vmem>>, vector<16xi32>,
      tpu.vector_store %arg6[%swap3A_317, %swap3A_318], %gather3A_316 {strides = array<i32>} : memref<26x512xi32, #tpu.memory_space<vmem>>, vector<16xi32>,
      %add3A_320 = arith.constant 12480 : i32
      %add3A_321 = arith.addi %add3A_81, %add3A_320 : i32
      %add3A_322 = vector.broadcast %add3A_321 : i32 to vector<16xi32>
      %add3A_323 = arith.addi %mul3A_7, %add3A_322 : vector<16xi32>
      %gather3A_324 = tpu.vector_load_idx %arg5[%add3A_323] : memref<13312xi32, #tpu.memory_space<vmem>>[vector<16xi32>], vector<16xi32>,
      %swap3A_325 = arith.index_cast %add3A_81 : i32 to index
      %swap3A_326 = arith.constant 480 : index
      %swap3A_327 = tpu.vector_load %arg6[%swap3A_325, %swap3A_326] {strides = array<i32>} : memref<26x512xi32, #tpu.memory_space<vmem>>, vector<16xi32>,
      tpu.vector_store %arg6[%swap3A_325, %swap3A_326], %gather3A_324 {strides = array<i32>} : memref<26x512xi32, #tpu.memory_space<vmem>>, vector<16xi32>,
      %add3A_328 = arith.constant 12896 : i32
      %add3A_329 = arith.addi %add3A_81, %add3A_328 : i32
      %add3A_330 = vector.broadcast %add3A_329 : i32 to vector<16xi32>
      %add3A_331 = arith.addi %mul3A_7, %add3A_330 : vector<16xi32>
      %gather3A_332 = tpu.vector_load_idx %arg5[%add3A_331] : memref<13312xi32, #tpu.memory_space<vmem>>[vector<16xi32>], vector<16xi32>,
      %swap3A_333 = arith.index_cast %add3A_81 : i32 to index
      %swap3A_334 = arith.constant 496 : index
      %swap3A_335 = tpu.vector_load %arg6[%swap3A_333, %swap3A_334] {strides = array<i32>} : memref<26x512xi32, #tpu.memory_space<vmem>>, vector<16xi32>,
      tpu.vector_store %arg6[%swap3A_333, %swap3A_334], %gather3A_332 {strides = array<i32>} : memref<26x512xi32, #tpu.memory_space<vmem>>, vector<16xi32>,
    }
    %scan3A_11 = arith.constant 26 : i32
    %shift_right_logical3A = arith.constant 3 : i32
    %shift_right_logical3A_12 = vector.broadcast %shift_right_logical3A : i32 to vector<16xi32>
    %shift_right_logical3A_13 = arith.shrui %iota3A, %shift_right_logical3A_12 : vector<16xi32>
    %add3A_14 = arith.constant 2 : i32
    %add3A_15 = vector.broadcast %add3A_14 : i32 to vector<16xi32>
    %add3A_16 = arith.addi %shift_right_logical3A_13, %add3A_15 : vector<16xi32>
    %and3A = arith.constant 7 : i32
    %and3A_17 = vector.broadcast %and3A : i32 to vector<16xi32>
    %and3A_18 = arith.andi %iota3A, %and3A_17 : vector<16xi32>
    %mul3A_19 = arith.constant 128 : i32
    %mul3A_20 = vector.broadcast %mul3A_19 : i32 to vector<16xi32>
    %mul3A_21 = arith.muli %and3A_18, %mul3A_20 : vector<16xi32>
    %dma_start3A = arith.constant 0 : i32
    %dma_start3A_22 = arith.constant 0 : i32
    %dma_start3A_23 = arith.constant 0 : i32
    %dma_start3A_24 = arith.constant 0 : i32
    %dma_start3A_25 = tpu.memref_slice %arg7[%dma_start3A_22, %dma_start3A_23, %dma_start3A_24] : memref<2x512x32xf32, #tpu.memory_space<vmem>> -> memref<1x512x32xf32, #tpu.memory_space<vmem>>
    %dma_start3A_26 = tpu.memref_squeeze %dma_start3A_25 : memref<1x512x32xf32, #tpu.memory_space<vmem>> -> memref<512x32xf32, #tpu.memory_space<vmem>>
    %dma_start3A_27 = arith.constant 0 : i32
    %dma_start3A_28 = tpu.memref_slice %arg6[%dma_start3A, %dma_start3A_27] : memref<26x512xi32, #tpu.memory_space<vmem>> -> memref<1x512xi32, #tpu.memory_space<vmem>>
    %dma_start3A_29 = tpu.memref_squeeze %dma_start3A_28 : memref<1x512xi32, #tpu.memory_space<vmem>> -> memref<512xi32, #tpu.memory_space<vmem>>
    %dma_start3A_30 = arith.constant 0 : i32
    %dma_start3A_31 = arith.constant 0 : i32
    %dma_start3A_32 = tpu.memref_slice %arg3[%dma_start3A_30, %dma_start3A_31] : memref<1000000x32xf32, #tpu.memory_space<hbm>> -> memref<1000000x32xf32, #tpu.memory_space<hbm>>
    tpu.enqueue_indirect_dma source(%dma_start3A_32 : memref<1000000x32xf32, #tpu.memory_space<hbm>>) target(%dma_start3A_26 : memref<512x32xf32, #tpu.memory_space<vmem>>) offsets(%dma_start3A_29 : memref<512xi32, #tpu.memory_space<vmem>>) semaphore(%arg9 : memref<!tpu.dma_semaphore, #tpu.memory_space<semaphore_mem>>)
    %scan3A_33 = arith.constant 0 : i32
    %scan3A_34 = arith.constant 13 : i32
    %scan3A_35 = arith.addi %scan3A_33, %scan3A_34 : i32
    %scan3A_36 = arith.constant 1 : i32
    scf.for %scan3A_77 = %scan3A_33 to %scan3A_35 step %scan3A_36  : i32 {
      %mul3A_78 = arith.constant 1 : i32
      %mul3A_79 = arith.muli %scan3A_77, %mul3A_78 : i32
      %add3A_80 = arith.constant 0 : i32
      %add3A_81 = arith.addi %add3A_80, %mul3A_79 : i32
      %mul3A_82 = arith.constant 2 : i32
      %mul3A_83 = arith.muli %mul3A_82, %add3A_81 : i32
      %add3A_84 = arith.constant 1 : i32
      %add3A_85 = arith.addi %mul3A_83, %add3A_84 : i32
      %dma_start3A_86 = arith.constant 1 : i32
      %dma_start3A_87 = arith.constant 0 : i32
      %dma_start3A_88 = arith.constant 0 : i32
      %dma_start3A_89 = tpu.memref_slice %arg7[%dma_start3A_86, %dma_start3A_87, %dma_start3A_88] : memref<2x512x32xf32, #tpu.memory_space<vmem>> -> memref<1x512x32xf32, #tpu.memory_space<vmem>>
      %dma_start3A_90 = tpu.memref_squeeze %dma_start3A_89 : memref<1x512x32xf32, #tpu.memory_space<vmem>> -> memref<512x32xf32, #tpu.memory_space<vmem>>
      %dma_start3A_91 = arith.constant 0 : i32
      %dma_start3A_92 = tpu.memref_slice %arg6[%add3A_85, %dma_start3A_91] : memref<26x512xi32, #tpu.memory_space<vmem>> -> memref<1x512xi32, #tpu.memory_space<vmem>>
      %dma_start3A_93 = tpu.memref_squeeze %dma_start3A_92 : memref<1x512xi32, #tpu.memory_space<vmem>> -> memref<512xi32, #tpu.memory_space<vmem>>
      %dma_start3A_94 = arith.constant 0 : i32
      %dma_start3A_95 = arith.constant 0 : i32
      %dma_start3A_96 = tpu.memref_slice %arg3[%dma_start3A_94, %dma_start3A_95] : memref<1000000x32xf32, #tpu.memory_space<hbm>> -> memref<1000000x32xf32, #tpu.memory_space<hbm>>
      tpu.enqueue_indirect_dma source(%dma_start3A_96 : memref<1000000x32xf32, #tpu.memory_space<hbm>>) target(%dma_start3A_90 : memref<512x32xf32, #tpu.memory_space<vmem>>) offsets(%dma_start3A_93 : memref<512xi32, #tpu.memory_space<vmem>>) semaphore(%arg10 : memref<!tpu.dma_semaphore, #tpu.memory_space<semaphore_mem>>)
      %dma_wait3A_97 = arith.constant 0 : i32
      %dma_wait3A_98 = arith.constant 0 : i32
      %dma_wait3A_99 = arith.constant 0 : i32
      %dma_wait3A_100 = tpu.memref_slice %arg7[%dma_wait3A_97, %dma_wait3A_98, %dma_wait3A_99] : memref<2x512x32xf32, #tpu.memory_space<vmem>> -> memref<1x512x32xf32, #tpu.memory_space<vmem>>
      %dma_wait3A_101 = tpu.memref_squeeze %dma_wait3A_100 : memref<1x512x32xf32, #tpu.memory_space<vmem>> -> memref<512x32xf32, #tpu.memory_space<vmem>>
      %dma_wait3A_102 = arith.constant 0 : i32
      %dma_wait3A_103 = tpu.memref_slice %arg6[%mul3A_83, %dma_wait3A_102] : memref<26x512xi32, #tpu.memory_space<vmem>> -> memref<1x512xi32, #tpu.memory_space<vmem>>
      %dma_wait3A_104 = tpu.memref_squeeze %dma_wait3A_103 : memref<1x512xi32, #tpu.memory_space<vmem>> -> memref<512xi32, #tpu.memory_space<vmem>>
      %dma_wait3A_105 = arith.constant 0 : i32
      %dma_wait3A_106 = arith.constant 0 : i32
      %dma_wait3A_107 = tpu.memref_slice %arg3[%dma_wait3A_105, %dma_wait3A_106] : memref<1000000x32xf32, #tpu.memory_space<hbm>> -> memref<1000000x32xf32, #tpu.memory_space<hbm>>
      tpu.wait_indirect_dma semaphore(%arg9 : memref<!tpu.dma_semaphore, #tpu.memory_space<semaphore_mem>>) src(%dma_wait3A_107 : memref<1000000x32xf32, #tpu.memory_space<hbm>>) dst(%dma_wait3A_101 : memref<512x32xf32, #tpu.memory_space<vmem>>)
      %gt3A = arith.constant 0 : i32
      %gt3A_108 = arith.cmpi sgt, %add3A_81, %gt3A : i32
      %convert_element_type3A = arith.extui %gt3A_108 : i1 to i32
      %cond3A = arith.constant 0 : i32
      %cond3A_109 = arith.cmpi ne, %convert_element_type3A, %cond3A : i32
      scf.if %cond3A_109 {
        %sub3A = arith.constant 2 : i32
        %sub3A_175 = arith.subi %mul3A_83, %sub3A : i32
        %dma_wait3A_176 = arith.constant 0 : i32
        %dma_wait3A_177 = arith.constant 0 : i32
        %dma_wait3A_178 = arith.constant 0 : i32
        %dma_wait3A_179 = arith.constant 0 : i32
        %dma_wait3A_180 = tpu.memref_slice %arg8[%dma_wait3A_176, %dma_wait3A_177, %dma_wait3A_178, %dma_wait3A_179] : memref<2x4x4x1024xf32, #tpu.memory_space<vmem>> -> memref<1x4x4x1024xf32, #tpu.memory_space<vmem>>
        %dma_wait3A_181 = tpu.memref_squeeze %dma_wait3A_180 : memref<1x4x4x1024xf32, #tpu.memory_space<vmem>> -> memref<4x4x1024xf32, #tpu.memory_space<vmem>>
        %dma_wait3A_182 = arith.constant 0 : i32
        %dma_wait3A_183 = arith.constant 0 : i32
        %dma_wait3A_184 = tpu.memref_slice %arg4[%sub3A_175, %dma_wait3A_182, %mul3A_4, %dma_wait3A_183] : memref<26x4x128x1024xf32, #tpu.memory_space<hbm>> -> memref<1x4x4x1024xf32, #tpu.memory_space<hbm>>
        %dma_wait3A_185 = tpu.memref_squeeze %dma_wait3A_184 : memref<1x4x4x1024xf32, #tpu.memory_space<hbm>> -> memref<4x4x1024xf32, #tpu.memory_space<hbm>>
        %dma_wait3A_186 = arith.constant 0 : i32
        %dma_wait3A_187 = arith.constant 0 : i32
        %dma_wait3A_188 = tpu.memref_slice %arg4[%sub3A_175, %dma_wait3A_186, %mul3A_4, %dma_wait3A_187] : memref<26x4x128x1024xf32, #tpu.memory_space<hbm>> -> memref<1x4x4x1024xf32, #tpu.memory_space<hbm>>
        %dma_wait3A_189 = tpu.memref_squeeze %dma_wait3A_188 : memref<1x4x4x1024xf32, #tpu.memory_space<hbm>> -> memref<4x4x1024xf32, #tpu.memory_space<hbm>>
        %dma_wait3A_190 = arith.constant 0 : i32
        %dma_wait3A_191 = arith.constant 0 : i32
        %dma_wait3A_192 = arith.constant 0 : i32
        %dma_wait3A_193 = tpu.memref_slice %arg8[%dma_wait3A_176, %dma_wait3A_190, %dma_wait3A_191, %dma_wait3A_192] : memref<2x4x4x1024xf32, #tpu.memory_space<vmem>> -> memref<1x4x4x1024xf32, #tpu.memory_space<vmem>>
        %dma_wait3A_194 = tpu.memref_squeeze %dma_wait3A_193 : memref<1x4x4x1024xf32, #tpu.memory_space<vmem>> -> memref<4x4x1024xf32, #tpu.memory_space<vmem>>
        tpu.wait_dma2 semaphore(%arg11 : memref<!tpu.dma_semaphore, #tpu.memory_space<semaphore_mem>>) src(%dma_wait3A_194 : memref<4x4x1024xf32, #tpu.memory_space<vmem>>) dst(%dma_wait3A_189 : memref<4x4x1024xf32, #tpu.memory_space<hbm>>)
      } else {
      }
      %parallel_loop3A = arith.constant 0 : i32
      %parallel_loop3A_110 = arith.constant 32 : i32
      %parallel_loop3A_111 = arith.constant 1 : i32
      %parallel_loop3A_112 = arith.constant 0 : i32
      scf.for %parallel_loop3A_175 = %parallel_loop3A to %parallel_loop3A_110 step %parallel_loop3A_111  : i32 {
        %parallel_loop3A_176 = arith.constant 3 : i32
        %parallel_loop3A_177 = arith.shrui %parallel_loop3A_175, %parallel_loop3A_176 : i32
        %parallel_loop3A_178 = arith.constant 7 : i32
        %parallel_loop3A_179 = arith.andi %parallel_loop3A_175, %parallel_loop3A_178 : i32
        %parallel_loop3A_180 = arith.constant 16 : i32
        %parallel_loop3A_181 = arith.muli %parallel_loop3A_179, %parallel_loop3A_180 : i32
        %parallel_loop3A_182 = vector.broadcast %parallel_loop3A_177 : i32 to vector<16xi32>
        %parallel_loop3A_183 = vector.broadcast %parallel_loop3A_181 : i32 to vector<16xi32>
        %parallel_loop3A_184 = arith.addi %mul3A_21, %parallel_loop3A_183 : vector<16xi32>
        %parallel_loop3A_185 = arith.constant 16 : i32
        %parallel_loop3A_186 = arith.muli %parallel_loop3A_185, %parallel_loop3A_175 : i32
        %parallel_loop3A_187 = arith.constant 0 : i32
        %parallel_loop3A_188 = arith.addi %parallel_loop3A_186, %parallel_loop3A_187 : i32
        %parallel_loop3A_189 = arith.constant 0 : i32
        %parallel_loop3A_190 = vector.broadcast %parallel_loop3A_189 : i32 to vector<16xi32>
        %parallel_loop3A_191 = arith.addi %parallel_loop3A_184, %parallel_loop3A_190 : vector<16xi32>
        %parallel_loop3A_192 = arith.constant 0 : i32
        %parallel_loop3A_193 = arith.index_cast %parallel_loop3A_192 : i32 to index
        %parallel_loop3A_194 = arith.index_cast %parallel_loop3A_188 : i32 to index
        %parallel_loop3A_195 = arith.constant 0 : index
        %parallel_loop3A_196 = tpu.vector_load %arg7[%parallel_loop3A_193, %parallel_loop3A_194, %parallel_loop3A_195] {strides = array<i32>} : memref<2x512x32xf32, #tpu.memory_space<vmem>>, vector<16xf32>,
        %parallel_loop3A_197 = arith.constant 0 : i32
        %parallel_loop3A_198 = arith.index_cast %parallel_loop3A_197 : i32 to index
        %parallel_loop3A_199 = arith.index_cast %parallel_loop3A_188 : i32 to index
        %parallel_loop3A_200 = arith.constant 16 : index
        %parallel_loop3A_201 = tpu.vector_load %arg7[%parallel_loop3A_198, %parallel_loop3A_199, %parallel_loop3A_200] {strides = array<i32>} : memref<2x512x32xf32, #tpu.memory_space<vmem>>, vector<16xf32>,
        %parallel_loop3A_202 = arith.constant 0 : i32
        %parallel_loop3A_203 = arith.constant 0 : i32
        %parallel_loop3A_204 = arith.constant 0 : i32
        %parallel_loop3A_205 = tpu.memref_slice %arg8[%parallel_loop3A_112, %parallel_loop3A_202, %parallel_loop3A_203, %parallel_loop3A_204] : memref<2x4x4x1024xf32, #tpu.memory_space<vmem>> -> memref<1x4x4x1024xf32, #tpu.memory_space<vmem>>
        %parallel_loop3A_206 = tpu.memref_squeeze %parallel_loop3A_205 : memref<1x4x4x1024xf32, #tpu.memory_space<vmem>> -> memref<4x4x1024xf32, #tpu.memory_space<vmem>>
        tpu.vector_store_idx %parallel_loop3A_206[%shift_right_logical3A_13, %parallel_loop3A_182, %parallel_loop3A_191], %parallel_loop3A_196 : memref<4x4x1024xf32, #tpu.memory_space<vmem>>[vector<16xi32>, vector<16xi32>, vector<16xi32>], vector<16xf32>,
        %parallel_loop3A_207 = arith.constant 0 : i32
        %parallel_loop3A_208 = arith.constant 0 : i32
        %parallel_loop3A_209 = arith.constant 0 : i32
        %parallel_loop3A_210 = tpu.memref_slice %arg8[%parallel_loop3A_112, %parallel_loop3A_207, %parallel_loop3A_208, %parallel_loop3A_209] : memref<2x4x4x1024xf32, #tpu.memory_space<vmem>> -> memref<1x4x4x1024xf32, #tpu.memory_space<vmem>>
        %parallel_loop3A_211 = tpu.memref_squeeze %parallel_loop3A_210 : memref<1x4x4x1024xf32, #tpu.memory_space<vmem>> -> memref<4x4x1024xf32, #tpu.memory_space<vmem>>
        tpu.vector_store_idx %parallel_loop3A_211[%add3A_16, %parallel_loop3A_182, %parallel_loop3A_191], %parallel_loop3A_201 : memref<4x4x1024xf32, #tpu.memory_space<vmem>>[vector<16xi32>, vector<16xi32>, vector<16xi32>], vector<16xf32>,
        %parallel_loop3A_212 = arith.constant 16 : i32
        %parallel_loop3A_213 = arith.muli %parallel_loop3A_212, %parallel_loop3A_175 : i32
        %parallel_loop3A_214 = arith.constant 1 : i32
        %parallel_loop3A_215 = arith.addi %parallel_loop3A_213, %parallel_loop3A_214 : i32
        %parallel_loop3A_216 = arith.constant 1 : i32
        %parallel_loop3A_217 = vector.broadcast %parallel_loop3A_216 : i32 to vector<16xi32>
        %parallel_loop3A_218 = arith.addi %parallel_loop3A_184, %parallel_loop3A_217 : vector<16xi32>
        %parallel_loop3A_219 = arith.constant 0 : i32
        %parallel_loop3A_220 = arith.index_cast %parallel_loop3A_219 : i32 to index
        %parallel_loop3A_221 = arith.index_cast %parallel_loop3A_215 : i32 to index
        %parallel_loop3A_222 = arith.constant 0 : index
        %parallel_loop3A_223 = tpu.vector_load %arg7[%parallel_loop3A_220, %parallel_loop3A_221, %parallel_loop3A_222] {strides = array<i32>} : memref<2x512x32xf32, #tpu.memory_space<vmem>>, vector<16xf32>,
        %parallel_loop3A_224 = arith.constant 0 : i32
        %parallel_loop3A_225 = arith.index_cast %parallel_loop3A_224 : i32 to index
        %parallel_loop3A_226 = arith.index_cast %parallel_loop3A_215 : i32 to index
        %parallel_loop3A_227 = arith.constant 16 : index
        %parallel_loop3A_228 = tpu.vector_load %arg7[%parallel_loop3A_225, %parallel_loop3A_226, %parallel_loop3A_227] {strides = array<i32>} : memref<2x512x32xf32, #tpu.memory_space<vmem>>, vector<16xf32>,
        %parallel_loop3A_229 = arith.constant 0 : i32
        %parallel_loop3A_230 = arith.constant 0 : i32
        %parallel_loop3A_231 = arith.constant 0 : i32
        %parallel_loop3A_232 = tpu.memref_slice %arg8[%parallel_loop3A_112, %parallel_loop3A_229, %parallel_loop3A_230, %parallel_loop3A_231] : memref<2x4x4x1024xf32, #tpu.memory_space<vmem>> -> memref<1x4x4x1024xf32, #tpu.memory_space<vmem>>
        %parallel_loop3A_233 = tpu.memref_squeeze %parallel_loop3A_232 : memref<1x4x4x1024xf32, #tpu.memory_space<vmem>> -> memref<4x4x1024xf32, #tpu.memory_space<vmem>>
        tpu.vector_store_idx %parallel_loop3A_233[%shift_right_logical3A_13, %parallel_loop3A_182, %parallel_loop3A_218], %parallel_loop3A_223 : memref<4x4x1024xf32, #tpu.memory_space<vmem>>[vector<16xi32>, vector<16xi32>, vector<16xi32>], vector<16xf32>,
        %parallel_loop3A_234 = arith.constant 0 : i32
        %parallel_loop3A_235 = arith.constant 0 : i32
        %parallel_loop3A_236 = arith.constant 0 : i32
        %parallel_loop3A_237 = tpu.memref_slice %arg8[%parallel_loop3A_112, %parallel_loop3A_234, %parallel_loop3A_235, %parallel_loop3A_236] : memref<2x4x4x1024xf32, #tpu.memory_space<vmem>> -> memref<1x4x4x1024xf32, #tpu.memory_space<vmem>>
        %parallel_loop3A_238 = tpu.memref_squeeze %parallel_loop3A_237 : memref<1x4x4x1024xf32, #tpu.memory_space<vmem>> -> memref<4x4x1024xf32, #tpu.memory_space<vmem>>
        tpu.vector_store_idx %parallel_loop3A_238[%add3A_16, %parallel_loop3A_182, %parallel_loop3A_218], %parallel_loop3A_228 : memref<4x4x1024xf32, #tpu.memory_space<vmem>>[vector<16xi32>, vector<16xi32>, vector<16xi32>], vector<16xf32>,
        %parallel_loop3A_239 = arith.constant 16 : i32
        %parallel_loop3A_240 = arith.muli %parallel_loop3A_239, %parallel_loop3A_175 : i32
        %parallel_loop3A_241 = arith.constant 2 : i32
        %parallel_loop3A_242 = arith.addi %parallel_loop3A_240, %parallel_loop3A_241 : i32
        %parallel_loop3A_243 = arith.constant 2 : i32
        %parallel_loop3A_244 = vector.broadcast %parallel_loop3A_243 : i32 to vector<16xi32>
        %parallel_loop3A_245 = arith.addi %parallel_loop3A_184, %parallel_loop3A_244 : vector<16xi32>
        %parallel_loop3A_246 = arith.constant 0 : i32
        %parallel_loop3A_247 = arith.index_cast %parallel_loop3A_246 : i32 to index
        %parallel_loop3A_248 = arith.index_cast %parallel_loop3A_242 : i32 to index
        %parallel_loop3A_249 = arith.constant 0 : index
        %parallel_loop3A_250 = tpu.vector_load %arg7[%parallel_loop3A_247, %parallel_loop3A_248, %parallel_loop3A_249] {strides = array<i32>} : memref<2x512x32xf32, #tpu.memory_space<vmem>>, vector<16xf32>,
        %parallel_loop3A_251 = arith.constant 0 : i32
        %parallel_loop3A_252 = arith.index_cast %parallel_loop3A_251 : i32 to index
        %parallel_loop3A_253 = arith.index_cast %parallel_loop3A_242 : i32 to index
        %parallel_loop3A_254 = arith.constant 16 : index
        %parallel_loop3A_255 = tpu.vector_load %arg7[%parallel_loop3A_252, %parallel_loop3A_253, %parallel_loop3A_254] {strides = array<i32>} : memref<2x512x32xf32, #tpu.memory_space<vmem>>, vector<16xf32>,
        %parallel_loop3A_256 = arith.constant 0 : i32
        %parallel_loop3A_257 = arith.constant 0 : i32
        %parallel_loop3A_258 = arith.constant 0 : i32
        %parallel_loop3A_259 = tpu.memref_slice %arg8[%parallel_loop3A_112, %parallel_loop3A_256, %parallel_loop3A_257, %parallel_loop3A_258] : memref<2x4x4x1024xf32, #tpu.memory_space<vmem>> -> memref<1x4x4x1024xf32, #tpu.memory_space<vmem>>
        %parallel_loop3A_260 = tpu.memref_squeeze %parallel_loop3A_259 : memref<1x4x4x1024xf32, #tpu.memory_space<vmem>> -> memref<4x4x1024xf32, #tpu.memory_space<vmem>>
        tpu.vector_store_idx %parallel_loop3A_260[%shift_right_logical3A_13, %parallel_loop3A_182, %parallel_loop3A_245], %parallel_loop3A_250 : memref<4x4x1024xf32, #tpu.memory_space<vmem>>[vector<16xi32>, vector<16xi32>, vector<16xi32>], vector<16xf32>,
        %parallel_loop3A_261 = arith.constant 0 : i32
        %parallel_loop3A_262 = arith.constant 0 : i32
        %parallel_loop3A_263 = arith.constant 0 : i32
        %parallel_loop3A_264 = tpu.memref_slice %arg8[%parallel_loop3A_112, %parallel_loop3A_261, %parallel_loop3A_262, %parallel_loop3A_263] : memref<2x4x4x1024xf32, #tpu.memory_space<vmem>> -> memref<1x4x4x1024xf32, #tpu.memory_space<vmem>>
        %parallel_loop3A_265 = tpu.memref_squeeze %parallel_loop3A_264 : memref<1x4x4x1024xf32, #tpu.memory_space<vmem>> -> memref<4x4x1024xf32, #tpu.memory_space<vmem>>
        tpu.vector_store_idx %parallel_loop3A_265[%add3A_16, %parallel_loop3A_182, %parallel_loop3A_245], %parallel_loop3A_255 : memref<4x4x1024xf32, #tpu.memory_space<vmem>>[vector<16xi32>, vector<16xi32>, vector<16xi32>], vector<16xf32>,
        %parallel_loop3A_266 = arith.constant 16 : i32
        %parallel_loop3A_267 = arith.muli %parallel_loop3A_266, %parallel_loop3A_175 : i32
        %parallel_loop3A_268 = arith.constant 3 : i32
        %parallel_loop3A_269 = arith.addi %parallel_loop3A_267, %parallel_loop3A_268 : i32
        %parallel_loop3A_270 = arith.constant 3 : i32
        %parallel_loop3A_271 = vector.broadcast %parallel_loop3A_270 : i32 to vector<16xi32>
        %parallel_loop3A_272 = arith.addi %parallel_loop3A_184, %parallel_loop3A_271 : vector<16xi32>
        %parallel_loop3A_273 = arith.constant 0 : i32
        %parallel_loop3A_274 = arith.index_cast %parallel_loop3A_273 : i32 to index
        %parallel_loop3A_275 = arith.index_cast %parallel_loop3A_269 : i32 to index
        %parallel_loop3A_276 = arith.constant 0 : index
        %parallel_loop3A_277 = tpu.vector_load %arg7[%parallel_loop3A_274, %parallel_loop3A_275, %parallel_loop3A_276] {strides = array<i32>} : memref<2x512x32xf32, #tpu.memory_space<vmem>>, vector<16xf32>,
        %parallel_loop3A_278 = arith.constant 0 : i32
        %parallel_loop3A_279 = arith.index_cast %parallel_loop3A_278 : i32 to index
        %parallel_loop3A_280 = arith.index_cast %parallel_loop3A_269 : i32 to index
        %parallel_loop3A_281 = arith.constant 16 : index
        %parallel_loop3A_282 = tpu.vector_load %arg7[%parallel_loop3A_279, %parallel_loop3A_280, %parallel_loop3A_281] {strides = array<i32>} : memref<2x512x32xf32, #tpu.memory_space<vmem>>, vector<16xf32>,
        %parallel_loop3A_283 = arith.constant 0 : i32
        %parallel_loop3A_284 = arith.constant 0 : i32
        %parallel_loop3A_285 = arith.constant 0 : i32
        %parallel_loop3A_286 = tpu.memref_slice %arg8[%parallel_loop3A_112, %parallel_loop3A_283, %parallel_loop3A_284, %parallel_loop3A_285] : memref<2x4x4x1024xf32, #tpu.memory_space<vmem>> -> memref<1x4x4x1024xf32, #tpu.memory_space<vmem>>
        %parallel_loop3A_287 = tpu.memref_squeeze %parallel_loop3A_286 : memref<1x4x4x1024xf32, #tpu.memory_space<vmem>> -> memref<4x4x1024xf32, #tpu.memory_space<vmem>>
        tpu.vector_store_idx %parallel_loop3A_287[%shift_right_logical3A_13, %parallel_loop3A_182, %parallel_loop3A_272], %parallel_loop3A_277 : memref<4x4x1024xf32, #tpu.memory_space<vmem>>[vector<16xi32>, vector<16xi32>, vector<16xi32>], vector<16xf32>,
        %parallel_loop3A_288 = arith.constant 0 : i32
        %parallel_loop3A_289 = arith.constant 0 : i32
        %parallel_loop3A_290 = arith.constant 0 : i32
        %parallel_loop3A_291 = tpu.memref_slice %arg8[%parallel_loop3A_112, %parallel_loop3A_288, %parallel_loop3A_289, %parallel_loop3A_290] : memref<2x4x4x1024xf32, #tpu.memory_space<vmem>> -> memref<1x4x4x1024xf32, #tpu.memory_space<vmem>>
        %parallel_loop3A_292 = tpu.memref_squeeze %parallel_loop3A_291 : memref<1x4x4x1024xf32, #tpu.memory_space<vmem>> -> memref<4x4x1024xf32, #tpu.memory_space<vmem>>
        tpu.vector_store_idx %parallel_loop3A_292[%add3A_16, %parallel_loop3A_182, %parallel_loop3A_272], %parallel_loop3A_282 : memref<4x4x1024xf32, #tpu.memory_space<vmem>>[vector<16xi32>, vector<16xi32>, vector<16xi32>], vector<16xf32>,
        %parallel_loop3A_293 = arith.constant 16 : i32
        %parallel_loop3A_294 = arith.muli %parallel_loop3A_293, %parallel_loop3A_175 : i32
        %parallel_loop3A_295 = arith.constant 4 : i32
        %parallel_loop3A_296 = arith.addi %parallel_loop3A_294, %parallel_loop3A_295 : i32
        %parallel_loop3A_297 = arith.constant 4 : i32
        %parallel_loop3A_298 = vector.broadcast %parallel_loop3A_297 : i32 to vector<16xi32>
        %parallel_loop3A_299 = arith.addi %parallel_loop3A_184, %parallel_loop3A_298 : vector<16xi32>
        %parallel_loop3A_300 = arith.constant 0 : i32
        %parallel_loop3A_301 = arith.index_cast %parallel_loop3A_300 : i32 to index
        %parallel_loop3A_302 = arith.index_cast %parallel_loop3A_296 : i32 to index
        %parallel_loop3A_303 = arith.constant 0 : index
        %parallel_loop3A_304 = tpu.vector_load %arg7[%parallel_loop3A_301, %parallel_loop3A_302, %parallel_loop3A_303] {strides = array<i32>} : memref<2x512x32xf32, #tpu.memory_space<vmem>>, vector<16xf32>,
        %parallel_loop3A_305 = arith.constant 0 : i32
        %parallel_loop3A_306 = arith.index_cast %parallel_loop3A_305 : i32 to index
        %parallel_loop3A_307 = arith.index_cast %parallel_loop3A_296 : i32 to index
        %parallel_loop3A_308 = arith.constant 16 : index
        %parallel_loop3A_309 = tpu.vector_load %arg7[%parallel_loop3A_306, %parallel_loop3A_307, %parallel_loop3A_308] {strides = array<i32>} : memref<2x512x32xf32, #tpu.memory_space<vmem>>, vector<16xf32>,
        %parallel_loop3A_310 = arith.constant 0 : i32
        %parallel_loop3A_311 = arith.constant 0 : i32
        %parallel_loop3A_312 = arith.constant 0 : i32
        %parallel_loop3A_313 = tpu.memref_slice %arg8[%parallel_loop3A_112, %parallel_loop3A_310, %parallel_loop3A_311, %parallel_loop3A_312] : memref<2x4x4x1024xf32, #tpu.memory_space<vmem>> -> memref<1x4x4x1024xf32, #tpu.memory_space<vmem>>
        %parallel_loop3A_314 = tpu.memref_squeeze %parallel_loop3A_313 : memref<1x4x4x1024xf32, #tpu.memory_space<vmem>> -> memref<4x4x1024xf32, #tpu.memory_space<vmem>>
        tpu.vector_store_idx %parallel_loop3A_314[%shift_right_logical3A_13, %parallel_loop3A_182, %parallel_loop3A_299], %parallel_loop3A_304 : memref<4x4x1024xf32, #tpu.memory_space<vmem>>[vector<16xi32>, vector<16xi32>, vector<16xi32>], vector<16xf32>,
        %parallel_loop3A_315 = arith.constant 0 : i32
        %parallel_loop3A_316 = arith.constant 0 : i32
        %parallel_loop3A_317 = arith.constant 0 : i32
        %parallel_loop3A_318 = tpu.memref_slice %arg8[%parallel_loop3A_112, %parallel_loop3A_315, %parallel_loop3A_316, %parallel_loop3A_317] : memref<2x4x4x1024xf32, #tpu.memory_space<vmem>> -> memref<1x4x4x1024xf32, #tpu.memory_space<vmem>>
        %parallel_loop3A_319 = tpu.memref_squeeze %parallel_loop3A_318 : memref<1x4x4x1024xf32, #tpu.memory_space<vmem>> -> memref<4x4x1024xf32, #tpu.memory_space<vmem>>
        tpu.vector_store_idx %parallel_loop3A_319[%add3A_16, %parallel_loop3A_182, %parallel_loop3A_299], %parallel_loop3A_309 : memref<4x4x1024xf32, #tpu.memory_space<vmem>>[vector<16xi32>, vector<16xi32>, vector<16xi32>], vector<16xf32>,
        %parallel_loop3A_320 = arith.constant 16 : i32
        %parallel_loop3A_321 = arith.muli %parallel_loop3A_320, %parallel_loop3A_175 : i32
        %parallel_loop3A_322 = arith.constant 5 : i32
        %parallel_loop3A_323 = arith.addi %parallel_loop3A_321, %parallel_loop3A_322 : i32
        %parallel_loop3A_324 = arith.constant 5 : i32
        %parallel_loop3A_325 = vector.broadcast %parallel_loop3A_324 : i32 to vector<16xi32>
        %parallel_loop3A_326 = arith.addi %parallel_loop3A_184, %parallel_loop3A_325 : vector<16xi32>
        %parallel_loop3A_327 = arith.constant 0 : i32
        %parallel_loop3A_328 = arith.index_cast %parallel_loop3A_327 : i32 to index
        %parallel_loop3A_329 = arith.index_cast %parallel_loop3A_323 : i32 to index
        %parallel_loop3A_330 = arith.constant 0 : index
        %parallel_loop3A_331 = tpu.vector_load %arg7[%parallel_loop3A_328, %parallel_loop3A_329, %parallel_loop3A_330] {strides = array<i32>} : memref<2x512x32xf32, #tpu.memory_space<vmem>>, vector<16xf32>,
        %parallel_loop3A_332 = arith.constant 0 : i32
        %parallel_loop3A_333 = arith.index_cast %parallel_loop3A_332 : i32 to index
        %parallel_loop3A_334 = arith.index_cast %parallel_loop3A_323 : i32 to index
        %parallel_loop3A_335 = arith.constant 16 : index
        %parallel_loop3A_336 = tpu.vector_load %arg7[%parallel_loop3A_333, %parallel_loop3A_334, %parallel_loop3A_335] {strides = array<i32>} : memref<2x512x32xf32, #tpu.memory_space<vmem>>, vector<16xf32>,
        %parallel_loop3A_337 = arith.constant 0 : i32
        %parallel_loop3A_338 = arith.constant 0 : i32
        %parallel_loop3A_339 = arith.constant 0 : i32
        %parallel_loop3A_340 = tpu.memref_slice %arg8[%parallel_loop3A_112, %parallel_loop3A_337, %parallel_loop3A_338, %parallel_loop3A_339] : memref<2x4x4x1024xf32, #tpu.memory_space<vmem>> -> memref<1x4x4x1024xf32, #tpu.memory_space<vmem>>
        %parallel_loop3A_341 = tpu.memref_squeeze %parallel_loop3A_340 : memref<1x4x4x1024xf32, #tpu.memory_space<vmem>> -> memref<4x4x1024xf32, #tpu.memory_space<vmem>>
        tpu.vector_store_idx %parallel_loop3A_341[%shift_right_logical3A_13, %parallel_loop3A_182, %parallel_loop3A_326], %parallel_loop3A_331 : memref<4x4x1024xf32, #tpu.memory_space<vmem>>[vector<16xi32>, vector<16xi32>, vector<16xi32>], vector<16xf32>,
        %parallel_loop3A_342 = arith.constant 0 : i32
        %parallel_loop3A_343 = arith.constant 0 : i32
        %parallel_loop3A_344 = arith.constant 0 : i32
        %parallel_loop3A_345 = tpu.memref_slice %arg8[%parallel_loop3A_112, %parallel_loop3A_342, %parallel_loop3A_343, %parallel_loop3A_344] : memref<2x4x4x1024xf32, #tpu.memory_space<vmem>> -> memref<1x4x4x1024xf32, #tpu.memory_space<vmem>>
        %parallel_loop3A_346 = tpu.memref_squeeze %parallel_loop3A_345 : memref<1x4x4x1024xf32, #tpu.memory_space<vmem>> -> memref<4x4x1024xf32, #tpu.memory_space<vmem>>
        tpu.vector_store_idx %parallel_loop3A_346[%add3A_16, %parallel_loop3A_182, %parallel_loop3A_326], %parallel_loop3A_336 : memref<4x4x1024xf32, #tpu.memory_space<vmem>>[vector<16xi32>, vector<16xi32>, vector<16xi32>], vector<16xf32>,
        %parallel_loop3A_347 = arith.constant 16 : i32
        %parallel_loop3A_348 = arith.muli %parallel_loop3A_347, %parallel_loop3A_175 : i32
        %parallel_loop3A_349 = arith.constant 6 : i32
        %parallel_loop3A_350 = arith.addi %parallel_loop3A_348, %parallel_loop3A_349 : i32
        %parallel_loop3A_351 = arith.constant 6 : i32
        %parallel_loop3A_352 = vector.broadcast %parallel_loop3A_351 : i32 to vector<16xi32>
        %parallel_loop3A_353 = arith.addi %parallel_loop3A_184, %parallel_loop3A_352 : vector<16xi32>
        %parallel_loop3A_354 = arith.constant 0 : i32
        %parallel_loop3A_355 = arith.index_cast %parallel_loop3A_354 : i32 to index
        %parallel_loop3A_356 = arith.index_cast %parallel_loop3A_350 : i32 to index
        %parallel_loop3A_357 = arith.constant 0 : index
        %parallel_loop3A_358 = tpu.vector_load %arg7[%parallel_loop3A_355, %parallel_loop3A_356, %parallel_loop3A_357] {strides = array<i32>} : memref<2x512x32xf32, #tpu.memory_space<vmem>>, vector<16xf32>,
        %parallel_loop3A_359 = arith.constant 0 : i32
        %parallel_loop3A_360 = arith.index_cast %parallel_loop3A_359 : i32 to index
        %parallel_loop3A_361 = arith.index_cast %parallel_loop3A_350 : i32 to index
        %parallel_loop3A_362 = arith.constant 16 : index
        %parallel_loop3A_363 = tpu.vector_load %arg7[%parallel_loop3A_360, %parallel_loop3A_361, %parallel_loop3A_362] {strides = array<i32>} : memref<2x512x32xf32, #tpu.memory_space<vmem>>, vector<16xf32>,
        %parallel_loop3A_364 = arith.constant 0 : i32
        %parallel_loop3A_365 = arith.constant 0 : i32
        %parallel_loop3A_366 = arith.constant 0 : i32
        %parallel_loop3A_367 = tpu.memref_slice %arg8[%parallel_loop3A_112, %parallel_loop3A_364, %parallel_loop3A_365, %parallel_loop3A_366] : memref<2x4x4x1024xf32, #tpu.memory_space<vmem>> -> memref<1x4x4x1024xf32, #tpu.memory_space<vmem>>
        %parallel_loop3A_368 = tpu.memref_squeeze %parallel_loop3A_367 : memref<1x4x4x1024xf32, #tpu.memory_space<vmem>> -> memref<4x4x1024xf32, #tpu.memory_space<vmem>>
        tpu.vector_store_idx %parallel_loop3A_368[%shift_right_logical3A_13, %parallel_loop3A_182, %parallel_loop3A_353], %parallel_loop3A_358 : memref<4x4x1024xf32, #tpu.memory_space<vmem>>[vector<16xi32>, vector<16xi32>, vector<16xi32>], vector<16xf32>,
        %parallel_loop3A_369 = arith.constant 0 : i32
        %parallel_loop3A_370 = arith.constant 0 : i32
        %parallel_loop3A_371 = arith.constant 0 : i32
        %parallel_loop3A_372 = tpu.memref_slice %arg8[%parallel_loop3A_112, %parallel_loop3A_369, %parallel_loop3A_370, %parallel_loop3A_371] : memref<2x4x4x1024xf32, #tpu.memory_space<vmem>> -> memref<1x4x4x1024xf32, #tpu.memory_space<vmem>>
        %parallel_loop3A_373 = tpu.memref_squeeze %parallel_loop3A_372 : memref<1x4x4x1024xf32, #tpu.memory_space<vmem>> -> memref<4x4x1024xf32, #tpu.memory_space<vmem>>
        tpu.vector_store_idx %parallel_loop3A_373[%add3A_16, %parallel_loop3A_182, %parallel_loop3A_353], %parallel_loop3A_363 : memref<4x4x1024xf32, #tpu.memory_space<vmem>>[vector<16xi32>, vector<16xi32>, vector<16xi32>], vector<16xf32>,
        %parallel_loop3A_374 = arith.constant 16 : i32
        %parallel_loop3A_375 = arith.muli %parallel_loop3A_374, %parallel_loop3A_175 : i32
        %parallel_loop3A_376 = arith.constant 7 : i32
        %parallel_loop3A_377 = arith.addi %parallel_loop3A_375, %parallel_loop3A_376 : i32
        %parallel_loop3A_378 = arith.constant 7 : i32
        %parallel_loop3A_379 = vector.broadcast %parallel_loop3A_378 : i32 to vector<16xi32>
        %parallel_loop3A_380 = arith.addi %parallel_loop3A_184, %parallel_loop3A_379 : vector<16xi32>
        %parallel_loop3A_381 = arith.constant 0 : i32
        %parallel_loop3A_382 = arith.index_cast %parallel_loop3A_381 : i32 to index
        %parallel_loop3A_383 = arith.index_cast %parallel_loop3A_377 : i32 to index
        %parallel_loop3A_384 = arith.constant 0 : index
        %parallel_loop3A_385 = tpu.vector_load %arg7[%parallel_loop3A_382, %parallel_loop3A_383, %parallel_loop3A_384] {strides = array<i32>} : memref<2x512x32xf32, #tpu.memory_space<vmem>>, vector<16xf32>,
        %parallel_loop3A_386 = arith.constant 0 : i32
        %parallel_loop3A_387 = arith.index_cast %parallel_loop3A_386 : i32 to index
        %parallel_loop3A_388 = arith.index_cast %parallel_loop3A_377 : i32 to index
        %parallel_loop3A_389 = arith.constant 16 : index
        %parallel_loop3A_390 = tpu.vector_load %arg7[%parallel_loop3A_387, %parallel_loop3A_388, %parallel_loop3A_389] {strides = array<i32>} : memref<2x512x32xf32, #tpu.memory_space<vmem>>, vector<16xf32>,
        %parallel_loop3A_391 = arith.constant 0 : i32
        %parallel_loop3A_392 = arith.constant 0 : i32
        %parallel_loop3A_393 = arith.constant 0 : i32
        %parallel_loop3A_394 = tpu.memref_slice %arg8[%parallel_loop3A_112, %parallel_loop3A_391, %parallel_loop3A_392, %parallel_loop3A_393] : memref<2x4x4x1024xf32, #tpu.memory_space<vmem>> -> memref<1x4x4x1024xf32, #tpu.memory_space<vmem>>
        %parallel_loop3A_395 = tpu.memref_squeeze %parallel_loop3A_394 : memref<1x4x4x1024xf32, #tpu.memory_space<vmem>> -> memref<4x4x1024xf32, #tpu.memory_space<vmem>>
        tpu.vector_store_idx %parallel_loop3A_395[%shift_right_logical3A_13, %parallel_loop3A_182, %parallel_loop3A_380], %parallel_loop3A_385 : memref<4x4x1024xf32, #tpu.memory_space<vmem>>[vector<16xi32>, vector<16xi32>, vector<16xi32>], vector<16xf32>,
        %parallel_loop3A_396 = arith.constant 0 : i32
        %parallel_loop3A_397 = arith.constant 0 : i32
        %parallel_loop3A_398 = arith.constant 0 : i32
        %parallel_loop3A_399 = tpu.memref_slice %arg8[%parallel_loop3A_112, %parallel_loop3A_396, %parallel_loop3A_397, %parallel_loop3A_398] : memref<2x4x4x1024xf32, #tpu.memory_space<vmem>> -> memref<1x4x4x1024xf32, #tpu.memory_space<vmem>>
        %parallel_loop3A_400 = tpu.memref_squeeze %parallel_loop3A_399 : memref<1x4x4x1024xf32, #tpu.memory_space<vmem>> -> memref<4x4x1024xf32, #tpu.memory_space<vmem>>
        tpu.vector_store_idx %parallel_loop3A_400[%add3A_16, %parallel_loop3A_182, %parallel_loop3A_380], %parallel_loop3A_390 : memref<4x4x1024xf32, #tpu.memory_space<vmem>>[vector<16xi32>, vector<16xi32>, vector<16xi32>], vector<16xf32>,
        %parallel_loop3A_401 = arith.constant 16 : i32
        %parallel_loop3A_402 = arith.muli %parallel_loop3A_401, %parallel_loop3A_175 : i32
        %parallel_loop3A_403 = arith.constant 8 : i32
        %parallel_loop3A_404 = arith.addi %parallel_loop3A_402, %parallel_loop3A_403 : i32
        %parallel_loop3A_405 = arith.constant 8 : i32
        %parallel_loop3A_406 = vector.broadcast %parallel_loop3A_405 : i32 to vector<16xi32>
        %parallel_loop3A_407 = arith.addi %parallel_loop3A_184, %parallel_loop3A_406 : vector<16xi32>
        %parallel_loop3A_408 = arith.constant 0 : i32
        %parallel_loop3A_409 = arith.index_cast %parallel_loop3A_408 : i32 to index
        %parallel_loop3A_410 = arith.index_cast %parallel_loop3A_404 : i32 to index
        %parallel_loop3A_411 = arith.constant 0 : index
        %parallel_loop3A_412 = tpu.vector_load %arg7[%parallel_loop3A_409, %parallel_loop3A_410, %parallel_loop3A_411] {strides = array<i32>} : memref<2x512x32xf32, #tpu.memory_space<vmem>>, vector<16xf32>,
        %parallel_loop3A_413 = arith.constant 0 : i32
        %parallel_loop3A_414 = arith.index_cast %parallel_loop3A_413 : i32 to index
        %parallel_loop3A_415 = arith.index_cast %parallel_loop3A_404 : i32 to index
        %parallel_loop3A_416 = arith.constant 16 : index
        %parallel_loop3A_417 = tpu.vector_load %arg7[%parallel_loop3A_414, %parallel_loop3A_415, %parallel_loop3A_416] {strides = array<i32>} : memref<2x512x32xf32, #tpu.memory_space<vmem>>, vector<16xf32>,
        %parallel_loop3A_418 = arith.constant 0 : i32
        %parallel_loop3A_419 = arith.constant 0 : i32
        %parallel_loop3A_420 = arith.constant 0 : i32
        %parallel_loop3A_421 = tpu.memref_slice %arg8[%parallel_loop3A_112, %parallel_loop3A_418, %parallel_loop3A_419, %parallel_loop3A_420] : memref<2x4x4x1024xf32, #tpu.memory_space<vmem>> -> memref<1x4x4x1024xf32, #tpu.memory_space<vmem>>
        %parallel_loop3A_422 = tpu.memref_squeeze %parallel_loop3A_421 : memref<1x4x4x1024xf32, #tpu.memory_space<vmem>> -> memref<4x4x1024xf32, #tpu.memory_space<vmem>>
        tpu.vector_store_idx %parallel_loop3A_422[%shift_right_logical3A_13, %parallel_loop3A_182, %parallel_loop3A_407], %parallel_loop3A_412 : memref<4x4x1024xf32, #tpu.memory_space<vmem>>[vector<16xi32>, vector<16xi32>, vector<16xi32>], vector<16xf32>,
        %parallel_loop3A_423 = arith.constant 0 : i32
        %parallel_loop3A_424 = arith.constant 0 : i32
        %parallel_loop3A_425 = arith.constant 0 : i32
        %parallel_loop3A_426 = tpu.memref_slice %arg8[%parallel_loop3A_112, %parallel_loop3A_423, %parallel_loop3A_424, %parallel_loop3A_425] : memref<2x4x4x1024xf32, #tpu.memory_space<vmem>> -> memref<1x4x4x1024xf32, #tpu.memory_space<vmem>>
        %parallel_loop3A_427 = tpu.memref_squeeze %parallel_loop3A_426 : memref<1x4x4x1024xf32, #tpu.memory_space<vmem>> -> memref<4x4x1024xf32, #tpu.memory_space<vmem>>
        tpu.vector_store_idx %parallel_loop3A_427[%add3A_16, %parallel_loop3A_182, %parallel_loop3A_407], %parallel_loop3A_417 : memref<4x4x1024xf32, #tpu.memory_space<vmem>>[vector<16xi32>, vector<16xi32>, vector<16xi32>], vector<16xf32>,
        %parallel_loop3A_428 = arith.constant 16 : i32
        %parallel_loop3A_429 = arith.muli %parallel_loop3A_428, %parallel_loop3A_175 : i32
        %parallel_loop3A_430 = arith.constant 9 : i32
        %parallel_loop3A_431 = arith.addi %parallel_loop3A_429, %parallel_loop3A_430 : i32
        %parallel_loop3A_432 = arith.constant 9 : i32
        %parallel_loop3A_433 = vector.broadcast %parallel_loop3A_432 : i32 to vector<16xi32>
        %parallel_loop3A_434 = arith.addi %parallel_loop3A_184, %parallel_loop3A_433 : vector<16xi32>
        %parallel_loop3A_435 = arith.constant 0 : i32
        %parallel_loop3A_436 = arith.index_cast %parallel_loop3A_435 : i32 to index
        %parallel_loop3A_437 = arith.index_cast %parallel_loop3A_431 : i32 to index
        %parallel_loop3A_438 = arith.constant 0 : index
        %parallel_loop3A_439 = tpu.vector_load %arg7[%parallel_loop3A_436, %parallel_loop3A_437, %parallel_loop3A_438] {strides = array<i32>} : memref<2x512x32xf32, #tpu.memory_space<vmem>>, vector<16xf32>,
        %parallel_loop3A_440 = arith.constant 0 : i32
        %parallel_loop3A_441 = arith.index_cast %parallel_loop3A_440 : i32 to index
        %parallel_loop3A_442 = arith.index_cast %parallel_loop3A_431 : i32 to index
        %parallel_loop3A_443 = arith.constant 16 : index
        %parallel_loop3A_444 = tpu.vector_load %arg7[%parallel_loop3A_441, %parallel_loop3A_442, %parallel_loop3A_443] {strides = array<i32>} : memref<2x512x32xf32, #tpu.memory_space<vmem>>, vector<16xf32>,
        %parallel_loop3A_445 = arith.constant 0 : i32
        %parallel_loop3A_446 = arith.constant 0 : i32
        %parallel_loop3A_447 = arith.constant 0 : i32
        %parallel_loop3A_448 = tpu.memref_slice %arg8[%parallel_loop3A_112, %parallel_loop3A_445, %parallel_loop3A_446, %parallel_loop3A_447] : memref<2x4x4x1024xf32, #tpu.memory_space<vmem>> -> memref<1x4x4x1024xf32, #tpu.memory_space<vmem>>
        %parallel_loop3A_449 = tpu.memref_squeeze %parallel_loop3A_448 : memref<1x4x4x1024xf32, #tpu.memory_space<vmem>> -> memref<4x4x1024xf32, #tpu.memory_space<vmem>>
        tpu.vector_store_idx %parallel_loop3A_449[%shift_right_logical3A_13, %parallel_loop3A_182, %parallel_loop3A_434], %parallel_loop3A_439 : memref<4x4x1024xf32, #tpu.memory_space<vmem>>[vector<16xi32>, vector<16xi32>, vector<16xi32>], vector<16xf32>,
        %parallel_loop3A_450 = arith.constant 0 : i32
        %parallel_loop3A_451 = arith.constant 0 : i32
        %parallel_loop3A_452 = arith.constant 0 : i32
        %parallel_loop3A_453 = tpu.memref_slice %arg8[%parallel_loop3A_112, %parallel_loop3A_450, %parallel_loop3A_451, %parallel_loop3A_452] : memref<2x4x4x1024xf32, #tpu.memory_space<vmem>> -> memref<1x4x4x1024xf32, #tpu.memory_space<vmem>>
        %parallel_loop3A_454 = tpu.memref_squeeze %parallel_loop3A_453 : memref<1x4x4x1024xf32, #tpu.memory_space<vmem>> -> memref<4x4x1024xf32, #tpu.memory_space<vmem>>
        tpu.vector_store_idx %parallel_loop3A_454[%add3A_16, %parallel_loop3A_182, %parallel_loop3A_434], %parallel_loop3A_444 : memref<4x4x1024xf32, #tpu.memory_space<vmem>>[vector<16xi32>, vector<16xi32>, vector<16xi32>], vector<16xf32>,
        %parallel_loop3A_455 = arith.constant 16 : i32
        %parallel_loop3A_456 = arith.muli %parallel_loop3A_455, %parallel_loop3A_175 : i32
        %parallel_loop3A_457 = arith.constant 10 : i32
        %parallel_loop3A_458 = arith.addi %parallel_loop3A_456, %parallel_loop3A_457 : i32
        %parallel_loop3A_459 = arith.constant 10 : i32
        %parallel_loop3A_460 = vector.broadcast %parallel_loop3A_459 : i32 to vector<16xi32>
        %parallel_loop3A_461 = arith.addi %parallel_loop3A_184, %parallel_loop3A_460 : vector<16xi32>
        %parallel_loop3A_462 = arith.constant 0 : i32
        %parallel_loop3A_463 = arith.index_cast %parallel_loop3A_462 : i32 to index
        %parallel_loop3A_464 = arith.index_cast %parallel_loop3A_458 : i32 to index
        %parallel_loop3A_465 = arith.constant 0 : index
        %parallel_loop3A_466 = tpu.vector_load %arg7[%parallel_loop3A_463, %parallel_loop3A_464, %parallel_loop3A_465] {strides = array<i32>} : memref<2x512x32xf32, #tpu.memory_space<vmem>>, vector<16xf32>,
        %parallel_loop3A_467 = arith.constant 0 : i32
        %parallel_loop3A_468 = arith.index_cast %parallel_loop3A_467 : i32 to index
        %parallel_loop3A_469 = arith.index_cast %parallel_loop3A_458 : i32 to index
        %parallel_loop3A_470 = arith.constant 16 : index
        %parallel_loop3A_471 = tpu.vector_load %arg7[%parallel_loop3A_468, %parallel_loop3A_469, %parallel_loop3A_470] {strides = array<i32>} : memref<2x512x32xf32, #tpu.memory_space<vmem>>, vector<16xf32>,
        %parallel_loop3A_472 = arith.constant 0 : i32
        %parallel_loop3A_473 = arith.constant 0 : i32
        %parallel_loop3A_474 = arith.constant 0 : i32
        %parallel_loop3A_475 = tpu.memref_slice %arg8[%parallel_loop3A_112, %parallel_loop3A_472, %parallel_loop3A_473, %parallel_loop3A_474] : memref<2x4x4x1024xf32, #tpu.memory_space<vmem>> -> memref<1x4x4x1024xf32, #tpu.memory_space<vmem>>
        %parallel_loop3A_476 = tpu.memref_squeeze %parallel_loop3A_475 : memref<1x4x4x1024xf32, #tpu.memory_space<vmem>> -> memref<4x4x1024xf32, #tpu.memory_space<vmem>>
        tpu.vector_store_idx %parallel_loop3A_476[%shift_right_logical3A_13, %parallel_loop3A_182, %parallel_loop3A_461], %parallel_loop3A_466 : memref<4x4x1024xf32, #tpu.memory_space<vmem>>[vector<16xi32>, vector<16xi32>, vector<16xi32>], vector<16xf32>,
        %parallel_loop3A_477 = arith.constant 0 : i32
        %parallel_loop3A_478 = arith.constant 0 : i32
        %parallel_loop3A_479 = arith.constant 0 : i32
        %parallel_loop3A_480 = tpu.memref_slice %arg8[%parallel_loop3A_112, %parallel_loop3A_477, %parallel_loop3A_478, %parallel_loop3A_479] : memref<2x4x4x1024xf32, #tpu.memory_space<vmem>> -> memref<1x4x4x1024xf32, #tpu.memory_space<vmem>>
        %parallel_loop3A_481 = tpu.memref_squeeze %parallel_loop3A_480 : memref<1x4x4x1024xf32, #tpu.memory_space<vmem>> -> memref<4x4x1024xf32, #tpu.memory_space<vmem>>
        tpu.vector_store_idx %parallel_loop3A_481[%add3A_16, %parallel_loop3A_182, %parallel_loop3A_461], %parallel_loop3A_471 : memref<4x4x1024xf32, #tpu.memory_space<vmem>>[vector<16xi32>, vector<16xi32>, vector<16xi32>], vector<16xf32>,
        %parallel_loop3A_482 = arith.constant 16 : i32
        %parallel_loop3A_483 = arith.muli %parallel_loop3A_482, %parallel_loop3A_175 : i32
        %parallel_loop3A_484 = arith.constant 11 : i32
        %parallel_loop3A_485 = arith.addi %parallel_loop3A_483, %parallel_loop3A_484 : i32
        %parallel_loop3A_486 = arith.constant 11 : i32
        %parallel_loop3A_487 = vector.broadcast %parallel_loop3A_486 : i32 to vector<16xi32>
        %parallel_loop3A_488 = arith.addi %parallel_loop3A_184, %parallel_loop3A_487 : vector<16xi32>
        %parallel_loop3A_489 = arith.constant 0 : i32
        %parallel_loop3A_490 = arith.index_cast %parallel_loop3A_489 : i32 to index
        %parallel_loop3A_491 = arith.index_cast %parallel_loop3A_485 : i32 to index
        %parallel_loop3A_492 = arith.constant 0 : index
        %parallel_loop3A_493 = tpu.vector_load %arg7[%parallel_loop3A_490, %parallel_loop3A_491, %parallel_loop3A_492] {strides = array<i32>} : memref<2x512x32xf32, #tpu.memory_space<vmem>>, vector<16xf32>,
        %parallel_loop3A_494 = arith.constant 0 : i32
        %parallel_loop3A_495 = arith.index_cast %parallel_loop3A_494 : i32 to index
        %parallel_loop3A_496 = arith.index_cast %parallel_loop3A_485 : i32 to index
        %parallel_loop3A_497 = arith.constant 16 : index
        %parallel_loop3A_498 = tpu.vector_load %arg7[%parallel_loop3A_495, %parallel_loop3A_496, %parallel_loop3A_497] {strides = array<i32>} : memref<2x512x32xf32, #tpu.memory_space<vmem>>, vector<16xf32>,
        %parallel_loop3A_499 = arith.constant 0 : i32
        %parallel_loop3A_500 = arith.constant 0 : i32
        %parallel_loop3A_501 = arith.constant 0 : i32
        %parallel_loop3A_502 = tpu.memref_slice %arg8[%parallel_loop3A_112, %parallel_loop3A_499, %parallel_loop3A_500, %parallel_loop3A_501] : memref<2x4x4x1024xf32, #tpu.memory_space<vmem>> -> memref<1x4x4x1024xf32, #tpu.memory_space<vmem>>
        %parallel_loop3A_503 = tpu.memref_squeeze %parallel_loop3A_502 : memref<1x4x4x1024xf32, #tpu.memory_space<vmem>> -> memref<4x4x1024xf32, #tpu.memory_space<vmem>>
        tpu.vector_store_idx %parallel_loop3A_503[%shift_right_logical3A_13, %parallel_loop3A_182, %parallel_loop3A_488], %parallel_loop3A_493 : memref<4x4x1024xf32, #tpu.memory_space<vmem>>[vector<16xi32>, vector<16xi32>, vector<16xi32>], vector<16xf32>,
        %parallel_loop3A_504 = arith.constant 0 : i32
        %parallel_loop3A_505 = arith.constant 0 : i32
        %parallel_loop3A_506 = arith.constant 0 : i32
        %parallel_loop3A_507 = tpu.memref_slice %arg8[%parallel_loop3A_112, %parallel_loop3A_504, %parallel_loop3A_505, %parallel_loop3A_506] : memref<2x4x4x1024xf32, #tpu.memory_space<vmem>> -> memref<1x4x4x1024xf32, #tpu.memory_space<vmem>>
        %parallel_loop3A_508 = tpu.memref_squeeze %parallel_loop3A_507 : memref<1x4x4x1024xf32, #tpu.memory_space<vmem>> -> memref<4x4x1024xf32, #tpu.memory_space<vmem>>
        tpu.vector_store_idx %parallel_loop3A_508[%add3A_16, %parallel_loop3A_182, %parallel_loop3A_488], %parallel_loop3A_498 : memref<4x4x1024xf32, #tpu.memory_space<vmem>>[vector<16xi32>, vector<16xi32>, vector<16xi32>], vector<16xf32>,
        %parallel_loop3A_509 = arith.constant 16 : i32
        %parallel_loop3A_510 = arith.muli %parallel_loop3A_509, %parallel_loop3A_175 : i32
        %parallel_loop3A_511 = arith.constant 12 : i32
        %parallel_loop3A_512 = arith.addi %parallel_loop3A_510, %parallel_loop3A_511 : i32
        %parallel_loop3A_513 = arith.constant 12 : i32
        %parallel_loop3A_514 = vector.broadcast %parallel_loop3A_513 : i32 to vector<16xi32>
        %parallel_loop3A_515 = arith.addi %parallel_loop3A_184, %parallel_loop3A_514 : vector<16xi32>
        %parallel_loop3A_516 = arith.constant 0 : i32
        %parallel_loop3A_517 = arith.index_cast %parallel_loop3A_516 : i32 to index
        %parallel_loop3A_518 = arith.index_cast %parallel_loop3A_512 : i32 to index
        %parallel_loop3A_519 = arith.constant 0 : index
        %parallel_loop3A_520 = tpu.vector_load %arg7[%parallel_loop3A_517, %parallel_loop3A_518, %parallel_loop3A_519] {strides = array<i32>} : memref<2x512x32xf32, #tpu.memory_space<vmem>>, vector<16xf32>,
        %parallel_loop3A_521 = arith.constant 0 : i32
        %parallel_loop3A_522 = arith.index_cast %parallel_loop3A_521 : i32 to index
        %parallel_loop3A_523 = arith.index_cast %parallel_loop3A_512 : i32 to index
        %parallel_loop3A_524 = arith.constant 16 : index
        %parallel_loop3A_525 = tpu.vector_load %arg7[%parallel_loop3A_522, %parallel_loop3A_523, %parallel_loop3A_524] {strides = array<i32>} : memref<2x512x32xf32, #tpu.memory_space<vmem>>, vector<16xf32>,
        %parallel_loop3A_526 = arith.constant 0 : i32
        %parallel_loop3A_527 = arith.constant 0 : i32
        %parallel_loop3A_528 = arith.constant 0 : i32
        %parallel_loop3A_529 = tpu.memref_slice %arg8[%parallel_loop3A_112, %parallel_loop3A_526, %parallel_loop3A_527, %parallel_loop3A_528] : memref<2x4x4x1024xf32, #tpu.memory_space<vmem>> -> memref<1x4x4x1024xf32, #tpu.memory_space<vmem>>
        %parallel_loop3A_530 = tpu.memref_squeeze %parallel_loop3A_529 : memref<1x4x4x1024xf32, #tpu.memory_space<vmem>> -> memref<4x4x1024xf32, #tpu.memory_space<vmem>>
        tpu.vector_store_idx %parallel_loop3A_530[%shift_right_logical3A_13, %parallel_loop3A_182, %parallel_loop3A_515], %parallel_loop3A_520 : memref<4x4x1024xf32, #tpu.memory_space<vmem>>[vector<16xi32>, vector<16xi32>, vector<16xi32>], vector<16xf32>,
        %parallel_loop3A_531 = arith.constant 0 : i32
        %parallel_loop3A_532 = arith.constant 0 : i32
        %parallel_loop3A_533 = arith.constant 0 : i32
        %parallel_loop3A_534 = tpu.memref_slice %arg8[%parallel_loop3A_112, %parallel_loop3A_531, %parallel_loop3A_532, %parallel_loop3A_533] : memref<2x4x4x1024xf32, #tpu.memory_space<vmem>> -> memref<1x4x4x1024xf32, #tpu.memory_space<vmem>>
        %parallel_loop3A_535 = tpu.memref_squeeze %parallel_loop3A_534 : memref<1x4x4x1024xf32, #tpu.memory_space<vmem>> -> memref<4x4x1024xf32, #tpu.memory_space<vmem>>
        tpu.vector_store_idx %parallel_loop3A_535[%add3A_16, %parallel_loop3A_182, %parallel_loop3A_515], %parallel_loop3A_525 : memref<4x4x1024xf32, #tpu.memory_space<vmem>>[vector<16xi32>, vector<16xi32>, vector<16xi32>], vector<16xf32>,
        %parallel_loop3A_536 = arith.constant 16 : i32
        %parallel_loop3A_537 = arith.muli %parallel_loop3A_536, %parallel_loop3A_175 : i32
        %parallel_loop3A_538 = arith.constant 13 : i32
        %parallel_loop3A_539 = arith.addi %parallel_loop3A_537, %parallel_loop3A_538 : i32
        %parallel_loop3A_540 = arith.constant 13 : i32
        %parallel_loop3A_541 = vector.broadcast %parallel_loop3A_540 : i32 to vector<16xi32>
        %parallel_loop3A_542 = arith.addi %parallel_loop3A_184, %parallel_loop3A_541 : vector<16xi32>
        %parallel_loop3A_543 = arith.constant 0 : i32
        %parallel_loop3A_544 = arith.index_cast %parallel_loop3A_543 : i32 to index
        %parallel_loop3A_545 = arith.index_cast %parallel_loop3A_539 : i32 to index
        %parallel_loop3A_546 = arith.constant 0 : index
        %parallel_loop3A_547 = tpu.vector_load %arg7[%parallel_loop3A_544, %parallel_loop3A_545, %parallel_loop3A_546] {strides = array<i32>} : memref<2x512x32xf32, #tpu.memory_space<vmem>>, vector<16xf32>,
        %parallel_loop3A_548 = arith.constant 0 : i32
        %parallel_loop3A_549 = arith.index_cast %parallel_loop3A_548 : i32 to index
        %parallel_loop3A_550 = arith.index_cast %parallel_loop3A_539 : i32 to index
        %parallel_loop3A_551 = arith.constant 16 : index
        %parallel_loop3A_552 = tpu.vector_load %arg7[%parallel_loop3A_549, %parallel_loop3A_550, %parallel_loop3A_551] {strides = array<i32>} : memref<2x512x32xf32, #tpu.memory_space<vmem>>, vector<16xf32>,
        %parallel_loop3A_553 = arith.constant 0 : i32
        %parallel_loop3A_554 = arith.constant 0 : i32
        %parallel_loop3A_555 = arith.constant 0 : i32
        %parallel_loop3A_556 = tpu.memref_slice %arg8[%parallel_loop3A_112, %parallel_loop3A_553, %parallel_loop3A_554, %parallel_loop3A_555] : memref<2x4x4x1024xf32, #tpu.memory_space<vmem>> -> memref<1x4x4x1024xf32, #tpu.memory_space<vmem>>
        %parallel_loop3A_557 = tpu.memref_squeeze %parallel_loop3A_556 : memref<1x4x4x1024xf32, #tpu.memory_space<vmem>> -> memref<4x4x1024xf32, #tpu.memory_space<vmem>>
        tpu.vector_store_idx %parallel_loop3A_557[%shift_right_logical3A_13, %parallel_loop3A_182, %parallel_loop3A_542], %parallel_loop3A_547 : memref<4x4x1024xf32, #tpu.memory_space<vmem>>[vector<16xi32>, vector<16xi32>, vector<16xi32>], vector<16xf32>,
        %parallel_loop3A_558 = arith.constant 0 : i32
        %parallel_loop3A_559 = arith.constant 0 : i32
        %parallel_loop3A_560 = arith.constant 0 : i32
        %parallel_loop3A_561 = tpu.memref_slice %arg8[%parallel_loop3A_112, %parallel_loop3A_558, %parallel_loop3A_559, %parallel_loop3A_560] : memref<2x4x4x1024xf32, #tpu.memory_space<vmem>> -> memref<1x4x4x1024xf32, #tpu.memory_space<vmem>>
        %parallel_loop3A_562 = tpu.memref_squeeze %parallel_loop3A_561 : memref<1x4x4x1024xf32, #tpu.memory_space<vmem>> -> memref<4x4x1024xf32, #tpu.memory_space<vmem>>
        tpu.vector_store_idx %parallel_loop3A_562[%add3A_16, %parallel_loop3A_182, %parallel_loop3A_542], %parallel_loop3A_552 : memref<4x4x1024xf32, #tpu.memory_space<vmem>>[vector<16xi32>, vector<16xi32>, vector<16xi32>], vector<16xf32>,
        %parallel_loop3A_563 = arith.constant 16 : i32
        %parallel_loop3A_564 = arith.muli %parallel_loop3A_563, %parallel_loop3A_175 : i32
        %parallel_loop3A_565 = arith.constant 14 : i32
        %parallel_loop3A_566 = arith.addi %parallel_loop3A_564, %parallel_loop3A_565 : i32
        %parallel_loop3A_567 = arith.constant 14 : i32
        %parallel_loop3A_568 = vector.broadcast %parallel_loop3A_567 : i32 to vector<16xi32>
        %parallel_loop3A_569 = arith.addi %parallel_loop3A_184, %parallel_loop3A_568 : vector<16xi32>
        %parallel_loop3A_570 = arith.constant 0 : i32
        %parallel_loop3A_571 = arith.index_cast %parallel_loop3A_570 : i32 to index
        %parallel_loop3A_572 = arith.index_cast %parallel_loop3A_566 : i32 to index
        %parallel_loop3A_573 = arith.constant 0 : index
        %parallel_loop3A_574 = tpu.vector_load %arg7[%parallel_loop3A_571, %parallel_loop3A_572, %parallel_loop3A_573] {strides = array<i32>} : memref<2x512x32xf32, #tpu.memory_space<vmem>>, vector<16xf32>,
        %parallel_loop3A_575 = arith.constant 0 : i32
        %parallel_loop3A_576 = arith.index_cast %parallel_loop3A_575 : i32 to index
        %parallel_loop3A_577 = arith.index_cast %parallel_loop3A_566 : i32 to index
        %parallel_loop3A_578 = arith.constant 16 : index
        %parallel_loop3A_579 = tpu.vector_load %arg7[%parallel_loop3A_576, %parallel_loop3A_577, %parallel_loop3A_578] {strides = array<i32>} : memref<2x512x32xf32, #tpu.memory_space<vmem>>, vector<16xf32>,
        %parallel_loop3A_580 = arith.constant 0 : i32
        %parallel_loop3A_581 = arith.constant 0 : i32
        %parallel_loop3A_582 = arith.constant 0 : i32
        %parallel_loop3A_583 = tpu.memref_slice %arg8[%parallel_loop3A_112, %parallel_loop3A_580, %parallel_loop3A_581, %parallel_loop3A_582] : memref<2x4x4x1024xf32, #tpu.memory_space<vmem>> -> memref<1x4x4x1024xf32, #tpu.memory_space<vmem>>
        %parallel_loop3A_584 = tpu.memref_squeeze %parallel_loop3A_583 : memref<1x4x4x1024xf32, #tpu.memory_space<vmem>> -> memref<4x4x1024xf32, #tpu.memory_space<vmem>>
        tpu.vector_store_idx %parallel_loop3A_584[%shift_right_logical3A_13, %parallel_loop3A_182, %parallel_loop3A_569], %parallel_loop3A_574 : memref<4x4x1024xf32, #tpu.memory_space<vmem>>[vector<16xi32>, vector<16xi32>, vector<16xi32>], vector<16xf32>,
        %parallel_loop3A_585 = arith.constant 0 : i32
        %parallel_loop3A_586 = arith.constant 0 : i32
        %parallel_loop3A_587 = arith.constant 0 : i32
        %parallel_loop3A_588 = tpu.memref_slice %arg8[%parallel_loop3A_112, %parallel_loop3A_585, %parallel_loop3A_586, %parallel_loop3A_587] : memref<2x4x4x1024xf32, #tpu.memory_space<vmem>> -> memref<1x4x4x1024xf32, #tpu.memory_space<vmem>>
        %parallel_loop3A_589 = tpu.memref_squeeze %parallel_loop3A_588 : memref<1x4x4x1024xf32, #tpu.memory_space<vmem>> -> memref<4x4x1024xf32, #tpu.memory_space<vmem>>
        tpu.vector_store_idx %parallel_loop3A_589[%add3A_16, %parallel_loop3A_182, %parallel_loop3A_569], %parallel_loop3A_579 : memref<4x4x1024xf32, #tpu.memory_space<vmem>>[vector<16xi32>, vector<16xi32>, vector<16xi32>], vector<16xf32>,
        %parallel_loop3A_590 = arith.constant 16 : i32
        %parallel_loop3A_591 = arith.muli %parallel_loop3A_590, %parallel_loop3A_175 : i32
        %parallel_loop3A_592 = arith.constant 15 : i32
        %parallel_loop3A_593 = arith.addi %parallel_loop3A_591, %parallel_loop3A_592 : i32
        %parallel_loop3A_594 = arith.constant 15 : i32
        %parallel_loop3A_595 = vector.broadcast %parallel_loop3A_594 : i32 to vector<16xi32>
        %parallel_loop3A_596 = arith.addi %parallel_loop3A_184, %parallel_loop3A_595 : vector<16xi32>
        %parallel_loop3A_597 = arith.constant 0 : i32
        %parallel_loop3A_598 = arith.index_cast %parallel_loop3A_597 : i32 to index
        %parallel_loop3A_599 = arith.index_cast %parallel_loop3A_593 : i32 to index
        %parallel_loop3A_600 = arith.constant 0 : index
        %parallel_loop3A_601 = tpu.vector_load %arg7[%parallel_loop3A_598, %parallel_loop3A_599, %parallel_loop3A_600] {strides = array<i32>} : memref<2x512x32xf32, #tpu.memory_space<vmem>>, vector<16xf32>,
        %parallel_loop3A_602 = arith.constant 0 : i32
        %parallel_loop3A_603 = arith.index_cast %parallel_loop3A_602 : i32 to index
        %parallel_loop3A_604 = arith.index_cast %parallel_loop3A_593 : i32 to index
        %parallel_loop3A_605 = arith.constant 16 : index
        %parallel_loop3A_606 = tpu.vector_load %arg7[%parallel_loop3A_603, %parallel_loop3A_604, %parallel_loop3A_605] {strides = array<i32>} : memref<2x512x32xf32, #tpu.memory_space<vmem>>, vector<16xf32>,
        %parallel_loop3A_607 = arith.constant 0 : i32
        %parallel_loop3A_608 = arith.constant 0 : i32
        %parallel_loop3A_609 = arith.constant 0 : i32
        %parallel_loop3A_610 = tpu.memref_slice %arg8[%parallel_loop3A_112, %parallel_loop3A_607, %parallel_loop3A_608, %parallel_loop3A_609] : memref<2x4x4x1024xf32, #tpu.memory_space<vmem>> -> memref<1x4x4x1024xf32, #tpu.memory_space<vmem>>
        %parallel_loop3A_611 = tpu.memref_squeeze %parallel_loop3A_610 : memref<1x4x4x1024xf32, #tpu.memory_space<vmem>> -> memref<4x4x1024xf32, #tpu.memory_space<vmem>>
        tpu.vector_store_idx %parallel_loop3A_611[%shift_right_logical3A_13, %parallel_loop3A_182, %parallel_loop3A_596], %parallel_loop3A_601 : memref<4x4x1024xf32, #tpu.memory_space<vmem>>[vector<16xi32>, vector<16xi32>, vector<16xi32>], vector<16xf32>,
        %parallel_loop3A_612 = arith.constant 0 : i32
        %parallel_loop3A_613 = arith.constant 0 : i32
        %parallel_loop3A_614 = arith.constant 0 : i32
        %parallel_loop3A_615 = tpu.memref_slice %arg8[%parallel_loop3A_112, %parallel_loop3A_612, %parallel_loop3A_613, %parallel_loop3A_614] : memref<2x4x4x1024xf32, #tpu.memory_space<vmem>> -> memref<1x4x4x1024xf32, #tpu.memory_space<vmem>>
        %parallel_loop3A_616 = tpu.memref_squeeze %parallel_loop3A_615 : memref<1x4x4x1024xf32, #tpu.memory_space<vmem>> -> memref<4x4x1024xf32, #tpu.memory_space<vmem>>
        tpu.vector_store_idx %parallel_loop3A_616[%add3A_16, %parallel_loop3A_182, %parallel_loop3A_596], %parallel_loop3A_606 : memref<4x4x1024xf32, #tpu.memory_space<vmem>>[vector<16xi32>, vector<16xi32>, vector<16xi32>], vector<16xf32>,
      } {sc.loop_unroll_factor = 2 : i64, sc.parallel_access}
      %dma_start3A_113 = arith.constant 0 : i32
      %dma_start3A_114 = arith.constant 0 : i32
      %dma_start3A_115 = arith.constant 0 : i32
      %dma_start3A_116 = arith.constant 0 : i32
      %dma_start3A_117 = tpu.memref_slice %arg8[%dma_start3A_113, %dma_start3A_114, %dma_start3A_115, %dma_start3A_116] : memref<2x4x4x1024xf32, #tpu.memory_space<vmem>> -> memref<1x4x4x1024xf32, #tpu.memory_space<vmem>>
      %dma_start3A_118 = tpu.memref_squeeze %dma_start3A_117 : memref<1x4x4x1024xf32, #tpu.memory_space<vmem>> -> memref<4x4x1024xf32, #tpu.memory_space<vmem>>
      %dma_start3A_119 = arith.constant 0 : i32
      %dma_start3A_120 = arith.constant 0 : i32
      %dma_start3A_121 = tpu.memref_slice %arg4[%mul3A_83, %dma_start3A_119, %mul3A_4, %dma_start3A_120] : memref<26x4x128x1024xf32, #tpu.memory_space<hbm>> -> memref<1x4x4x1024xf32, #tpu.memory_space<hbm>>
      %dma_start3A_122 = tpu.memref_squeeze %dma_start3A_121 : memref<1x4x4x1024xf32, #tpu.memory_space<hbm>> -> memref<4x4x1024xf32, #tpu.memory_space<hbm>>
      %dma_start3A_123 = arith.constant 0 : i32
      %dma_start3A_124 = arith.constant 0 : i32
      %dma_start3A_125 = tpu.memref_slice %arg4[%mul3A_83, %dma_start3A_123, %mul3A_4, %dma_start3A_124] : memref<26x4x128x1024xf32, #tpu.memory_space<hbm>> -> memref<1x4x4x1024xf32, #tpu.memory_space<hbm>>
      %dma_start3A_126 = tpu.memref_squeeze %dma_start3A_125 : memref<1x4x4x1024xf32, #tpu.memory_space<hbm>> -> memref<4x4x1024xf32, #tpu.memory_space<hbm>>
      %dma_start3A_127 = arith.constant 0 : i32
      %dma_start3A_128 = arith.constant 0 : i32
      %dma_start3A_129 = arith.constant 0 : i32
      %dma_start3A_130 = tpu.memref_slice %arg8[%dma_start3A_113, %dma_start3A_127, %dma_start3A_128, %dma_start3A_129] : memref<2x4x4x1024xf32, #tpu.memory_space<vmem>> -> memref<1x4x4x1024xf32, #tpu.memory_space<vmem>>
      %dma_start3A_131 = tpu.memref_squeeze %dma_start3A_130 : memref<1x4x4x1024xf32, #tpu.memory_space<vmem>> -> memref<4x4x1024xf32, #tpu.memory_space<vmem>>
      tpu.enqueue_dma source(%dma_start3A_131 : memref<4x4x1024xf32, #tpu.memory_space<vmem>>) target(%dma_start3A_126 : memref<4x4x1024xf32, #tpu.memory_space<hbm>>) target_semaphore(%arg11 : memref<!tpu.dma_semaphore, #tpu.memory_space<semaphore_mem>>)
      %lt3A = arith.constant 12 : i32
      %lt3A_132 = arith.cmpi slt, %add3A_81, %lt3A : i32
      %convert_element_type3A_133 = arith.extui %lt3A_132 : i1 to i32
      %cond3A_134 = arith.constant 0 : i32
      %cond3A_135 = arith.cmpi ne, %convert_element_type3A_133, %cond3A_134 : i32
      scf.if %cond3A_135 {
        %add3A_175 = arith.constant 2 : i32
        %add3A_176 = arith.addi %mul3A_83, %add3A_175 : i32
        %dma_start3A_177 = arith.constant 0 : i32
        %dma_start3A_178 = arith.constant 0 : i32
        %dma_start3A_179 = arith.constant 0 : i32
        %dma_start3A_180 = tpu.memref_slice %arg7[%dma_start3A_177, %dma_start3A_178, %dma_start3A_179] : memref<2x512x32xf32, #tpu.memory_space<vmem>> -> memref<1x512x32xf32, #tpu.memory_space<vmem>>
        %dma_start3A_181 = tpu.memref_squeeze %dma_start3A_180 : memref<1x512x32xf32, #tpu.memory_space<vmem>> -> memref<512x32xf32, #tpu.memory_space<vmem>>
        %dma_start3A_182 = arith.constant 0 : i32
        %dma_start3A_183 = tpu.memref_slice %arg6[%add3A_176, %dma_start3A_182] : memref<26x512xi32, #tpu.memory_space<vmem>> -> memref<1x512xi32, #tpu.memory_space<vmem>>
        %dma_start3A_184 = tpu.memref_squeeze %dma_start3A_183 : memref<1x512xi32, #tpu.memory_space<vmem>> -> memref<512xi32, #tpu.memory_space<vmem>>
        %dma_start3A_185 = arith.constant 0 : i32
        %dma_start3A_186 = arith.constant 0 : i32
        %dma_start3A_187 = tpu.memref_slice %arg3[%dma_start3A_185, %dma_start3A_186] : memref<1000000x32xf32, #tpu.memory_space<hbm>> -> memref<1000000x32xf32, #tpu.memory_space<hbm>>
        tpu.enqueue_indirect_dma source(%dma_start3A_187 : memref<1000000x32xf32, #tpu.memory_space<hbm>>) target(%dma_start3A_181 : memref<512x32xf32, #tpu.memory_space<vmem>>) offsets(%dma_start3A_184 : memref<512xi32, #tpu.memory_space<vmem>>) semaphore(%arg9 : memref<!tpu.dma_semaphore, #tpu.memory_space<semaphore_mem>>)
      } else {
      }
      %dma_wait3A_136 = arith.constant 1 : i32
      %dma_wait3A_137 = arith.constant 0 : i32
      %dma_wait3A_138 = arith.constant 0 : i32
      %dma_wait3A_139 = tpu.memref_slice %arg7[%dma_wait3A_136, %dma_wait3A_137, %dma_wait3A_138] : memref<2x512x32xf32, #tpu.memory_space<vmem>> -> memref<1x512x32xf32, #tpu.memory_space<vmem>>
      %dma_wait3A_140 = tpu.memref_squeeze %dma_wait3A_139 : memref<1x512x32xf32, #tpu.memory_space<vmem>> -> memref<512x32xf32, #tpu.memory_space<vmem>>
      %dma_wait3A_141 = arith.constant 0 : i32
      %dma_wait3A_142 = tpu.memref_slice %arg6[%add3A_85, %dma_wait3A_141] : memref<26x512xi32, #tpu.memory_space<vmem>> -> memref<1x512xi32, #tpu.memory_space<vmem>>
      %dma_wait3A_143 = tpu.memref_squeeze %dma_wait3A_142 : memref<1x512xi32, #tpu.memory_space<vmem>> -> memref<512xi32, #tpu.memory_space<vmem>>
      %dma_wait3A_144 = arith.constant 0 : i32
      %dma_wait3A_145 = arith.constant 0 : i32
      %dma_wait3A_146 = tpu.memref_slice %arg3[%dma_wait3A_144, %dma_wait3A_145] : memref<1000000x32xf32, #tpu.memory_space<hbm>> -> memref<1000000x32xf32, #tpu.memory_space<hbm>>
      tpu.wait_indirect_dma semaphore(%arg10 : memref<!tpu.dma_semaphore, #tpu.memory_space<semaphore_mem>>) src(%dma_wait3A_146 : memref<1000000x32xf32, #tpu.memory_space<hbm>>) dst(%dma_wait3A_140 : memref<512x32xf32, #tpu.memory_space<vmem>>)
      %gt3A_147 = arith.constant 0 : i32
      %gt3A_148 = arith.cmpi sgt, %add3A_81, %gt3A_147 : i32
      %convert_element_type3A_149 = arith.extui %gt3A_148 : i1 to i32
      %cond3A_150 = arith.constant 0 : i32
      %cond3A_151 = arith.cmpi ne, %convert_element_type3A_149, %cond3A_150 : i32
      scf.if %cond3A_151 {
        %sub3A = arith.constant 2 : i32
        %sub3A_175 = arith.subi %add3A_85, %sub3A : i32
        %dma_wait3A_176 = arith.constant 1 : i32
        %dma_wait3A_177 = arith.constant 0 : i32
        %dma_wait3A_178 = arith.constant 0 : i32
        %dma_wait3A_179 = arith.constant 0 : i32
        %dma_wait3A_180 = tpu.memref_slice %arg8[%dma_wait3A_176, %dma_wait3A_177, %dma_wait3A_178, %dma_wait3A_179] : memref<2x4x4x1024xf32, #tpu.memory_space<vmem>> -> memref<1x4x4x1024xf32, #tpu.memory_space<vmem>>
        %dma_wait3A_181 = tpu.memref_squeeze %dma_wait3A_180 : memref<1x4x4x1024xf32, #tpu.memory_space<vmem>> -> memref<4x4x1024xf32, #tpu.memory_space<vmem>>
        %dma_wait3A_182 = arith.constant 0 : i32
        %dma_wait3A_183 = arith.constant 0 : i32
        %dma_wait3A_184 = tpu.memref_slice %arg4[%sub3A_175, %dma_wait3A_182, %mul3A_4, %dma_wait3A_183] : memref<26x4x128x1024xf32, #tpu.memory_space<hbm>> -> memref<1x4x4x1024xf32, #tpu.memory_space<hbm>>
        %dma_wait3A_185 = tpu.memref_squeeze %dma_wait3A_184 : memref<1x4x4x1024xf32, #tpu.memory_space<hbm>> -> memref<4x4x1024xf32, #tpu.memory_space<hbm>>
        %dma_wait3A_186 = arith.constant 0 : i32
        %dma_wait3A_187 = arith.constant 0 : i32
        %dma_wait3A_188 = tpu.memref_slice %arg4[%sub3A_175, %dma_wait3A_186, %mul3A_4, %dma_wait3A_187] : memref<26x4x128x1024xf32, #tpu.memory_space<hbm>> -> memref<1x4x4x1024xf32, #tpu.memory_space<hbm>>
        %dma_wait3A_189 = tpu.memref_squeeze %dma_wait3A_188 : memref<1x4x4x1024xf32, #tpu.memory_space<hbm>> -> memref<4x4x1024xf32, #tpu.memory_space<hbm>>
        %dma_wait3A_190 = arith.constant 0 : i32
        %dma_wait3A_191 = arith.constant 0 : i32
        %dma_wait3A_192 = arith.constant 0 : i32
        %dma_wait3A_193 = tpu.memref_slice %arg8[%dma_wait3A_176, %dma_wait3A_190, %dma_wait3A_191, %dma_wait3A_192] : memref<2x4x4x1024xf32, #tpu.memory_space<vmem>> -> memref<1x4x4x1024xf32, #tpu.memory_space<vmem>>
        %dma_wait3A_194 = tpu.memref_squeeze %dma_wait3A_193 : memref<1x4x4x1024xf32, #tpu.memory_space<vmem>> -> memref<4x4x1024xf32, #tpu.memory_space<vmem>>
        tpu.wait_dma2 semaphore(%arg12 : memref<!tpu.dma_semaphore, #tpu.memory_space<semaphore_mem>>) src(%dma_wait3A_194 : memref<4x4x1024xf32, #tpu.memory_space<vmem>>) dst(%dma_wait3A_189 : memref<4x4x1024xf32, #tpu.memory_space<hbm>>)
      } else {
      }
      %parallel_loop3A_152 = arith.constant 0 : i32
      %parallel_loop3A_153 = arith.constant 32 : i32
      %parallel_loop3A_154 = arith.constant 1 : i32
      %parallel_loop3A_155 = arith.constant 1 : i32
      scf.for %parallel_loop3A_175 = %parallel_loop3A_152 to %parallel_loop3A_153 step %parallel_loop3A_154  : i32 {
        %parallel_loop3A_176 = arith.constant 3 : i32
        %parallel_loop3A_177 = arith.shrui %parallel_loop3A_175, %parallel_loop3A_176 : i32
        %parallel_loop3A_178 = arith.constant 7 : i32
        %parallel_loop3A_179 = arith.andi %parallel_loop3A_175, %parallel_loop3A_178 : i32
        %parallel_loop3A_180 = arith.constant 16 : i32
        %parallel_loop3A_181 = arith.muli %parallel_loop3A_179, %parallel_loop3A_180 : i32
        %parallel_loop3A_182 = vector.broadcast %parallel_loop3A_177 : i32 to vector<16xi32>
        %parallel_loop3A_183 = vector.broadcast %parallel_loop3A_181 : i32 to vector<16xi32>
        %parallel_loop3A_184 = arith.addi %mul3A_21, %parallel_loop3A_183 : vector<16xi32>
        %parallel_loop3A_185 = arith.constant 16 : i32
        %parallel_loop3A_186 = arith.muli %parallel_loop3A_185, %parallel_loop3A_175 : i32
        %parallel_loop3A_187 = arith.constant 0 : i32
        %parallel_loop3A_188 = arith.addi %parallel_loop3A_186, %parallel_loop3A_187 : i32
        %parallel_loop3A_189 = arith.constant 0 : i32
        %parallel_loop3A_190 = vector.broadcast %parallel_loop3A_189 : i32 to vector<16xi32>
        %parallel_loop3A_191 = arith.addi %parallel_loop3A_184, %parallel_loop3A_190 : vector<16xi32>
        %parallel_loop3A_192 = arith.constant 1 : i32
        %parallel_loop3A_193 = arith.index_cast %parallel_loop3A_192 : i32 to index
        %parallel_loop3A_194 = arith.index_cast %parallel_loop3A_188 : i32 to index
        %parallel_loop3A_195 = arith.constant 0 : index
        %parallel_loop3A_196 = tpu.vector_load %arg7[%parallel_loop3A_193, %parallel_loop3A_194, %parallel_loop3A_195] {strides = array<i32>} : memref<2x512x32xf32, #tpu.memory_space<vmem>>, vector<16xf32>,
        %parallel_loop3A_197 = arith.constant 1 : i32
        %parallel_loop3A_198 = arith.index_cast %parallel_loop3A_197 : i32 to index
        %parallel_loop3A_199 = arith.index_cast %parallel_loop3A_188 : i32 to index
        %parallel_loop3A_200 = arith.constant 16 : index
        %parallel_loop3A_201 = tpu.vector_load %arg7[%parallel_loop3A_198, %parallel_loop3A_199, %parallel_loop3A_200] {strides = array<i32>} : memref<2x512x32xf32, #tpu.memory_space<vmem>>, vector<16xf32>,
        %parallel_loop3A_202 = arith.constant 0 : i32
        %parallel_loop3A_203 = arith.constant 0 : i32
        %parallel_loop3A_204 = arith.constant 0 : i32
        %parallel_loop3A_205 = tpu.memref_slice %arg8[%parallel_loop3A_155, %parallel_loop3A_202, %parallel_loop3A_203, %parallel_loop3A_204] : memref<2x4x4x1024xf32, #tpu.memory_space<vmem>> -> memref<1x4x4x1024xf32, #tpu.memory_space<vmem>>
        %parallel_loop3A_206 = tpu.memref_squeeze %parallel_loop3A_205 : memref<1x4x4x1024xf32, #tpu.memory_space<vmem>> -> memref<4x4x1024xf32, #tpu.memory_space<vmem>>
        tpu.vector_store_idx %parallel_loop3A_206[%shift_right_logical3A_13, %parallel_loop3A_182, %parallel_loop3A_191], %parallel_loop3A_196 : memref<4x4x1024xf32, #tpu.memory_space<vmem>>[vector<16xi32>, vector<16xi32>, vector<16xi32>], vector<16xf32>,
        %parallel_loop3A_207 = arith.constant 0 : i32
        %parallel_loop3A_208 = arith.constant 0 : i32
        %parallel_loop3A_209 = arith.constant 0 : i32
        %parallel_loop3A_210 = tpu.memref_slice %arg8[%parallel_loop3A_155, %parallel_loop3A_207, %parallel_loop3A_208, %parallel_loop3A_209] : memref<2x4x4x1024xf32, #tpu.memory_space<vmem>> -> memref<1x4x4x1024xf32, #tpu.memory_space<vmem>>
        %parallel_loop3A_211 = tpu.memref_squeeze %parallel_loop3A_210 : memref<1x4x4x1024xf32, #tpu.memory_space<vmem>> -> memref<4x4x1024xf32, #tpu.memory_space<vmem>>
        tpu.vector_store_idx %parallel_loop3A_211[%add3A_16, %parallel_loop3A_182, %parallel_loop3A_191], %parallel_loop3A_201 : memref<4x4x1024xf32, #tpu.memory_space<vmem>>[vector<16xi32>, vector<16xi32>, vector<16xi32>], vector<16xf32>,
        %parallel_loop3A_212 = arith.constant 16 : i32
        %parallel_loop3A_213 = arith.muli %parallel_loop3A_212, %parallel_loop3A_175 : i32
        %parallel_loop3A_214 = arith.constant 1 : i32
        %parallel_loop3A_215 = arith.addi %parallel_loop3A_213, %parallel_loop3A_214 : i32
        %parallel_loop3A_216 = arith.constant 1 : i32
        %parallel_loop3A_217 = vector.broadcast %parallel_loop3A_216 : i32 to vector<16xi32>
        %parallel_loop3A_218 = arith.addi %parallel_loop3A_184, %parallel_loop3A_217 : vector<16xi32>
        %parallel_loop3A_219 = arith.constant 1 : i32
        %parallel_loop3A_220 = arith.index_cast %parallel_loop3A_219 : i32 to index
        %parallel_loop3A_221 = arith.index_cast %parallel_loop3A_215 : i32 to index
        %parallel_loop3A_222 = arith.constant 0 : index
        %parallel_loop3A_223 = tpu.vector_load %arg7[%parallel_loop3A_220, %parallel_loop3A_221, %parallel_loop3A_222] {strides = array<i32>} : memref<2x512x32xf32, #tpu.memory_space<vmem>>, vector<16xf32>,
        %parallel_loop3A_224 = arith.constant 1 : i32
        %parallel_loop3A_225 = arith.index_cast %parallel_loop3A_224 : i32 to index
        %parallel_loop3A_226 = arith.index_cast %parallel_loop3A_215 : i32 to index
        %parallel_loop3A_227 = arith.constant 16 : index
        %parallel_loop3A_228 = tpu.vector_load %arg7[%parallel_loop3A_225, %parallel_loop3A_226, %parallel_loop3A_227] {strides = array<i32>} : memref<2x512x32xf32, #tpu.memory_space<vmem>>, vector<16xf32>,
        %parallel_loop3A_229 = arith.constant 0 : i32
        %parallel_loop3A_230 = arith.constant 0 : i32
        %parallel_loop3A_231 = arith.constant 0 : i32
        %parallel_loop3A_232 = tpu.memref_slice %arg8[%parallel_loop3A_155, %parallel_loop3A_229, %parallel_loop3A_230, %parallel_loop3A_231] : memref<2x4x4x1024xf32, #tpu.memory_space<vmem>> -> memref<1x4x4x1024xf32, #tpu.memory_space<vmem>>
        %parallel_loop3A_233 = tpu.memref_squeeze %parallel_loop3A_232 : memref<1x4x4x1024xf32, #tpu.memory_space<vmem>> -> memref<4x4x1024xf32, #tpu.memory_space<vmem>>
        tpu.vector_store_idx %parallel_loop3A_233[%shift_right_logical3A_13, %parallel_loop3A_182, %parallel_loop3A_218], %parallel_loop3A_223 : memref<4x4x1024xf32, #tpu.memory_space<vmem>>[vector<16xi32>, vector<16xi32>, vector<16xi32>], vector<16xf32>,
        %parallel_loop3A_234 = arith.constant 0 : i32
        %parallel_loop3A_235 = arith.constant 0 : i32
        %parallel_loop3A_236 = arith.constant 0 : i32
        %parallel_loop3A_237 = tpu.memref_slice %arg8[%parallel_loop3A_155, %parallel_loop3A_234, %parallel_loop3A_235, %parallel_loop3A_236] : memref<2x4x4x1024xf32, #tpu.memory_space<vmem>> -> memref<1x4x4x1024xf32, #tpu.memory_space<vmem>>
        %parallel_loop3A_238 = tpu.memref_squeeze %parallel_loop3A_237 : memref<1x4x4x1024xf32, #tpu.memory_space<vmem>> -> memref<4x4x1024xf32, #tpu.memory_space<vmem>>
        tpu.vector_store_idx %parallel_loop3A_238[%add3A_16, %parallel_loop3A_182, %parallel_loop3A_218], %parallel_loop3A_228 : memref<4x4x1024xf32, #tpu.memory_space<vmem>>[vector<16xi32>, vector<16xi32>, vector<16xi32>], vector<16xf32>,
        %parallel_loop3A_239 = arith.constant 16 : i32
        %parallel_loop3A_240 = arith.muli %parallel_loop3A_239, %parallel_loop3A_175 : i32
        %parallel_loop3A_241 = arith.constant 2 : i32
        %parallel_loop3A_242 = arith.addi %parallel_loop3A_240, %parallel_loop3A_241 : i32
        %parallel_loop3A_243 = arith.constant 2 : i32
        %parallel_loop3A_244 = vector.broadcast %parallel_loop3A_243 : i32 to vector<16xi32>
        %parallel_loop3A_245 = arith.addi %parallel_loop3A_184, %parallel_loop3A_244 : vector<16xi32>
        %parallel_loop3A_246 = arith.constant 1 : i32
        %parallel_loop3A_247 = arith.index_cast %parallel_loop3A_246 : i32 to index
        %parallel_loop3A_248 = arith.index_cast %parallel_loop3A_242 : i32 to index
        %parallel_loop3A_249 = arith.constant 0 : index
        %parallel_loop3A_250 = tpu.vector_load %arg7[%parallel_loop3A_247, %parallel_loop3A_248, %parallel_loop3A_249] {strides = array<i32>} : memref<2x512x32xf32, #tpu.memory_space<vmem>>, vector<16xf32>,
        %parallel_loop3A_251 = arith.constant 1 : i32
        %parallel_loop3A_252 = arith.index_cast %parallel_loop3A_251 : i32 to index
        %parallel_loop3A_253 = arith.index_cast %parallel_loop3A_242 : i32 to index
        %parallel_loop3A_254 = arith.constant 16 : index
        %parallel_loop3A_255 = tpu.vector_load %arg7[%parallel_loop3A_252, %parallel_loop3A_253, %parallel_loop3A_254] {strides = array<i32>} : memref<2x512x32xf32, #tpu.memory_space<vmem>>, vector<16xf32>,
        %parallel_loop3A_256 = arith.constant 0 : i32
        %parallel_loop3A_257 = arith.constant 0 : i32
        %parallel_loop3A_258 = arith.constant 0 : i32
        %parallel_loop3A_259 = tpu.memref_slice %arg8[%parallel_loop3A_155, %parallel_loop3A_256, %parallel_loop3A_257, %parallel_loop3A_258] : memref<2x4x4x1024xf32, #tpu.memory_space<vmem>> -> memref<1x4x4x1024xf32, #tpu.memory_space<vmem>>
        %parallel_loop3A_260 = tpu.memref_squeeze %parallel_loop3A_259 : memref<1x4x4x1024xf32, #tpu.memory_space<vmem>> -> memref<4x4x1024xf32, #tpu.memory_space<vmem>>
        tpu.vector_store_idx %parallel_loop3A_260[%shift_right_logical3A_13, %parallel_loop3A_182, %parallel_loop3A_245], %parallel_loop3A_250 : memref<4x4x1024xf32, #tpu.memory_space<vmem>>[vector<16xi32>, vector<16xi32>, vector<16xi32>], vector<16xf32>,
        %parallel_loop3A_261 = arith.constant 0 : i32
        %parallel_loop3A_262 = arith.constant 0 : i32
        %parallel_loop3A_263 = arith.constant 0 : i32
        %parallel_loop3A_264 = tpu.memref_slice %arg8[%parallel_loop3A_155, %parallel_loop3A_261, %parallel_loop3A_262, %parallel_loop3A_263] : memref<2x4x4x1024xf32, #tpu.memory_space<vmem>> -> memref<1x4x4x1024xf32, #tpu.memory_space<vmem>>
        %parallel_loop3A_265 = tpu.memref_squeeze %parallel_loop3A_264 : memref<1x4x4x1024xf32, #tpu.memory_space<vmem>> -> memref<4x4x1024xf32, #tpu.memory_space<vmem>>
        tpu.vector_store_idx %parallel_loop3A_265[%add3A_16, %parallel_loop3A_182, %parallel_loop3A_245], %parallel_loop3A_255 : memref<4x4x1024xf32, #tpu.memory_space<vmem>>[vector<16xi32>, vector<16xi32>, vector<16xi32>], vector<16xf32>,
        %parallel_loop3A_266 = arith.constant 16 : i32
        %parallel_loop3A_267 = arith.muli %parallel_loop3A_266, %parallel_loop3A_175 : i32
        %parallel_loop3A_268 = arith.constant 3 : i32
        %parallel_loop3A_269 = arith.addi %parallel_loop3A_267, %parallel_loop3A_268 : i32
        %parallel_loop3A_270 = arith.constant 3 : i32
        %parallel_loop3A_271 = vector.broadcast %parallel_loop3A_270 : i32 to vector<16xi32>
        %parallel_loop3A_272 = arith.addi %parallel_loop3A_184, %parallel_loop3A_271 : vector<16xi32>
        %parallel_loop3A_273 = arith.constant 1 : i32
        %parallel_loop3A_274 = arith.index_cast %parallel_loop3A_273 : i32 to index
        %parallel_loop3A_275 = arith.index_cast %parallel_loop3A_269 : i32 to index
        %parallel_loop3A_276 = arith.constant 0 : index
        %parallel_loop3A_277 = tpu.vector_load %arg7[%parallel_loop3A_274, %parallel_loop3A_275, %parallel_loop3A_276] {strides = array<i32>} : memref<2x512x32xf32, #tpu.memory_space<vmem>>, vector<16xf32>,
        %parallel_loop3A_278 = arith.constant 1 : i32
        %parallel_loop3A_279 = arith.index_cast %parallel_loop3A_278 : i32 to index
        %parallel_loop3A_280 = arith.index_cast %parallel_loop3A_269 : i32 to index
        %parallel_loop3A_281 = arith.constant 16 : index
        %parallel_loop3A_282 = tpu.vector_load %arg7[%parallel_loop3A_279, %parallel_loop3A_280, %parallel_loop3A_281] {strides = array<i32>} : memref<2x512x32xf32, #tpu.memory_space<vmem>>, vector<16xf32>,
        %parallel_loop3A_283 = arith.constant 0 : i32
        %parallel_loop3A_284 = arith.constant 0 : i32
        %parallel_loop3A_285 = arith.constant 0 : i32
        %parallel_loop3A_286 = tpu.memref_slice %arg8[%parallel_loop3A_155, %parallel_loop3A_283, %parallel_loop3A_284, %parallel_loop3A_285] : memref<2x4x4x1024xf32, #tpu.memory_space<vmem>> -> memref<1x4x4x1024xf32, #tpu.memory_space<vmem>>
        %parallel_loop3A_287 = tpu.memref_squeeze %parallel_loop3A_286 : memref<1x4x4x1024xf32, #tpu.memory_space<vmem>> -> memref<4x4x1024xf32, #tpu.memory_space<vmem>>
        tpu.vector_store_idx %parallel_loop3A_287[%shift_right_logical3A_13, %parallel_loop3A_182, %parallel_loop3A_272], %parallel_loop3A_277 : memref<4x4x1024xf32, #tpu.memory_space<vmem>>[vector<16xi32>, vector<16xi32>, vector<16xi32>], vector<16xf32>,
        %parallel_loop3A_288 = arith.constant 0 : i32
        %parallel_loop3A_289 = arith.constant 0 : i32
        %parallel_loop3A_290 = arith.constant 0 : i32
        %parallel_loop3A_291 = tpu.memref_slice %arg8[%parallel_loop3A_155, %parallel_loop3A_288, %parallel_loop3A_289, %parallel_loop3A_290] : memref<2x4x4x1024xf32, #tpu.memory_space<vmem>> -> memref<1x4x4x1024xf32, #tpu.memory_space<vmem>>
        %parallel_loop3A_292 = tpu.memref_squeeze %parallel_loop3A_291 : memref<1x4x4x1024xf32, #tpu.memory_space<vmem>> -> memref<4x4x1024xf32, #tpu.memory_space<vmem>>
        tpu.vector_store_idx %parallel_loop3A_292[%add3A_16, %parallel_loop3A_182, %parallel_loop3A_272], %parallel_loop3A_282 : memref<4x4x1024xf32, #tpu.memory_space<vmem>>[vector<16xi32>, vector<16xi32>, vector<16xi32>], vector<16xf32>,
        %parallel_loop3A_293 = arith.constant 16 : i32
        %parallel_loop3A_294 = arith.muli %parallel_loop3A_293, %parallel_loop3A_175 : i32
        %parallel_loop3A_295 = arith.constant 4 : i32
        %parallel_loop3A_296 = arith.addi %parallel_loop3A_294, %parallel_loop3A_295 : i32
        %parallel_loop3A_297 = arith.constant 4 : i32
        %parallel_loop3A_298 = vector.broadcast %parallel_loop3A_297 : i32 to vector<16xi32>
        %parallel_loop3A_299 = arith.addi %parallel_loop3A_184, %parallel_loop3A_298 : vector<16xi32>
        %parallel_loop3A_300 = arith.constant 1 : i32
        %parallel_loop3A_301 = arith.index_cast %parallel_loop3A_300 : i32 to index
        %parallel_loop3A_302 = arith.index_cast %parallel_loop3A_296 : i32 to index
        %parallel_loop3A_303 = arith.constant 0 : index
        %parallel_loop3A_304 = tpu.vector_load %arg7[%parallel_loop3A_301, %parallel_loop3A_302, %parallel_loop3A_303] {strides = array<i32>} : memref<2x512x32xf32, #tpu.memory_space<vmem>>, vector<16xf32>,
        %parallel_loop3A_305 = arith.constant 1 : i32
        %parallel_loop3A_306 = arith.index_cast %parallel_loop3A_305 : i32 to index
        %parallel_loop3A_307 = arith.index_cast %parallel_loop3A_296 : i32 to index
        %parallel_loop3A_308 = arith.constant 16 : index
        %parallel_loop3A_309 = tpu.vector_load %arg7[%parallel_loop3A_306, %parallel_loop3A_307, %parallel_loop3A_308] {strides = array<i32>} : memref<2x512x32xf32, #tpu.memory_space<vmem>>, vector<16xf32>,
        %parallel_loop3A_310 = arith.constant 0 : i32
        %parallel_loop3A_311 = arith.constant 0 : i32
        %parallel_loop3A_312 = arith.constant 0 : i32
        %parallel_loop3A_313 = tpu.memref_slice %arg8[%parallel_loop3A_155, %parallel_loop3A_310, %parallel_loop3A_311, %parallel_loop3A_312] : memref<2x4x4x1024xf32, #tpu.memory_space<vmem>> -> memref<1x4x4x1024xf32, #tpu.memory_space<vmem>>
        %parallel_loop3A_314 = tpu.memref_squeeze %parallel_loop3A_313 : memref<1x4x4x1024xf32, #tpu.memory_space<vmem>> -> memref<4x4x1024xf32, #tpu.memory_space<vmem>>
        tpu.vector_store_idx %parallel_loop3A_314[%shift_right_logical3A_13, %parallel_loop3A_182, %parallel_loop3A_299], %parallel_loop3A_304 : memref<4x4x1024xf32, #tpu.memory_space<vmem>>[vector<16xi32>, vector<16xi32>, vector<16xi32>], vector<16xf32>,
        %parallel_loop3A_315 = arith.constant 0 : i32
        %parallel_loop3A_316 = arith.constant 0 : i32
        %parallel_loop3A_317 = arith.constant 0 : i32
        %parallel_loop3A_318 = tpu.memref_slice %arg8[%parallel_loop3A_155, %parallel_loop3A_315, %parallel_loop3A_316, %parallel_loop3A_317] : memref<2x4x4x1024xf32, #tpu.memory_space<vmem>> -> memref<1x4x4x1024xf32, #tpu.memory_space<vmem>>
        %parallel_loop3A_319 = tpu.memref_squeeze %parallel_loop3A_318 : memref<1x4x4x1024xf32, #tpu.memory_space<vmem>> -> memref<4x4x1024xf32, #tpu.memory_space<vmem>>
        tpu.vector_store_idx %parallel_loop3A_319[%add3A_16, %parallel_loop3A_182, %parallel_loop3A_299], %parallel_loop3A_309 : memref<4x4x1024xf32, #tpu.memory_space<vmem>>[vector<16xi32>, vector<16xi32>, vector<16xi32>], vector<16xf32>,
        %parallel_loop3A_320 = arith.constant 16 : i32
        %parallel_loop3A_321 = arith.muli %parallel_loop3A_320, %parallel_loop3A_175 : i32
        %parallel_loop3A_322 = arith.constant 5 : i32
        %parallel_loop3A_323 = arith.addi %parallel_loop3A_321, %parallel_loop3A_322 : i32
        %parallel_loop3A_324 = arith.constant 5 : i32
        %parallel_loop3A_325 = vector.broadcast %parallel_loop3A_324 : i32 to vector<16xi32>
        %parallel_loop3A_326 = arith.addi %parallel_loop3A_184, %parallel_loop3A_325 : vector<16xi32>
        %parallel_loop3A_327 = arith.constant 1 : i32
        %parallel_loop3A_328 = arith.index_cast %parallel_loop3A_327 : i32 to index
        %parallel_loop3A_329 = arith.index_cast %parallel_loop3A_323 : i32 to index
        %parallel_loop3A_330 = arith.constant 0 : index
        %parallel_loop3A_331 = tpu.vector_load %arg7[%parallel_loop3A_328, %parallel_loop3A_329, %parallel_loop3A_330] {strides = array<i32>} : memref<2x512x32xf32, #tpu.memory_space<vmem>>, vector<16xf32>,
        %parallel_loop3A_332 = arith.constant 1 : i32
        %parallel_loop3A_333 = arith.index_cast %parallel_loop3A_332 : i32 to index
        %parallel_loop3A_334 = arith.index_cast %parallel_loop3A_323 : i32 to index
        %parallel_loop3A_335 = arith.constant 16 : index
        %parallel_loop3A_336 = tpu.vector_load %arg7[%parallel_loop3A_333, %parallel_loop3A_334, %parallel_loop3A_335] {strides = array<i32>} : memref<2x512x32xf32, #tpu.memory_space<vmem>>, vector<16xf32>,
        %parallel_loop3A_337 = arith.constant 0 : i32
        %parallel_loop3A_338 = arith.constant 0 : i32
        %parallel_loop3A_339 = arith.constant 0 : i32
        %parallel_loop3A_340 = tpu.memref_slice %arg8[%parallel_loop3A_155, %parallel_loop3A_337, %parallel_loop3A_338, %parallel_loop3A_339] : memref<2x4x4x1024xf32, #tpu.memory_space<vmem>> -> memref<1x4x4x1024xf32, #tpu.memory_space<vmem>>
        %parallel_loop3A_341 = tpu.memref_squeeze %parallel_loop3A_340 : memref<1x4x4x1024xf32, #tpu.memory_space<vmem>> -> memref<4x4x1024xf32, #tpu.memory_space<vmem>>
        tpu.vector_store_idx %parallel_loop3A_341[%shift_right_logical3A_13, %parallel_loop3A_182, %parallel_loop3A_326], %parallel_loop3A_331 : memref<4x4x1024xf32, #tpu.memory_space<vmem>>[vector<16xi32>, vector<16xi32>, vector<16xi32>], vector<16xf32>,
        %parallel_loop3A_342 = arith.constant 0 : i32
        %parallel_loop3A_343 = arith.constant 0 : i32
        %parallel_loop3A_344 = arith.constant 0 : i32
        %parallel_loop3A_345 = tpu.memref_slice %arg8[%parallel_loop3A_155, %parallel_loop3A_342, %parallel_loop3A_343, %parallel_loop3A_344] : memref<2x4x4x1024xf32, #tpu.memory_space<vmem>> -> memref<1x4x4x1024xf32, #tpu.memory_space<vmem>>
        %parallel_loop3A_346 = tpu.memref_squeeze %parallel_loop3A_345 : memref<1x4x4x1024xf32, #tpu.memory_space<vmem>> -> memref<4x4x1024xf32, #tpu.memory_space<vmem>>
        tpu.vector_store_idx %parallel_loop3A_346[%add3A_16, %parallel_loop3A_182, %parallel_loop3A_326], %parallel_loop3A_336 : memref<4x4x1024xf32, #tpu.memory_space<vmem>>[vector<16xi32>, vector<16xi32>, vector<16xi32>], vector<16xf32>,
        %parallel_loop3A_347 = arith.constant 16 : i32
        %parallel_loop3A_348 = arith.muli %parallel_loop3A_347, %parallel_loop3A_175 : i32
        %parallel_loop3A_349 = arith.constant 6 : i32
        %parallel_loop3A_350 = arith.addi %parallel_loop3A_348, %parallel_loop3A_349 : i32
        %parallel_loop3A_351 = arith.constant 6 : i32
        %parallel_loop3A_352 = vector.broadcast %parallel_loop3A_351 : i32 to vector<16xi32>
        %parallel_loop3A_353 = arith.addi %parallel_loop3A_184, %parallel_loop3A_352 : vector<16xi32>
        %parallel_loop3A_354 = arith.constant 1 : i32
        %parallel_loop3A_355 = arith.index_cast %parallel_loop3A_354 : i32 to index
        %parallel_loop3A_356 = arith.index_cast %parallel_loop3A_350 : i32 to index
        %parallel_loop3A_357 = arith.constant 0 : index
        %parallel_loop3A_358 = tpu.vector_load %arg7[%parallel_loop3A_355, %parallel_loop3A_356, %parallel_loop3A_357] {strides = array<i32>} : memref<2x512x32xf32, #tpu.memory_space<vmem>>, vector<16xf32>,
        %parallel_loop3A_359 = arith.constant 1 : i32
        %parallel_loop3A_360 = arith.index_cast %parallel_loop3A_359 : i32 to index
        %parallel_loop3A_361 = arith.index_cast %parallel_loop3A_350 : i32 to index
        %parallel_loop3A_362 = arith.constant 16 : index
        %parallel_loop3A_363 = tpu.vector_load %arg7[%parallel_loop3A_360, %parallel_loop3A_361, %parallel_loop3A_362] {strides = array<i32>} : memref<2x512x32xf32, #tpu.memory_space<vmem>>, vector<16xf32>,
        %parallel_loop3A_364 = arith.constant 0 : i32
        %parallel_loop3A_365 = arith.constant 0 : i32
        %parallel_loop3A_366 = arith.constant 0 : i32
        %parallel_loop3A_367 = tpu.memref_slice %arg8[%parallel_loop3A_155, %parallel_loop3A_364, %parallel_loop3A_365, %parallel_loop3A_366] : memref<2x4x4x1024xf32, #tpu.memory_space<vmem>> -> memref<1x4x4x1024xf32, #tpu.memory_space<vmem>>
        %parallel_loop3A_368 = tpu.memref_squeeze %parallel_loop3A_367 : memref<1x4x4x1024xf32, #tpu.memory_space<vmem>> -> memref<4x4x1024xf32, #tpu.memory_space<vmem>>
        tpu.vector_store_idx %parallel_loop3A_368[%shift_right_logical3A_13, %parallel_loop3A_182, %parallel_loop3A_353], %parallel_loop3A_358 : memref<4x4x1024xf32, #tpu.memory_space<vmem>>[vector<16xi32>, vector<16xi32>, vector<16xi32>], vector<16xf32>,
        %parallel_loop3A_369 = arith.constant 0 : i32
        %parallel_loop3A_370 = arith.constant 0 : i32
        %parallel_loop3A_371 = arith.constant 0 : i32
        %parallel_loop3A_372 = tpu.memref_slice %arg8[%parallel_loop3A_155, %parallel_loop3A_369, %parallel_loop3A_370, %parallel_loop3A_371] : memref<2x4x4x1024xf32, #tpu.memory_space<vmem>> -> memref<1x4x4x1024xf32, #tpu.memory_space<vmem>>
        %parallel_loop3A_373 = tpu.memref_squeeze %parallel_loop3A_372 : memref<1x4x4x1024xf32, #tpu.memory_space<vmem>> -> memref<4x4x1024xf32, #tpu.memory_space<vmem>>
        tpu.vector_store_idx %parallel_loop3A_373[%add3A_16, %parallel_loop3A_182, %parallel_loop3A_353], %parallel_loop3A_363 : memref<4x4x1024xf32, #tpu.memory_space<vmem>>[vector<16xi32>, vector<16xi32>, vector<16xi32>], vector<16xf32>,
        %parallel_loop3A_374 = arith.constant 16 : i32
        %parallel_loop3A_375 = arith.muli %parallel_loop3A_374, %parallel_loop3A_175 : i32
        %parallel_loop3A_376 = arith.constant 7 : i32
        %parallel_loop3A_377 = arith.addi %parallel_loop3A_375, %parallel_loop3A_376 : i32
        %parallel_loop3A_378 = arith.constant 7 : i32
        %parallel_loop3A_379 = vector.broadcast %parallel_loop3A_378 : i32 to vector<16xi32>
        %parallel_loop3A_380 = arith.addi %parallel_loop3A_184, %parallel_loop3A_379 : vector<16xi32>
        %parallel_loop3A_381 = arith.constant 1 : i32
        %parallel_loop3A_382 = arith.index_cast %parallel_loop3A_381 : i32 to index
        %parallel_loop3A_383 = arith.index_cast %parallel_loop3A_377 : i32 to index
        %parallel_loop3A_384 = arith.constant 0 : index
        %parallel_loop3A_385 = tpu.vector_load %arg7[%parallel_loop3A_382, %parallel_loop3A_383, %parallel_loop3A_384] {strides = array<i32>} : memref<2x512x32xf32, #tpu.memory_space<vmem>>, vector<16xf32>,
        %parallel_loop3A_386 = arith.constant 1 : i32
        %parallel_loop3A_387 = arith.index_cast %parallel_loop3A_386 : i32 to index
        %parallel_loop3A_388 = arith.index_cast %parallel_loop3A_377 : i32 to index
        %parallel_loop3A_389 = arith.constant 16 : index
        %parallel_loop3A_390 = tpu.vector_load %arg7[%parallel_loop3A_387, %parallel_loop3A_388, %parallel_loop3A_389] {strides = array<i32>} : memref<2x512x32xf32, #tpu.memory_space<vmem>>, vector<16xf32>,
        %parallel_loop3A_391 = arith.constant 0 : i32
        %parallel_loop3A_392 = arith.constant 0 : i32
        %parallel_loop3A_393 = arith.constant 0 : i32
        %parallel_loop3A_394 = tpu.memref_slice %arg8[%parallel_loop3A_155, %parallel_loop3A_391, %parallel_loop3A_392, %parallel_loop3A_393] : memref<2x4x4x1024xf32, #tpu.memory_space<vmem>> -> memref<1x4x4x1024xf32, #tpu.memory_space<vmem>>
        %parallel_loop3A_395 = tpu.memref_squeeze %parallel_loop3A_394 : memref<1x4x4x1024xf32, #tpu.memory_space<vmem>> -> memref<4x4x1024xf32, #tpu.memory_space<vmem>>
        tpu.vector_store_idx %parallel_loop3A_395[%shift_right_logical3A_13, %parallel_loop3A_182, %parallel_loop3A_380], %parallel_loop3A_385 : memref<4x4x1024xf32, #tpu.memory_space<vmem>>[vector<16xi32>, vector<16xi32>, vector<16xi32>], vector<16xf32>,
        %parallel_loop3A_396 = arith.constant 0 : i32
        %parallel_loop3A_397 = arith.constant 0 : i32
        %parallel_loop3A_398 = arith.constant 0 : i32
        %parallel_loop3A_399 = tpu.memref_slice %arg8[%parallel_loop3A_155, %parallel_loop3A_396, %parallel_loop3A_397, %parallel_loop3A_398] : memref<2x4x4x1024xf32, #tpu.memory_space<vmem>> -> memref<1x4x4x1024xf32, #tpu.memory_space<vmem>>
        %parallel_loop3A_400 = tpu.memref_squeeze %parallel_loop3A_399 : memref<1x4x4x1024xf32, #tpu.memory_space<vmem>> -> memref<4x4x1024xf32, #tpu.memory_space<vmem>>
        tpu.vector_store_idx %parallel_loop3A_400[%add3A_16, %parallel_loop3A_182, %parallel_loop3A_380], %parallel_loop3A_390 : memref<4x4x1024xf32, #tpu.memory_space<vmem>>[vector<16xi32>, vector<16xi32>, vector<16xi32>], vector<16xf32>,
        %parallel_loop3A_401 = arith.constant 16 : i32
        %parallel_loop3A_402 = arith.muli %parallel_loop3A_401, %parallel_loop3A_175 : i32
        %parallel_loop3A_403 = arith.constant 8 : i32
        %parallel_loop3A_404 = arith.addi %parallel_loop3A_402, %parallel_loop3A_403 : i32
        %parallel_loop3A_405 = arith.constant 8 : i32
        %parallel_loop3A_406 = vector.broadcast %parallel_loop3A_405 : i32 to vector<16xi32>
        %parallel_loop3A_407 = arith.addi %parallel_loop3A_184, %parallel_loop3A_406 : vector<16xi32>
        %parallel_loop3A_408 = arith.constant 1 : i32
        %parallel_loop3A_409 = arith.index_cast %parallel_loop3A_408 : i32 to index
        %parallel_loop3A_410 = arith.index_cast %parallel_loop3A_404 : i32 to index
        %parallel_loop3A_411 = arith.constant 0 : index
        %parallel_loop3A_412 = tpu.vector_load %arg7[%parallel_loop3A_409, %parallel_loop3A_410, %parallel_loop3A_411] {strides = array<i32>} : memref<2x512x32xf32, #tpu.memory_space<vmem>>, vector<16xf32>,
        %parallel_loop3A_413 = arith.constant 1 : i32
        %parallel_loop3A_414 = arith.index_cast %parallel_loop3A_413 : i32 to index
        %parallel_loop3A_415 = arith.index_cast %parallel_loop3A_404 : i32 to index
        %parallel_loop3A_416 = arith.constant 16 : index
        %parallel_loop3A_417 = tpu.vector_load %arg7[%parallel_loop3A_414, %parallel_loop3A_415, %parallel_loop3A_416] {strides = array<i32>} : memref<2x512x32xf32, #tpu.memory_space<vmem>>, vector<16xf32>,
        %parallel_loop3A_418 = arith.constant 0 : i32
        %parallel_loop3A_419 = arith.constant 0 : i32
        %parallel_loop3A_420 = arith.constant 0 : i32
        %parallel_loop3A_421 = tpu.memref_slice %arg8[%parallel_loop3A_155, %parallel_loop3A_418, %parallel_loop3A_419, %parallel_loop3A_420] : memref<2x4x4x1024xf32, #tpu.memory_space<vmem>> -> memref<1x4x4x1024xf32, #tpu.memory_space<vmem>>
        %parallel_loop3A_422 = tpu.memref_squeeze %parallel_loop3A_421 : memref<1x4x4x1024xf32, #tpu.memory_space<vmem>> -> memref<4x4x1024xf32, #tpu.memory_space<vmem>>
        tpu.vector_store_idx %parallel_loop3A_422[%shift_right_logical3A_13, %parallel_loop3A_182, %parallel_loop3A_407], %parallel_loop3A_412 : memref<4x4x1024xf32, #tpu.memory_space<vmem>>[vector<16xi32>, vector<16xi32>, vector<16xi32>], vector<16xf32>,
        %parallel_loop3A_423 = arith.constant 0 : i32
        %parallel_loop3A_424 = arith.constant 0 : i32
        %parallel_loop3A_425 = arith.constant 0 : i32
        %parallel_loop3A_426 = tpu.memref_slice %arg8[%parallel_loop3A_155, %parallel_loop3A_423, %parallel_loop3A_424, %parallel_loop3A_425] : memref<2x4x4x1024xf32, #tpu.memory_space<vmem>> -> memref<1x4x4x1024xf32, #tpu.memory_space<vmem>>
        %parallel_loop3A_427 = tpu.memref_squeeze %parallel_loop3A_426 : memref<1x4x4x1024xf32, #tpu.memory_space<vmem>> -> memref<4x4x1024xf32, #tpu.memory_space<vmem>>
        tpu.vector_store_idx %parallel_loop3A_427[%add3A_16, %parallel_loop3A_182, %parallel_loop3A_407], %parallel_loop3A_417 : memref<4x4x1024xf32, #tpu.memory_space<vmem>>[vector<16xi32>, vector<16xi32>, vector<16xi32>], vector<16xf32>,
        %parallel_loop3A_428 = arith.constant 16 : i32
        %parallel_loop3A_429 = arith.muli %parallel_loop3A_428, %parallel_loop3A_175 : i32
        %parallel_loop3A_430 = arith.constant 9 : i32
        %parallel_loop3A_431 = arith.addi %parallel_loop3A_429, %parallel_loop3A_430 : i32
        %parallel_loop3A_432 = arith.constant 9 : i32
        %parallel_loop3A_433 = vector.broadcast %parallel_loop3A_432 : i32 to vector<16xi32>
        %parallel_loop3A_434 = arith.addi %parallel_loop3A_184, %parallel_loop3A_433 : vector<16xi32>
        %parallel_loop3A_435 = arith.constant 1 : i32
        %parallel_loop3A_436 = arith.index_cast %parallel_loop3A_435 : i32 to index
        %parallel_loop3A_437 = arith.index_cast %parallel_loop3A_431 : i32 to index
        %parallel_loop3A_438 = arith.constant 0 : index
        %parallel_loop3A_439 = tpu.vector_load %arg7[%parallel_loop3A_436, %parallel_loop3A_437, %parallel_loop3A_438] {strides = array<i32>} : memref<2x512x32xf32, #tpu.memory_space<vmem>>, vector<16xf32>,
        %parallel_loop3A_440 = arith.constant 1 : i32
        %parallel_loop3A_441 = arith.index_cast %parallel_loop3A_440 : i32 to index
        %parallel_loop3A_442 = arith.index_cast %parallel_loop3A_431 : i32 to index
        %parallel_loop3A_443 = arith.constant 16 : index
        %parallel_loop3A_444 = tpu.vector_load %arg7[%parallel_loop3A_441, %parallel_loop3A_442, %parallel_loop3A_443] {strides = array<i32>} : memref<2x512x32xf32, #tpu.memory_space<vmem>>, vector<16xf32>,
        %parallel_loop3A_445 = arith.constant 0 : i32
        %parallel_loop3A_446 = arith.constant 0 : i32
        %parallel_loop3A_447 = arith.constant 0 : i32
        %parallel_loop3A_448 = tpu.memref_slice %arg8[%parallel_loop3A_155, %parallel_loop3A_445, %parallel_loop3A_446, %parallel_loop3A_447] : memref<2x4x4x1024xf32, #tpu.memory_space<vmem>> -> memref<1x4x4x1024xf32, #tpu.memory_space<vmem>>
        %parallel_loop3A_449 = tpu.memref_squeeze %parallel_loop3A_448 : memref<1x4x4x1024xf32, #tpu.memory_space<vmem>> -> memref<4x4x1024xf32, #tpu.memory_space<vmem>>
        tpu.vector_store_idx %parallel_loop3A_449[%shift_right_logical3A_13, %parallel_loop3A_182, %parallel_loop3A_434], %parallel_loop3A_439 : memref<4x4x1024xf32, #tpu.memory_space<vmem>>[vector<16xi32>, vector<16xi32>, vector<16xi32>], vector<16xf32>,
        %parallel_loop3A_450 = arith.constant 0 : i32
        %parallel_loop3A_451 = arith.constant 0 : i32
        %parallel_loop3A_452 = arith.constant 0 : i32
        %parallel_loop3A_453 = tpu.memref_slice %arg8[%parallel_loop3A_155, %parallel_loop3A_450, %parallel_loop3A_451, %parallel_loop3A_452] : memref<2x4x4x1024xf32, #tpu.memory_space<vmem>> -> memref<1x4x4x1024xf32, #tpu.memory_space<vmem>>
        %parallel_loop3A_454 = tpu.memref_squeeze %parallel_loop3A_453 : memref<1x4x4x1024xf32, #tpu.memory_space<vmem>> -> memref<4x4x1024xf32, #tpu.memory_space<vmem>>
        tpu.vector_store_idx %parallel_loop3A_454[%add3A_16, %parallel_loop3A_182, %parallel_loop3A_434], %parallel_loop3A_444 : memref<4x4x1024xf32, #tpu.memory_space<vmem>>[vector<16xi32>, vector<16xi32>, vector<16xi32>], vector<16xf32>,
        %parallel_loop3A_455 = arith.constant 16 : i32
        %parallel_loop3A_456 = arith.muli %parallel_loop3A_455, %parallel_loop3A_175 : i32
        %parallel_loop3A_457 = arith.constant 10 : i32
        %parallel_loop3A_458 = arith.addi %parallel_loop3A_456, %parallel_loop3A_457 : i32
        %parallel_loop3A_459 = arith.constant 10 : i32
        %parallel_loop3A_460 = vector.broadcast %parallel_loop3A_459 : i32 to vector<16xi32>
        %parallel_loop3A_461 = arith.addi %parallel_loop3A_184, %parallel_loop3A_460 : vector<16xi32>
        %parallel_loop3A_462 = arith.constant 1 : i32
        %parallel_loop3A_463 = arith.index_cast %parallel_loop3A_462 : i32 to index
        %parallel_loop3A_464 = arith.index_cast %parallel_loop3A_458 : i32 to index
        %parallel_loop3A_465 = arith.constant 0 : index
        %parallel_loop3A_466 = tpu.vector_load %arg7[%parallel_loop3A_463, %parallel_loop3A_464, %parallel_loop3A_465] {strides = array<i32>} : memref<2x512x32xf32, #tpu.memory_space<vmem>>, vector<16xf32>,
        %parallel_loop3A_467 = arith.constant 1 : i32
        %parallel_loop3A_468 = arith.index_cast %parallel_loop3A_467 : i32 to index
        %parallel_loop3A_469 = arith.index_cast %parallel_loop3A_458 : i32 to index
        %parallel_loop3A_470 = arith.constant 16 : index
        %parallel_loop3A_471 = tpu.vector_load %arg7[%parallel_loop3A_468, %parallel_loop3A_469, %parallel_loop3A_470] {strides = array<i32>} : memref<2x512x32xf32, #tpu.memory_space<vmem>>, vector<16xf32>,
        %parallel_loop3A_472 = arith.constant 0 : i32
        %parallel_loop3A_473 = arith.constant 0 : i32
        %parallel_loop3A_474 = arith.constant 0 : i32
        %parallel_loop3A_475 = tpu.memref_slice %arg8[%parallel_loop3A_155, %parallel_loop3A_472, %parallel_loop3A_473, %parallel_loop3A_474] : memref<2x4x4x1024xf32, #tpu.memory_space<vmem>> -> memref<1x4x4x1024xf32, #tpu.memory_space<vmem>>
        %parallel_loop3A_476 = tpu.memref_squeeze %parallel_loop3A_475 : memref<1x4x4x1024xf32, #tpu.memory_space<vmem>> -> memref<4x4x1024xf32, #tpu.memory_space<vmem>>
        tpu.vector_store_idx %parallel_loop3A_476[%shift_right_logical3A_13, %parallel_loop3A_182, %parallel_loop3A_461], %parallel_loop3A_466 : memref<4x4x1024xf32, #tpu.memory_space<vmem>>[vector<16xi32>, vector<16xi32>, vector<16xi32>], vector<16xf32>,
        %parallel_loop3A_477 = arith.constant 0 : i32
        %parallel_loop3A_478 = arith.constant 0 : i32
        %parallel_loop3A_479 = arith.constant 0 : i32
        %parallel_loop3A_480 = tpu.memref_slice %arg8[%parallel_loop3A_155, %parallel_loop3A_477, %parallel_loop3A_478, %parallel_loop3A_479] : memref<2x4x4x1024xf32, #tpu.memory_space<vmem>> -> memref<1x4x4x1024xf32, #tpu.memory_space<vmem>>
        %parallel_loop3A_481 = tpu.memref_squeeze %parallel_loop3A_480 : memref<1x4x4x1024xf32, #tpu.memory_space<vmem>> -> memref<4x4x1024xf32, #tpu.memory_space<vmem>>
        tpu.vector_store_idx %parallel_loop3A_481[%add3A_16, %parallel_loop3A_182, %parallel_loop3A_461], %parallel_loop3A_471 : memref<4x4x1024xf32, #tpu.memory_space<vmem>>[vector<16xi32>, vector<16xi32>, vector<16xi32>], vector<16xf32>,
        %parallel_loop3A_482 = arith.constant 16 : i32
        %parallel_loop3A_483 = arith.muli %parallel_loop3A_482, %parallel_loop3A_175 : i32
        %parallel_loop3A_484 = arith.constant 11 : i32
        %parallel_loop3A_485 = arith.addi %parallel_loop3A_483, %parallel_loop3A_484 : i32
        %parallel_loop3A_486 = arith.constant 11 : i32
        %parallel_loop3A_487 = vector.broadcast %parallel_loop3A_486 : i32 to vector<16xi32>
        %parallel_loop3A_488 = arith.addi %parallel_loop3A_184, %parallel_loop3A_487 : vector<16xi32>
        %parallel_loop3A_489 = arith.constant 1 : i32
        %parallel_loop3A_490 = arith.index_cast %parallel_loop3A_489 : i32 to index
        %parallel_loop3A_491 = arith.index_cast %parallel_loop3A_485 : i32 to index
        %parallel_loop3A_492 = arith.constant 0 : index
        %parallel_loop3A_493 = tpu.vector_load %arg7[%parallel_loop3A_490, %parallel_loop3A_491, %parallel_loop3A_492] {strides = array<i32>} : memref<2x512x32xf32, #tpu.memory_space<vmem>>, vector<16xf32>,
        %parallel_loop3A_494 = arith.constant 1 : i32
        %parallel_loop3A_495 = arith.index_cast %parallel_loop3A_494 : i32 to index
        %parallel_loop3A_496 = arith.index_cast %parallel_loop3A_485 : i32 to index
        %parallel_loop3A_497 = arith.constant 16 : index
        %parallel_loop3A_498 = tpu.vector_load %arg7[%parallel_loop3A_495, %parallel_loop3A_496, %parallel_loop3A_497] {strides = array<i32>} : memref<2x512x32xf32, #tpu.memory_space<vmem>>, vector<16xf32>,
        %parallel_loop3A_499 = arith.constant 0 : i32
        %parallel_loop3A_500 = arith.constant 0 : i32
        %parallel_loop3A_501 = arith.constant 0 : i32
        %parallel_loop3A_502 = tpu.memref_slice %arg8[%parallel_loop3A_155, %parallel_loop3A_499, %parallel_loop3A_500, %parallel_loop3A_501] : memref<2x4x4x1024xf32, #tpu.memory_space<vmem>> -> memref<1x4x4x1024xf32, #tpu.memory_space<vmem>>
        %parallel_loop3A_503 = tpu.memref_squeeze %parallel_loop3A_502 : memref<1x4x4x1024xf32, #tpu.memory_space<vmem>> -> memref<4x4x1024xf32, #tpu.memory_space<vmem>>
        tpu.vector_store_idx %parallel_loop3A_503[%shift_right_logical3A_13, %parallel_loop3A_182, %parallel_loop3A_488], %parallel_loop3A_493 : memref<4x4x1024xf32, #tpu.memory_space<vmem>>[vector<16xi32>, vector<16xi32>, vector<16xi32>], vector<16xf32>,
        %parallel_loop3A_504 = arith.constant 0 : i32
        %parallel_loop3A_505 = arith.constant 0 : i32
        %parallel_loop3A_506 = arith.constant 0 : i32
        %parallel_loop3A_507 = tpu.memref_slice %arg8[%parallel_loop3A_155, %parallel_loop3A_504, %parallel_loop3A_505, %parallel_loop3A_506] : memref<2x4x4x1024xf32, #tpu.memory_space<vmem>> -> memref<1x4x4x1024xf32, #tpu.memory_space<vmem>>
        %parallel_loop3A_508 = tpu.memref_squeeze %parallel_loop3A_507 : memref<1x4x4x1024xf32, #tpu.memory_space<vmem>> -> memref<4x4x1024xf32, #tpu.memory_space<vmem>>
        tpu.vector_store_idx %parallel_loop3A_508[%add3A_16, %parallel_loop3A_182, %parallel_loop3A_488], %parallel_loop3A_498 : memref<4x4x1024xf32, #tpu.memory_space<vmem>>[vector<16xi32>, vector<16xi32>, vector<16xi32>], vector<16xf32>,
        %parallel_loop3A_509 = arith.constant 16 : i32
        %parallel_loop3A_510 = arith.muli %parallel_loop3A_509, %parallel_loop3A_175 : i32
        %parallel_loop3A_511 = arith.constant 12 : i32
        %parallel_loop3A_512 = arith.addi %parallel_loop3A_510, %parallel_loop3A_511 : i32
        %parallel_loop3A_513 = arith.constant 12 : i32
        %parallel_loop3A_514 = vector.broadcast %parallel_loop3A_513 : i32 to vector<16xi32>
        %parallel_loop3A_515 = arith.addi %parallel_loop3A_184, %parallel_loop3A_514 : vector<16xi32>
        %parallel_loop3A_516 = arith.constant 1 : i32
        %parallel_loop3A_517 = arith.index_cast %parallel_loop3A_516 : i32 to index
        %parallel_loop3A_518 = arith.index_cast %parallel_loop3A_512 : i32 to index
        %parallel_loop3A_519 = arith.constant 0 : index
        %parallel_loop3A_520 = tpu.vector_load %arg7[%parallel_loop3A_517, %parallel_loop3A_518, %parallel_loop3A_519] {strides = array<i32>} : memref<2x512x32xf32, #tpu.memory_space<vmem>>, vector<16xf32>,
        %parallel_loop3A_521 = arith.constant 1 : i32
        %parallel_loop3A_522 = arith.index_cast %parallel_loop3A_521 : i32 to index
        %parallel_loop3A_523 = arith.index_cast %parallel_loop3A_512 : i32 to index
        %parallel_loop3A_524 = arith.constant 16 : index
        %parallel_loop3A_525 = tpu.vector_load %arg7[%parallel_loop3A_522, %parallel_loop3A_523, %parallel_loop3A_524] {strides = array<i32>} : memref<2x512x32xf32, #tpu.memory_space<vmem>>, vector<16xf32>,
        %parallel_loop3A_526 = arith.constant 0 : i32
        %parallel_loop3A_527 = arith.constant 0 : i32
        %parallel_loop3A_528 = arith.constant 0 : i32
        %parallel_loop3A_529 = tpu.memref_slice %arg8[%parallel_loop3A_155, %parallel_loop3A_526, %parallel_loop3A_527, %parallel_loop3A_528] : memref<2x4x4x1024xf32, #tpu.memory_space<vmem>> -> memref<1x4x4x1024xf32, #tpu.memory_space<vmem>>
        %parallel_loop3A_530 = tpu.memref_squeeze %parallel_loop3A_529 : memref<1x4x4x1024xf32, #tpu.memory_space<vmem>> -> memref<4x4x1024xf32, #tpu.memory_space<vmem>>
        tpu.vector_store_idx %parallel_loop3A_530[%shift_right_logical3A_13, %parallel_loop3A_182, %parallel_loop3A_515], %parallel_loop3A_520 : memref<4x4x1024xf32, #tpu.memory_space<vmem>>[vector<16xi32>, vector<16xi32>, vector<16xi32>], vector<16xf32>,
        %parallel_loop3A_531 = arith.constant 0 : i32
        %parallel_loop3A_532 = arith.constant 0 : i32
        %parallel_loop3A_533 = arith.constant 0 : i32
        %parallel_loop3A_534 = tpu.memref_slice %arg8[%parallel_loop3A_155, %parallel_loop3A_531, %parallel_loop3A_532, %parallel_loop3A_533] : memref<2x4x4x1024xf32, #tpu.memory_space<vmem>> -> memref<1x4x4x1024xf32, #tpu.memory_space<vmem>>
        %parallel_loop3A_535 = tpu.memref_squeeze %parallel_loop3A_534 : memref<1x4x4x1024xf32, #tpu.memory_space<vmem>> -> memref<4x4x1024xf32, #tpu.memory_space<vmem>>
        tpu.vector_store_idx %parallel_loop3A_535[%add3A_16, %parallel_loop3A_182, %parallel_loop3A_515], %parallel_loop3A_525 : memref<4x4x1024xf32, #tpu.memory_space<vmem>>[vector<16xi32>, vector<16xi32>, vector<16xi32>], vector<16xf32>,
        %parallel_loop3A_536 = arith.constant 16 : i32
        %parallel_loop3A_537 = arith.muli %parallel_loop3A_536, %parallel_loop3A_175 : i32
        %parallel_loop3A_538 = arith.constant 13 : i32
        %parallel_loop3A_539 = arith.addi %parallel_loop3A_537, %parallel_loop3A_538 : i32
        %parallel_loop3A_540 = arith.constant 13 : i32
        %parallel_loop3A_541 = vector.broadcast %parallel_loop3A_540 : i32 to vector<16xi32>
        %parallel_loop3A_542 = arith.addi %parallel_loop3A_184, %parallel_loop3A_541 : vector<16xi32>
        %parallel_loop3A_543 = arith.constant 1 : i32
        %parallel_loop3A_544 = arith.index_cast %parallel_loop3A_543 : i32 to index
        %parallel_loop3A_545 = arith.index_cast %parallel_loop3A_539 : i32 to index
        %parallel_loop3A_546 = arith.constant 0 : index
        %parallel_loop3A_547 = tpu.vector_load %arg7[%parallel_loop3A_544, %parallel_loop3A_545, %parallel_loop3A_546] {strides = array<i32>} : memref<2x512x32xf32, #tpu.memory_space<vmem>>, vector<16xf32>,
        %parallel_loop3A_548 = arith.constant 1 : i32
        %parallel_loop3A_549 = arith.index_cast %parallel_loop3A_548 : i32 to index
        %parallel_loop3A_550 = arith.index_cast %parallel_loop3A_539 : i32 to index
        %parallel_loop3A_551 = arith.constant 16 : index
        %parallel_loop3A_552 = tpu.vector_load %arg7[%parallel_loop3A_549, %parallel_loop3A_550, %parallel_loop3A_551] {strides = array<i32>} : memref<2x512x32xf32, #tpu.memory_space<vmem>>, vector<16xf32>,
        %parallel_loop3A_553 = arith.constant 0 : i32
        %parallel_loop3A_554 = arith.constant 0 : i32
        %parallel_loop3A_555 = arith.constant 0 : i32
        %parallel_loop3A_556 = tpu.memref_slice %arg8[%parallel_loop3A_155, %parallel_loop3A_553, %parallel_loop3A_554, %parallel_loop3A_555] : memref<2x4x4x1024xf32, #tpu.memory_space<vmem>> -> memref<1x4x4x1024xf32, #tpu.memory_space<vmem>>
        %parallel_loop3A_557 = tpu.memref_squeeze %parallel_loop3A_556 : memref<1x4x4x1024xf32, #tpu.memory_space<vmem>> -> memref<4x4x1024xf32, #tpu.memory_space<vmem>>
        tpu.vector_store_idx %parallel_loop3A_557[%shift_right_logical3A_13, %parallel_loop3A_182, %parallel_loop3A_542], %parallel_loop3A_547 : memref<4x4x1024xf32, #tpu.memory_space<vmem>>[vector<16xi32>, vector<16xi32>, vector<16xi32>], vector<16xf32>,
        %parallel_loop3A_558 = arith.constant 0 : i32
        %parallel_loop3A_559 = arith.constant 0 : i32
        %parallel_loop3A_560 = arith.constant 0 : i32
        %parallel_loop3A_561 = tpu.memref_slice %arg8[%parallel_loop3A_155, %parallel_loop3A_558, %parallel_loop3A_559, %parallel_loop3A_560] : memref<2x4x4x1024xf32, #tpu.memory_space<vmem>> -> memref<1x4x4x1024xf32, #tpu.memory_space<vmem>>
        %parallel_loop3A_562 = tpu.memref_squeeze %parallel_loop3A_561 : memref<1x4x4x1024xf32, #tpu.memory_space<vmem>> -> memref<4x4x1024xf32, #tpu.memory_space<vmem>>
        tpu.vector_store_idx %parallel_loop3A_562[%add3A_16, %parallel_loop3A_182, %parallel_loop3A_542], %parallel_loop3A_552 : memref<4x4x1024xf32, #tpu.memory_space<vmem>>[vector<16xi32>, vector<16xi32>, vector<16xi32>], vector<16xf32>,
        %parallel_loop3A_563 = arith.constant 16 : i32
        %parallel_loop3A_564 = arith.muli %parallel_loop3A_563, %parallel_loop3A_175 : i32
        %parallel_loop3A_565 = arith.constant 14 : i32
        %parallel_loop3A_566 = arith.addi %parallel_loop3A_564, %parallel_loop3A_565 : i32
        %parallel_loop3A_567 = arith.constant 14 : i32
        %parallel_loop3A_568 = vector.broadcast %parallel_loop3A_567 : i32 to vector<16xi32>
        %parallel_loop3A_569 = arith.addi %parallel_loop3A_184, %parallel_loop3A_568 : vector<16xi32>
        %parallel_loop3A_570 = arith.constant 1 : i32
        %parallel_loop3A_571 = arith.index_cast %parallel_loop3A_570 : i32 to index
        %parallel_loop3A_572 = arith.index_cast %parallel_loop3A_566 : i32 to index
        %parallel_loop3A_573 = arith.constant 0 : index
        %parallel_loop3A_574 = tpu.vector_load %arg7[%parallel_loop3A_571, %parallel_loop3A_572, %parallel_loop3A_573] {strides = array<i32>} : memref<2x512x32xf32, #tpu.memory_space<vmem>>, vector<16xf32>,
        %parallel_loop3A_575 = arith.constant 1 : i32
        %parallel_loop3A_576 = arith.index_cast %parallel_loop3A_575 : i32 to index
        %parallel_loop3A_577 = arith.index_cast %parallel_loop3A_566 : i32 to index
        %parallel_loop3A_578 = arith.constant 16 : index
        %parallel_loop3A_579 = tpu.vector_load %arg7[%parallel_loop3A_576, %parallel_loop3A_577, %parallel_loop3A_578] {strides = array<i32>} : memref<2x512x32xf32, #tpu.memory_space<vmem>>, vector<16xf32>,
        %parallel_loop3A_580 = arith.constant 0 : i32
        %parallel_loop3A_581 = arith.constant 0 : i32
        %parallel_loop3A_582 = arith.constant 0 : i32
        %parallel_loop3A_583 = tpu.memref_slice %arg8[%parallel_loop3A_155, %parallel_loop3A_580, %parallel_loop3A_581, %parallel_loop3A_582] : memref<2x4x4x1024xf32, #tpu.memory_space<vmem>> -> memref<1x4x4x1024xf32, #tpu.memory_space<vmem>>
        %parallel_loop3A_584 = tpu.memref_squeeze %parallel_loop3A_583 : memref<1x4x4x1024xf32, #tpu.memory_space<vmem>> -> memref<4x4x1024xf32, #tpu.memory_space<vmem>>
        tpu.vector_store_idx %parallel_loop3A_584[%shift_right_logical3A_13, %parallel_loop3A_182, %parallel_loop3A_569], %parallel_loop3A_574 : memref<4x4x1024xf32, #tpu.memory_space<vmem>>[vector<16xi32>, vector<16xi32>, vector<16xi32>], vector<16xf32>,
        %parallel_loop3A_585 = arith.constant 0 : i32
        %parallel_loop3A_586 = arith.constant 0 : i32
        %parallel_loop3A_587 = arith.constant 0 : i32
        %parallel_loop3A_588 = tpu.memref_slice %arg8[%parallel_loop3A_155, %parallel_loop3A_585, %parallel_loop3A_586, %parallel_loop3A_587] : memref<2x4x4x1024xf32, #tpu.memory_space<vmem>> -> memref<1x4x4x1024xf32, #tpu.memory_space<vmem>>
        %parallel_loop3A_589 = tpu.memref_squeeze %parallel_loop3A_588 : memref<1x4x4x1024xf32, #tpu.memory_space<vmem>> -> memref<4x4x1024xf32, #tpu.memory_space<vmem>>
        tpu.vector_store_idx %parallel_loop3A_589[%add3A_16, %parallel_loop3A_182, %parallel_loop3A_569], %parallel_loop3A_579 : memref<4x4x1024xf32, #tpu.memory_space<vmem>>[vector<16xi32>, vector<16xi32>, vector<16xi32>], vector<16xf32>,
        %parallel_loop3A_590 = arith.constant 16 : i32
        %parallel_loop3A_591 = arith.muli %parallel_loop3A_590, %parallel_loop3A_175 : i32
        %parallel_loop3A_592 = arith.constant 15 : i32
        %parallel_loop3A_593 = arith.addi %parallel_loop3A_591, %parallel_loop3A_592 : i32
        %parallel_loop3A_594 = arith.constant 15 : i32
        %parallel_loop3A_595 = vector.broadcast %parallel_loop3A_594 : i32 to vector<16xi32>
        %parallel_loop3A_596 = arith.addi %parallel_loop3A_184, %parallel_loop3A_595 : vector<16xi32>
        %parallel_loop3A_597 = arith.constant 1 : i32
        %parallel_loop3A_598 = arith.index_cast %parallel_loop3A_597 : i32 to index
        %parallel_loop3A_599 = arith.index_cast %parallel_loop3A_593 : i32 to index
        %parallel_loop3A_600 = arith.constant 0 : index
        %parallel_loop3A_601 = tpu.vector_load %arg7[%parallel_loop3A_598, %parallel_loop3A_599, %parallel_loop3A_600] {strides = array<i32>} : memref<2x512x32xf32, #tpu.memory_space<vmem>>, vector<16xf32>,
        %parallel_loop3A_602 = arith.constant 1 : i32
        %parallel_loop3A_603 = arith.index_cast %parallel_loop3A_602 : i32 to index
        %parallel_loop3A_604 = arith.index_cast %parallel_loop3A_593 : i32 to index
        %parallel_loop3A_605 = arith.constant 16 : index
        %parallel_loop3A_606 = tpu.vector_load %arg7[%parallel_loop3A_603, %parallel_loop3A_604, %parallel_loop3A_605] {strides = array<i32>} : memref<2x512x32xf32, #tpu.memory_space<vmem>>, vector<16xf32>,
        %parallel_loop3A_607 = arith.constant 0 : i32
        %parallel_loop3A_608 = arith.constant 0 : i32
        %parallel_loop3A_609 = arith.constant 0 : i32
        %parallel_loop3A_610 = tpu.memref_slice %arg8[%parallel_loop3A_155, %parallel_loop3A_607, %parallel_loop3A_608, %parallel_loop3A_609] : memref<2x4x4x1024xf32, #tpu.memory_space<vmem>> -> memref<1x4x4x1024xf32, #tpu.memory_space<vmem>>
        %parallel_loop3A_611 = tpu.memref_squeeze %parallel_loop3A_610 : memref<1x4x4x1024xf32, #tpu.memory_space<vmem>> -> memref<4x4x1024xf32, #tpu.memory_space<vmem>>
        tpu.vector_store_idx %parallel_loop3A_611[%shift_right_logical3A_13, %parallel_loop3A_182, %parallel_loop3A_596], %parallel_loop3A_601 : memref<4x4x1024xf32, #tpu.memory_space<vmem>>[vector<16xi32>, vector<16xi32>, vector<16xi32>], vector<16xf32>,
        %parallel_loop3A_612 = arith.constant 0 : i32
        %parallel_loop3A_613 = arith.constant 0 : i32
        %parallel_loop3A_614 = arith.constant 0 : i32
        %parallel_loop3A_615 = tpu.memref_slice %arg8[%parallel_loop3A_155, %parallel_loop3A_612, %parallel_loop3A_613, %parallel_loop3A_614] : memref<2x4x4x1024xf32, #tpu.memory_space<vmem>> -> memref<1x4x4x1024xf32, #tpu.memory_space<vmem>>
        %parallel_loop3A_616 = tpu.memref_squeeze %parallel_loop3A_615 : memref<1x4x4x1024xf32, #tpu.memory_space<vmem>> -> memref<4x4x1024xf32, #tpu.memory_space<vmem>>
        tpu.vector_store_idx %parallel_loop3A_616[%add3A_16, %parallel_loop3A_182, %parallel_loop3A_596], %parallel_loop3A_606 : memref<4x4x1024xf32, #tpu.memory_space<vmem>>[vector<16xi32>, vector<16xi32>, vector<16xi32>], vector<16xf32>,
      } {sc.loop_unroll_factor = 2 : i64, sc.parallel_access}
      %dma_start3A_156 = arith.constant 1 : i32
      %dma_start3A_157 = arith.constant 0 : i32
      %dma_start3A_158 = arith.constant 0 : i32
      %dma_start3A_159 = arith.constant 0 : i32
      %dma_start3A_160 = tpu.memref_slice %arg8[%dma_start3A_156, %dma_start3A_157, %dma_start3A_158, %dma_start3A_159] : memref<2x4x4x1024xf32, #tpu.memory_space<vmem>> -> memref<1x4x4x1024xf32, #tpu.memory_space<vmem>>
      %dma_start3A_161 = tpu.memref_squeeze %dma_start3A_160 : memref<1x4x4x1024xf32, #tpu.memory_space<vmem>> -> memref<4x4x1024xf32, #tpu.memory_space<vmem>>
      %dma_start3A_162 = arith.constant 0 : i32
      %dma_start3A_163 = arith.constant 0 : i32
      %dma_start3A_164 = tpu.memref_slice %arg4[%add3A_85, %dma_start3A_162, %mul3A_4, %dma_start3A_163] : memref<26x4x128x1024xf32, #tpu.memory_space<hbm>> -> memref<1x4x4x1024xf32, #tpu.memory_space<hbm>>
      %dma_start3A_165 = tpu.memref_squeeze %dma_start3A_164 : memref<1x4x4x1024xf32, #tpu.memory_space<hbm>> -> memref<4x4x1024xf32, #tpu.memory_space<hbm>>
      %dma_start3A_166 = arith.constant 0 : i32
      %dma_start3A_167 = arith.constant 0 : i32
      %dma_start3A_168 = tpu.memref_slice %arg4[%add3A_85, %dma_start3A_166, %mul3A_4, %dma_start3A_167] : memref<26x4x128x1024xf32, #tpu.memory_space<hbm>> -> memref<1x4x4x1024xf32, #tpu.memory_space<hbm>>
      %dma_start3A_169 = tpu.memref_squeeze %dma_start3A_168 : memref<1x4x4x1024xf32, #tpu.memory_space<hbm>> -> memref<4x4x1024xf32, #tpu.memory_space<hbm>>
      %dma_start3A_170 = arith.constant 0 : i32
      %dma_start3A_171 = arith.constant 0 : i32
      %dma_start3A_172 = arith.constant 0 : i32
      %dma_start3A_173 = tpu.memref_slice %arg8[%dma_start3A_156, %dma_start3A_170, %dma_start3A_171, %dma_start3A_172] : memref<2x4x4x1024xf32, #tpu.memory_space<vmem>> -> memref<1x4x4x1024xf32, #tpu.memory_space<vmem>>
      %dma_start3A_174 = tpu.memref_squeeze %dma_start3A_173 : memref<1x4x4x1024xf32, #tpu.memory_space<vmem>> -> memref<4x4x1024xf32, #tpu.memory_space<vmem>>
      tpu.enqueue_dma source(%dma_start3A_174 : memref<4x4x1024xf32, #tpu.memory_space<vmem>>) target(%dma_start3A_169 : memref<4x4x1024xf32, #tpu.memory_space<hbm>>) target_semaphore(%arg12 : memref<!tpu.dma_semaphore, #tpu.memory_space<semaphore_mem>>)
    }
    %scan3A_37 = arith.constant 13 : i32
    %dma_wait3A = arith.constant 0 : i32
    %dma_wait3A_38 = arith.constant 24 : i32
    %dma_wait3A_39 = arith.constant 0 : i32
    %dma_wait3A_40 = arith.constant 0 : i32
    %dma_wait3A_41 = arith.constant 0 : i32
    %dma_wait3A_42 = tpu.memref_slice %arg8[%dma_wait3A, %dma_wait3A_39, %dma_wait3A_40, %dma_wait3A_41] : memref<2x4x4x1024xf32, #tpu.memory_space<vmem>> -> memref<1x4x4x1024xf32, #tpu.memory_space<vmem>>
    %dma_wait3A_43 = tpu.memref_squeeze %dma_wait3A_42 : memref<1x4x4x1024xf32, #tpu.memory_space<vmem>> -> memref<4x4x1024xf32, #tpu.memory_space<vmem>>
    %dma_wait3A_44 = arith.constant 0 : i32
    %dma_wait3A_45 = arith.constant 0 : i32
    %dma_wait3A_46 = tpu.memref_slice %arg4[%dma_wait3A_38, %dma_wait3A_44, %mul3A_4, %dma_wait3A_45] : memref<26x4x128x1024xf32, #tpu.memory_space<hbm>> -> memref<1x4x4x1024xf32, #tpu.memory_space<hbm>>
    %dma_wait3A_47 = tpu.memref_squeeze %dma_wait3A_46 : memref<1x4x4x1024xf32, #tpu.memory_space<hbm>> -> memref<4x4x1024xf32, #tpu.memory_space<hbm>>
    %dma_wait3A_48 = arith.constant 0 : i32
    %dma_wait3A_49 = arith.constant 0 : i32
    %dma_wait3A_50 = tpu.memref_slice %arg4[%dma_wait3A_38, %dma_wait3A_48, %mul3A_4, %dma_wait3A_49] : memref<26x4x128x1024xf32, #tpu.memory_space<hbm>> -> memref<1x4x4x1024xf32, #tpu.memory_space<hbm>>
    %dma_wait3A_51 = tpu.memref_squeeze %dma_wait3A_50 : memref<1x4x4x1024xf32, #tpu.memory_space<hbm>> -> memref<4x4x1024xf32, #tpu.memory_space<hbm>>
    %dma_wait3A_52 = arith.constant 0 : i32
    %dma_wait3A_53 = arith.constant 0 : i32
    %dma_wait3A_54 = arith.constant 0 : i32
    %dma_wait3A_55 = tpu.memref_slice %arg8[%dma_wait3A, %dma_wait3A_52, %dma_wait3A_53, %dma_wait3A_54] : memref<2x4x4x1024xf32, #tpu.memory_space<vmem>> -> memref<1x4x4x1024xf32, #tpu.memory_space<vmem>>
    %dma_wait3A_56 = tpu.memref_squeeze %dma_wait3A_55 : memref<1x4x4x1024xf32, #tpu.memory_space<vmem>> -> memref<4x4x1024xf32, #tpu.memory_space<vmem>>
    tpu.wait_dma2 semaphore(%arg11 : memref<!tpu.dma_semaphore, #tpu.memory_space<semaphore_mem>>) src(%dma_wait3A_56 : memref<4x4x1024xf32, #tpu.memory_space<vmem>>) dst(%dma_wait3A_51 : memref<4x4x1024xf32, #tpu.memory_space<hbm>>)
    %dma_wait3A_57 = arith.constant 1 : i32
    %dma_wait3A_58 = arith.constant 25 : i32
    %dma_wait3A_59 = arith.constant 0 : i32
    %dma_wait3A_60 = arith.constant 0 : i32
    %dma_wait3A_61 = arith.constant 0 : i32
    %dma_wait3A_62 = tpu.memref_slice %arg8[%dma_wait3A_57, %dma_wait3A_59, %dma_wait3A_60, %dma_wait3A_61] : memref<2x4x4x1024xf32, #tpu.memory_space<vmem>> -> memref<1x4x4x1024xf32, #tpu.memory_space<vmem>>
    %dma_wait3A_63 = tpu.memref_squeeze %dma_wait3A_62 : memref<1x4x4x1024xf32, #tpu.memory_space<vmem>> -> memref<4x4x1024xf32, #tpu.memory_space<vmem>>
    %dma_wait3A_64 = arith.constant 0 : i32
    %dma_wait3A_65 = arith.constant 0 : i32
    %dma_wait3A_66 = tpu.memref_slice %arg4[%dma_wait3A_58, %dma_wait3A_64, %mul3A_4, %dma_wait3A_65] : memref<26x4x128x1024xf32, #tpu.memory_space<hbm>> -> memref<1x4x4x1024xf32, #tpu.memory_space<hbm>>
    %dma_wait3A_67 = tpu.memref_squeeze %dma_wait3A_66 : memref<1x4x4x1024xf32, #tpu.memory_space<hbm>> -> memref<4x4x1024xf32, #tpu.memory_space<hbm>>
    %dma_wait3A_68 = arith.constant 0 : i32
    %dma_wait3A_69 = arith.constant 0 : i32
    %dma_wait3A_70 = tpu.memref_slice %arg4[%dma_wait3A_58, %dma_wait3A_68, %mul3A_4, %dma_wait3A_69] : memref<26x4x128x1024xf32, #tpu.memory_space<hbm>> -> memref<1x4x4x1024xf32, #tpu.memory_space<hbm>>
    %dma_wait3A_71 = tpu.memref_squeeze %dma_wait3A_70 : memref<1x4x4x1024xf32, #tpu.memory_space<hbm>> -> memref<4x4x1024xf32, #tpu.memory_space<hbm>>
    %dma_wait3A_72 = arith.constant 0 : i32
    %dma_wait3A_73 = arith.constant 0 : i32
    %dma_wait3A_74 = arith.constant 0 : i32
    %dma_wait3A_75 = tpu.memref_slice %arg8[%dma_wait3A_57, %dma_wait3A_72, %dma_wait3A_73, %dma_wait3A_74] : memref<2x4x4x1024xf32, #tpu.memory_space<vmem>> -> memref<1x4x4x1024xf32, #tpu.memory_space<vmem>>
    %dma_wait3A_76 = tpu.memref_squeeze %dma_wait3A_75 : memref<1x4x4x1024xf32, #tpu.memory_space<vmem>> -> memref<4x4x1024xf32, #tpu.memory_space<vmem>>
    tpu.wait_dma2 semaphore(%arg12 : memref<!tpu.dma_semaphore, #tpu.memory_space<semaphore_mem>>) src(%dma_wait3A_76 : memref<4x4x1024xf32, #tpu.memory_space<vmem>>) dst(%dma_wait3A_71 : memref<4x4x1024xf32, #tpu.memory_space<hbm>>)
    return
  }
}

</mosaic_0001>

<sc_bundles>
// kernel: kernel.3.cloned.1.call-start
scs
__scs_entry_jumppad:
0x0: {  	(pc) =	sbr.rel $0x88, $3  }
0x1: {  	(tag) =	ssettag $0x0;
	lr =	simm.s32 $0x1  }
0x2: {  	[smem:$0x3F9F] =	sst lr;
	_ =	strace $0xD0000000  }
0x3: {  	_ = 	snop  }
0x4: {  	_ = 	snop  }
0x5: {  	_ = 	snop  }
0x6: {  	_ = 	snop  }
0x7: {  	_ = 	snop  }
__scs_overlays_trampoline_lowered:
0x8: {  	[smem:$0x3FAE] =	sst s0  }
0x9: {  	[smem:$0x3FAF] =	sst s1  }
0xa: {  	[smem:$0x3FB0] =	sst s2  }
0xb: {  	[smem:$0x3FB1] =	sst s3  }
0xc: {  	[smem:$0x3FB2] =	sst s4  }
0xd: {  	[smem:$0x3FB3] =	sst s5  }
0xe: {  	[smem:$0x3FB4] =	sst s6  }
0xf: {  	[smem:$0x3FB5] =	sst s7  }
0x10: {  	[smem:$0x3FB6] =	sst s8  }
0x11: {  	[smem:$0x3FB7] =	sst s9;
	s0 =	simm.s32 @!p0 $0x0  }
0x12: {  	s1 =	sld [smem:$0x3F9D];
	s0 =	simm.s32 @p0 $0x1  }
0x13: {  	[smem:$0x3FB8] =	sst s0;
	s0 =	simm.s32 @!p1 $0x0  }
0x14: {  	s2 =	sld [smem:$0x3F9C];
	s0 =	simm.s32 @p1 $0x1  }
0x15: {  	[smem:$0x3FB9] =	sst s0;
	s0 =	simm.s32 @!p2 $0x0  }
0x16: {  	s3 =	sld [smem:$0x3FDB];
	s0 =	simm.s32 @p2 $0x1  }
0x17: {  	s4 =	simm.s32 $0x1BF5;
	[smem:$0x3FBB] =	sst s0  }
0x18: {  	s0 =	sld [smem:$0x3F9E];
	_ =	swait.ge [sflag:s4], $0x0  }
0x19: {  	s7 =	sld [smem:$0x3F9F]  }
0x1a: {  	s8 =	sadd.s32 $0xFFFFE003, lr  }
0x1b: {  	s9 =	sadd.s32 $0xFFFFFEF7, lr;
	s5 =	simm.s32 $0xFFFFFFFF;
	p2 =	slt.u32 s8, $0xFFFFF086  }
0x1c: {  	p1 =	slt.u32 s9, $0xF7A;
	s5 =	simm.s32 @!p2 $0x0  }
0x1d: {  	s5 =	simm.s32 @p1 $0x1;
	p0 =	seq.s32 s7, s2  }
0x1e: {  	s7 =	smul.u32 @!p0 $0xF7A, s2;
	p2 =	seq.s32 @!p0 s5, $0x0  }
0x1f: {  	s9 =	smul.u32 $0xF7A, s1;
	s8 =	simm.s32 @!p0 $0x1BF5;
	p2 =	por !p2, p0  }
0x20: {  	[sflag:s8] =	ssyncset.s32 @!p0 $0xFFFFF086;
	s6 =	sadd.s32 @!p0 s3, s7;
	s7 =	simm.s32 @!p0 $0x108  }
0x21: {  	s3 =	sadd.s32 s3, s9;
	s6 =	sadd.s32 @!p0 $0x88, s6;
	s7 =	simm.s32 @p2 $0x1082  }
0x22: {  	[simem:s7], [sflag:s8] =	dma.local @!p0 [hbm:s6], $0xF7A  }
0x23: {  	s9 =	sor.u32 $0xD0000000, s2;
	s6 =	simm.s32 $0x108;
	_ =	swait.ge @!p0 [sflag:s8], $0x0  }
0x24: {  	s3 =	sadd.s32 $0x88, s3;
	s6 =	simm.s32 @!p1 $0x1082;
	[sflag:s4] =	ssyncset.s32 $0xFFFFF086  }
0x25: {  	[simem:s6], [sflag:s4] =	dma.local [hbm:s3], $0xF7A  }
0x26: {  	[smem:$0x3F9F] =	sst s1;
	(tag) =	ssettag s2;
	_ =	strace s9  }
0x27: {  	s1 =	sld [smem:$0x3FAF]  }
0x28: {  	s2 =	sld [smem:$0x3FB0]  }
0x29: {  	s4 =	sld [smem:$0x3FB2]  }
0x2a: {  	p0 =	seq.s32 s5, $0x0;
	s5 =	sld [smem:$0x3FB3]  }
0x2b: {  	s6 =	sld [smem:$0x3FB4]  }
0x2c: {  	s7 =	sld [smem:$0x3FB5]  }
0x2d: {  	s3 =	simm.s32 $0x108;
	s8 =	sld [smem:$0x3FB6]  }
0x2e: {  	s3 =	simm.s32 @!p0 $0x1082;
	s9 =	sld [smem:$0x3FB7]  }
0x2f: {  	lr =	sadd.s32 s0, s3;
	s0 =	sld [smem:$0x3FAE]  }
0x30: {  	s3 =	sld [smem:$0x3FB1]  }
0x31: {  	[smem:$0x3FBA] =	sst s10  }
0x32: {  	s10 =	sld [smem:$0x3FB8];
	_ =	sdelay $0x3  }
0x33: {  	p0 =	seq.s32 s10, $0x1;
	s10 =	sld [smem:$0x3FBA];
	_ =	sdelay $0x3  }
0x34: {  	[smem:$0x3FBA] =	sst s10  }
0x35: {  	s10 =	sld [smem:$0x3FB9];
	_ =	sdelay $0x3  }
0x36: {  	p1 =	seq.s32 s10, $0x1;
	s10 =	sld [smem:$0x3FBA];
	_ =	sdelay $0x3  }
0x37: {  	[smem:$0x3FBA] =	sst s10  }
0x38: {  	s10 =	sld [smem:$0x3FBB]  }
0x39: {  	_ = 	snop;
	(pc) =	sbr.ind lr, $3  }
0x3a: {  	_ = 	snop  }
0x3b: {  	_ = 	snop  }
0x3c: {  	p2 =	seq.s32 s10, $0x1;
	s10 =	sld [smem:$0x3FBA]  }
0x3d: {  	_ =	shalt  }
0x3e: {  	_ =	shalt  }
0x3f: {  	_ =	shalt  }
0x40: {  	_ =	shalt  }
0x41: {  	_ =	shalt  }
0x42: {  	_ =	shalt  }
0x43: {  	_ =	shalt  }
0x44: {  	_ =	shalt  }
0x45: {  	_ =	shalt  }
0x46: {  	_ =	shalt  }
0x47: {  	_ =	shalt  }
0x48: {  	_ =	shalt  }
0x49: {  	_ =	shalt  }
0x4a: {  	_ =	shalt  }
0x4b: {  	_ =	shalt  }
0x4c: {  	_ =	shalt  }
0x4d: {  	_ =	shalt  }
0x4e: {  	_ =	shalt  }
0x4f: {  	_ =	shalt  }
0x50: {  	_ =	shalt  }
0x51: {  	_ =	shalt  }
0x52: {  	_ =	shalt  }
0x53: {  	_ =	shalt  }
0x54: {  	_ =	shalt  }
0x55: {  	_ =	shalt  }
0x56: {  	_ =	shalt  }
0x57: {  	_ =	shalt  }
0x58: {  	_ =	shalt  }
0x59: {  	_ =	shalt  }
0x5a: {  	_ =	shalt  }
0x5b: {  	_ =	shalt  }
0x5c: {  	_ =	shalt  }
0x5d: {  	_ =	shalt  }
0x5e: {  	_ =	shalt  }
0x5f: {  	_ =	shalt  }
0x60: {  	_ =	shalt  }
0x61: {  	_ =	shalt  }
0x62: {  	_ =	shalt  }
0x63: {  	_ =	shalt  }
0x64: {  	_ =	shalt  }
0x65: {  	_ =	shalt  }
0x66: {  	_ =	shalt  }
0x67: {  	_ =	shalt  }
0x68: {  	_ =	shalt  }
0x69: {  	_ =	shalt  }
0x6a: {  	_ =	shalt  }
0x6b: {  	_ =	shalt  }
0x6c: {  	_ =	shalt  }
0x6d: {  	_ =	shalt  }
0x6e: {  	_ =	shalt  }
0x6f: {  	_ =	shalt  }
0x70: {  	_ =	shalt  }
0x71: {  	_ =	shalt  }
0x72: {  	_ =	shalt  }
0x73: {  	_ =	shalt  }
0x74: {  	_ =	shalt  }
0x75: {  	_ =	shalt  }
0x76: {  	_ =	shalt  }
0x77: {  	_ =	shalt  }
0x78: {  	_ =	shalt  }
0x79: {  	_ =	shalt  }
0x7a: {  	_ =	shalt  }
0x7b: {  	_ =	shalt  }
0x7c: {  	_ =	shalt  }
0x7d: {  	_ =	shalt  }
0x7e: {  	_ =	shalt  }
0x7f: {  	_ =	shalt  }
0x80: {  	_ =	shalt  }
0x81: {  	_ =	shalt  }
0x82: {  	_ =	shalt  }
0x83: {  	_ =	shalt  }
0x84: {  	_ =	shalt  }
0x85: {  	_ =	shalt  }
0x86: {  	_ =	shalt  }
0x87: {  	_ =	shalt  }
.Lfunc_end0:
.L_simem_size_0:
called_computation_lowered:
.L_overlay_start_0:
0x88: {  	s2 =	sld [smem:$0x3FD9]  }
0x89: {  	s3 =	sld [smem:$0x3FFE];
	_ =	sdelay $0x1  }
0x8a: {  	s1 =	srdreg.scid  }
0x8b: {  	s0 =	sand.u32 $0x1, s1  }
0x8c: {  	s17 =	sshll.u32 s0, $0xA;
	s2 =	sadd.s32 s3, s2  }
0x8d: {  	s2 =	sadd.s32 s2, s17  }
0x8e: {  	[smem:$0x3FC6] =	sst s2  }
0x8f: {  	_ = 	snop  }
0x90: {  	s2 =	sld [smem:$0x3FD0];
	(tm) =	ssettm $0x1  }
0x91: {  	s18 =	sld [smem:$0x3FFB];
	_ =	sdelay $0x3  }
0x92: {  	_ =	strace s18  }
0x93: {  	s3 =	sld [smem:$0x3FFC];
	_ =	sdelay $0x3  }
0x94: {  	_ =	strace s3  }
0x95: {  	s3 =	sld [smem:$0x3FFD];
	_ =	sdelay $0x3  }
0x96: {  	_ =	strace s3  }
0x97: {  	_ =	strace $0x8FFFFFFF  }
0x98: {  	s19 =	sld [smem:$0x3FDB];
	_ =	sdelay $0x1  }
0x99: {  	s4 =	simm.s32 $_scs_section_size  }
0x9a: {  	s5 =	simm.s32 $_size__tile_overlayer_lowered;
	s6 =	simm.s32 $_tile_overlayer_lowered  }
0x9b: {  	s22 =	simm.s32 $0x1BFF;
	s21 =	sshll.u32 s6, $0x1;
	s3 =	sadd.s32 s4, s19  }
0x9c: {  	s7 =	simm.s32 $0x0;
	s20 =	sshll.u32 s5, $0x1;
	s5 =	sadd.s32 s21, s3  }
0x9d: {  	[timem:s7], [sflag:s22] =	dma.local [hbm:s5], s20  }
0x9e: {  	_ =	swait.ge [sflag:s22], s20  }
0x9f: {  	s4 =	ssub.s32 $0x0, s20;
	[sflag:s22] =	ssyncset.done $0x0  }
0xa0: {  	[sflag:s22] =	ssyncadd.s32 s4;
	_ =	sdelay $0x1  }
0xa1: {  	s23 =	simm.s32 $0x1B8B  }
0xa2: {  	_ =	swait.ge [sflag:s23], $0x1  }
0xa3: {  	[sflag:s23] =	ssyncset.done $0x0  }
0xa4: {  	s25 =	simm.s32 $0x1B8E;
	s24 =	sld [smem:$0x3FFE];
	[sflag:s23] =	ssyncadd.s32 $0xFFFFFFFF  }
0xa5: {  	s26 =	simm.s32 $execute0_lowered;
	[smem:$0x3FD2] =	sst s25  }
0xa6: {  	s5 =	sshll.u32 s26, $0x1;
	_ =	strace $0x80000046;
	[dreg:$0x1] =	wrdreg $0xFFFFFFFF  }
0xa7: {  	s28 =	simm.s32 $_size_execute0_lowered;
	s3 =	sadd.s32 s3, s5;
	[dreg:$0x0] =	wrdreg $0x0  }
0xa8: {  	s5 =	sshll.u32 s28, $0x1;
	[dreg:$0x2] =	wrdreg s3  }
0xa9: {  	[dreg:$0x3] =	wrdreg s5  }
0xaa: {  	[dreg:$0x4] =	wrdreg $0xC0  }
0xab: {  	_ =	task [dreg:s7], $0x5FFFF  }
0xac: {  	[dreg:$0x1] =	wrdreg $0xFFFFFFFF  }
0xad: {  	[dreg:$0x0] =	wrdreg $0x60  }
0xae: {  	[dreg:$0x2] =	wrdreg s24  }
0xaf: {  	[dreg:$0x3] =	wrdreg s2  }
0xb0: {  	[dreg:$0x4] =	wrdreg $0x9  }
0xb1: {  	_ =	task.clear_ibuf [dreg:s7], $0x5FFFF;
	_ =	strace $0x90000046  }
0xb2: {  	s29 =	simm.s32 $0x9;
	_ =	strace $0x80000048  }
0xb3: {  	_ =	swait.ge [sflag:s29], $0x1  }
0xb4: {  	[sflag:s29] =	ssyncadd.s32 $0xFFFFFFFF  }
0xb5: {  	_ =	strace $0x90000048  }
0xb6: {  	_ =	sfence  }
0xb7: {  	s30 =	sld [smem:$0x0];
	_ =	sdelay $0x2  }
0xb8: {  	s31 =	sshll.u32 s1, $0xD;
	s1 =	sshrl.u32 s1, $0x2  }
0xb9: {  	s3 =	sand.u32 $0x4000, s31;
	s1 =	sadd.s32 s1, s30  }
0xba: {  	s0 =	sor.u32 s3, s0;
	s1 =	sshll.u32 s1, $0x11  }
0xbb: {  	s0 =	sor.u32 s1, s0  }
0xbc: {  	s0 =	sadd.s32 $0x8F2B, s0  }
0xbd: {  	[sflag:s0] =	ssyncadd.remote.s32 $0x1  }
0xbe: {  	_ =	sfence.sel $0xFFFF  }
0xbf: {  	[dreg:$0x0] =	wrdreg $0xFFFFFFFF;
	(pc) =	sbr.abs _section_cstart, $3  }
0xc0: {  	[dreg:$0x1] =	wrdreg $0xFFFFFFFF  }
0xc1: {  	_ =	task.clear_ibuf [dreg:s7], $0x2FFFF;
	_ =	strace $0x9FFFFFFF  }
0xc2: {  	(tm) =	ssettm $0x7FFFFFFF  }
0xc3: {  	_ =	shalt  }
tec
execute0_lowered:
.L_overlay_start_1:
0x0: {  	(tag) =	ssettag $0x1  }
0x1: {  	s1 =	rddreg [dreg:$0x0];
	s3 =	srdreg.scid  }
0x2: {  	s0 =	stileid.u32;
	s2 =	rddreg [dreg:$0x1];
	s8 =	simm.s32 $0x5  }
0x3: {  	v2 =	vlaneseq.u32;
	s9 =	simm.s32 $0x200;
	s11 =	simm.s32 $0x6800;
	s12 =	simm.s32 $0xA800  }
0x4: {  	s13 =	simm.s32 $0x1;
	s14 =	simm.s32 $0xE800;
	s15 =	simm.s32 $0x1000;
	v0 =	vand.u32 $0x7, v2  }
0x5: {  	s16 =	simm.s32 $0x20000;
	s4 =	sand.u32 $0x1, s3;
	s3 =	simm.s32 $0x0;
	v1 =	vshrl.u32 v2, $0x3;
	v48 =	vmul.u32 $0x80, v0  }
0x6: {  	s17 =	simm.s32 $0x2;
	s5 =	sshll.u32 s0, $0x1;
	[smem:$0x7FF] =	sst s3;
	v49 =	vmul.u32 $0x1000, v1  }
0x7: {  	s18 =	simm.s32 $0x4;
	s6 =	sor.u32 s4, s5;
	v0 =	vmul.u32 $0x1A, v2;
	_ =	strace $0x80000047;
	[tilespmem:$0x1FFB0] =	vst v48  }
0x8: {  	s19 =	simm.s32 $0x12800;
	s7 =	ssub.s32 $0x2, s4;
	s5 =	smul.u32 $0x680, s6;
	[tilespmem:$0x1FFC0] =	vst v49  }
0x9: {  	s20 =	simm.s32 $0x3;
	s21 =	simm.s32 $0x0;
	s31 =	sshrl.u32 s7, $0x1;
	v51 =	vor.u32 $0x2000, v49;
	[tilespmem:$0x1FFD0] =	vst v0  }
0xa: {  	s4 =	sadd.s32 $0xF42A00, s1;
	v52 =	vor.u32 $0x8, v48;
	s5 =	sadd.s32 s5, s1;
	s1 =	ssub.s32 s7, s31;
	[tilespmem:$0x1FFE0] =	vst v51  }
0xb: {  	s6 =	sshll.u32 s6, $0xC;
	[tilespmem:$0x1FFF0] =	vst v52;
	s5 =	sadd.s32 $0x600, s5;
	s7 =	smax.u32 s1, $0x1  }
.LBB2_1:
0xc: {  	v5 =	vadd.s32 s3, v0  }
0xd: {  	[tilespmem:s3], [sflag:$0x5] =	stream.linear.gather [hbm4b:s5+s3], $0x3400, $0x38;
	[tilespmem:$0x16800] =	vst v63  }
0xe: {  	_ =	swait.ge [sflag:s8], $0x3400  }
0xf: {  	[sflag:s8] =	ssyncset.done $0x0  }
0x10: {  	[sflag:s8] =	ssyncadd.s32 $0xFFFFCC00  }
0x11: {  	s1 =	simm.s32 $0x1A0;
	v5 =	vld.idx.msk [tilespmem:v5+s3+$0x0], $0xffff  }
0x12: {  	v6 =	vadd.s32 s1, v0;
	_ =	sdelay $0x2  }
0x13: {  	s22 =	simm.s32 $0x3500  }
0x14: {  	[tilespmem:s22+$0xFFFFFF00] =	vst v5  }
0x15: {  	s0 =	simm.s32 $0x340;
	v5 =	vld.idx.msk [tilespmem:v6+s3+$0x0], $0xffff  }
0x16: {  	v6 =	vadd.s32 s0, v0;
	_ =	sdelay $0x3  }
0x17: {  	[tilespmem:s22+$0xFFFFFF10] =	vst v5  }
0x18: {  	s10 =	simm.s32 $0x4E0;
	v5 =	vld.idx.msk [tilespmem:v6+s3+$0x0], $0xffff  }
0x19: {  	v6 =	vadd.s32 s10, v0;
	_ =	sdelay $0x3  }
0x1a: {  	[tilespmem:s22+$0xFFFFFF20] =	vst v5  }
0x1b: {  	s23 =	simm.s32 $0x680;
	v5 =	vld.idx.msk [tilespmem:v6+s3+$0x0], $0xffff  }
0x1c: {  	v6 =	vadd.s32 s23, v0;
	_ =	sdelay $0x3  }
0x1d: {  	[tilespmem:s22+$0xFFFFFF30] =	vst v5  }
0x1e: {  	s24 =	simm.s32 $0x820;
	v5 =	vld.idx.msk [tilespmem:v6+s3+$0x0], $0xffff  }
0x1f: {  	v6 =	vadd.s32 s24, v0;
	_ =	sdelay $0x3  }
0x20: {  	[tilespmem:s22+$0xFFFFFF40] =	vst v5  }
0x21: {  	s25 =	simm.s32 $0x9C0;
	v5 =	vld.idx.msk [tilespmem:v6+s3+$0x0], $0xffff  }
0x22: {  	v6 =	vadd.s32 s25, v0;
	_ =	sdelay $0x3  }
0x23: {  	[tilespmem:s22+$0xFFFFFF50] =	vst v5  }
0x24: {  	s26 =	simm.s32 $0xB60;
	v5 =	vld.idx.msk [tilespmem:v6+s3+$0x0], $0xffff  }
0x25: {  	v6 =	vadd.s32 s26, v0;
	_ =	sdelay $0x3  }
0x26: {  	[tilespmem:s22+$0xFFFFFF60] =	vst v5  }
0x27: {  	s28 =	simm.s32 $0xD00;
	v5 =	vld.idx.msk [tilespmem:v6+s3+$0x0], $0xffff  }
0x28: {  	v6 =	vadd.s32 s28, v0;
	_ =	sdelay $0x3  }
0x29: {  	[tilespmem:s22+$0xFFFFFF70] =	vst v5  }
0x2a: {  	s29 =	simm.s32 $0xEA0;
	v5 =	vld.idx.msk [tilespmem:v6+s3+$0x0], $0xffff  }
0x2b: {  	v6 =	vadd.s32 s29, v0;
	_ =	sdelay $0x3  }
0x2c: {  	[tilespmem:s22+$0xFFFFFF80] =	vst v5  }
0x2d: {  	s30 =	simm.s32 $0x1040;
	v5 =	vld.idx.msk [tilespmem:v6+s3+$0x0], $0xffff  }
0x2e: {  	v6 =	vadd.s32 s30, v0;
	_ =	sdelay $0x3  }
0x2f: {  	[tilespmem:s22+$0xFFFFFF90] =	vst v5  }
0x30: {  	s31 =	simm.s32 $0x11E0;
	v5 =	vld.idx.msk [tilespmem:v6+s3+$0x0], $0xffff  }
0x31: {  	v6 =	vadd.s32 s31, v0;
	_ =	sdelay $0x3  }
0x32: {  	[tilespmem:s22+$0xFFFFFFA0] =	vst v5  }
0x33: {  	s0 =	simm.s32 $0x1380;
	v5 =	vld.idx.msk [tilespmem:v6+s3+$0x0], $0xffff  }
0x34: {  	v6 =	vadd.s32 s0, v0;
	_ =	sdelay $0x3  }
0x35: {  	[tilespmem:s22+$0xFFFFFFB0] =	vst v5  }
0x36: {  	s10 =	simm.s32 $0x1520;
	v5 =	vld.idx.msk [tilespmem:v6+s3+$0x0], $0xffff  }
0x37: {  	v6 =	vadd.s32 s10, v0;
	_ =	sdelay $0x3  }
0x38: {  	[tilespmem:s22+$0xFFFFFFC0] =	vst v5  }
0x39: {  	s23 =	simm.s32 $0x16C0;
	v5 =	vld.idx.msk [tilespmem:v6+s3+$0x0], $0xffff  }
0x3a: {  	v6 =	vadd.s32 s23, v0;
	_ =	sdelay $0x3  }
0x3b: {  	[tilespmem:s22+$0xFFFFFFD0] =	vst v5  }
0x3c: {  	s24 =	simm.s32 $0x1860;
	v5 =	vld.idx.msk [tilespmem:v6+s3+$0x0], $0xffff  }
0x3d: {  	v6 =	vadd.s32 s24, v0;
	_ =	sdelay $0x3  }
0x3e: {  	[tilespmem:s22+$0xFFFFFFE0] =	vst v5  }
0x3f: {  	s25 =	simm.s32 $0x1A00;
	v5 =	vld.idx.msk [tilespmem:v6+s3+$0x0], $0xffff  }
0x40: {  	v6 =	vadd.s32 s25, v0;
	_ =	sdelay $0x3  }
0x41: {  	[tilespmem:s22+$0xFFFFFFF0] =	vst v5  }
0x42: {  	s26 =	simm.s32 $0x1BA0;
	v5 =	vld.idx.msk [tilespmem:v6+s3+$0x0], $0xffff  }
0x43: {  	v6 =	vadd.s32 s26, v0;
	_ =	sdelay $0x3  }
0x44: {  	[tilespmem:s22+$0x0] =	vst v5  }
0x45: {  	s28 =	simm.s32 $0x1D40;
	v5 =	vld.idx.msk [tilespmem:v6+s3+$0x0], $0xffff  }
0x46: {  	v6 =	vadd.s32 s28, v0;
	_ =	sdelay $0x3  }
0x47: {  	[tilespmem:s22+$0x10] =	vst v5  }
0x48: {  	s29 =	simm.s32 $0x1EE0;
	v5 =	vld.idx.msk [tilespmem:v6+s3+$0x0], $0xffff  }
0x49: {  	v6 =	vadd.s32 s29, v0;
	_ =	sdelay $0x3  }
0x4a: {  	[tilespmem:s22+$0x20] =	vst v5  }
0x4b: {  	s30 =	simm.s32 $0x2080;
	v5 =	vld.idx.msk [tilespmem:v6+s3+$0x0], $0xffff  }
0x4c: {  	v6 =	vadd.s32 s30, v0;
	_ =	sdelay $0x3  }
0x4d: {  	[tilespmem:s22+$0x30] =	vst v5  }
0x4e: {  	s31 =	simm.s32 $0x2220;
	v5 =	vld.idx.msk [tilespmem:v6+s3+$0x0], $0xffff  }
0x4f: {  	v6 =	vadd.s32 s31, v0;
	_ =	sdelay $0x3  }
0x50: {  	[tilespmem:s22+$0x40] =	vst v5  }
0x51: {  	s0 =	simm.s32 $0x23C0;
	v5 =	vld.idx.msk [tilespmem:v6+s3+$0x0], $0xffff  }
0x52: {  	v6 =	vadd.s32 s0, v0;
	_ =	sdelay $0x3  }
0x53: {  	[tilespmem:s22+$0x50] =	vst v5  }
0x54: {  	s10 =	simm.s32 $0x2560;
	v5 =	vld.idx.msk [tilespmem:v6+s3+$0x0], $0xffff  }
0x55: {  	v6 =	vadd.s32 s10, v0;
	_ =	sdelay $0x3  }
0x56: {  	[tilespmem:s22+$0x60] =	vst v5  }
0x57: {  	s23 =	simm.s32 $0x2700;
	v5 =	vld.idx.msk [tilespmem:v6+s3+$0x0], $0xffff  }
0x58: {  	v6 =	vadd.s32 s23, v0;
	_ =	sdelay $0x3  }
0x59: {  	[tilespmem:s22+$0x70] =	vst v5  }
0x5a: {  	s24 =	simm.s32 $0x28A0;
	v5 =	vld.idx.msk [tilespmem:v6+s3+$0x0], $0xffff  }
0x5b: {  	v6 =	vadd.s32 s24, v0;
	_ =	sdelay $0x3  }
0x5c: {  	[tilespmem:s22+$0x80] =	vst v5  }
0x5d: {  	s25 =	simm.s32 $0x2A40;
	v5 =	vld.idx.msk [tilespmem:v6+s3+$0x0], $0xffff  }
0x5e: {  	v6 =	vadd.s32 s25, v0;
	_ =	sdelay $0x3  }
0x5f: {  	[tilespmem:s22+$0x90] =	vst v5  }
0x60: {  	s26 =	simm.s32 $0x2BE0;
	v5 =	vld.idx.msk [tilespmem:v6+s3+$0x0], $0xffff  }
0x61: {  	v6 =	vadd.s32 s26, v0;
	_ =	sdelay $0x3  }
0x62: {  	[tilespmem:s22+$0xA0] =	vst v5  }
0x63: {  	s28 =	simm.s32 $0x2D80;
	v5 =	vld.idx.msk [tilespmem:v6+s3+$0x0], $0xffff  }
0x64: {  	v6 =	vadd.s32 s28, v0;
	_ =	sdelay $0x3  }
0x65: {  	[tilespmem:s22+$0xB0] =	vst v5  }
0x66: {  	s29 =	simm.s32 $0x2F20;
	v5 =	vld.idx.msk [tilespmem:v6+s3+$0x0], $0xffff  }
0x67: {  	v6 =	vadd.s32 s29, v0;
	_ =	sdelay $0x3  }
0x68: {  	[tilespmem:s22+$0xC0] =	vst v5  }
0x69: {  	s30 =	simm.s32 $0x30C0;
	v5 =	vld.idx.msk [tilespmem:v6+s3+$0x0], $0xffff  }
0x6a: {  	v6 =	vadd.s32 s30, v0;
	_ =	sdelay $0x3  }
0x6b: {  	[tilespmem:s22+$0xD0] =	vst v5  }
0x6c: {  	s31 =	simm.s32 $0x3260;
	v5 =	vld.idx.msk [tilespmem:v6+s3+$0x0], $0xffff  }
0x6d: {  	v6 =	vadd.s32 s31, v0;
	_ =	sdelay $0x3  }
0x6e: {  	[tilespmem:s22+$0xE0] =	vst v5  }
0x6f: {  	s23 =	simm.s32 $0x1;
	v5 =	vld.idx.msk [tilespmem:v6+s3+$0x0], $0xffff  }
0x70: {  	s24 =	simm.s32 $0x2;
	v6 =	vadd.s32 s23, v0  }
.LBB2_2:
0x71: {  	p0 =	sne.s32 s24, $0x19;
	_ =	sdelay $0x2  }
0x72: {  	[tilespmem:s22+$0xF0] =	vst v5  }
0x73: {  	v5 =	vld.idx.msk [tilespmem:v6+s3+$0x0], $0xffff  }
0x74: {  	s1 =	sadd.s32 $0x1A0, s23  }
0x75: {  	v6 =	vadd.s32 s1, v0;
	_ =	sdelay $0x2  }
0x76: {  	s22 =	sadd.s32 $0x200, s22  }
0x77: {  	[tilespmem:s22+$0xFFFFFF00] =	vst v5  }
0x78: {  	v5 =	vld.idx.msk [tilespmem:v6+s3+$0x0], $0xffff  }
0x79: {  	s1 =	sadd.s32 $0x340, s23  }
0x7a: {  	v6 =	vadd.s32 s1, v0;
	_ =	sdelay $0x3  }
0x7b: {  	[tilespmem:s22+$0xFFFFFF10] =	vst v5  }
0x7c: {  	v5 =	vld.idx.msk [tilespmem:v6+s3+$0x0], $0xffff  }
0x7d: {  	s1 =	sadd.s32 $0x4E0, s23  }
0x7e: {  	v6 =	vadd.s32 s1, v0;
	_ =	sdelay $0x3  }
0x7f: {  	[tilespmem:s22+$0xFFFFFF20] =	vst v5  }
0x80: {  	v5 =	vld.idx.msk [tilespmem:v6+s3+$0x0], $0xffff  }
0x81: {  	s1 =	sadd.s32 $0x680, s23  }
0x82: {  	v6 =	vadd.s32 s1, v0;
	_ =	sdelay $0x3  }
0x83: {  	[tilespmem:s22+$0xFFFFFF30] =	vst v5  }
0x84: {  	v5 =	vld.idx.msk [tilespmem:v6+s3+$0x0], $0xffff  }
0x85: {  	s1 =	sadd.s32 $0x820, s23  }
0x86: {  	v6 =	vadd.s32 s1, v0;
	_ =	sdelay $0x3  }
0x87: {  	[tilespmem:s22+$0xFFFFFF40] =	vst v5  }
0x88: {  	v5 =	vld.idx.msk [tilespmem:v6+s3+$0x0], $0xffff  }
0x89: {  	s1 =	sadd.s32 $0x9C0, s23  }
0x8a: {  	v6 =	vadd.s32 s1, v0;
	_ =	sdelay $0x3  }
0x8b: {  	[tilespmem:s22+$0xFFFFFF50] =	vst v5  }
0x8c: {  	v5 =	vld.idx.msk [tilespmem:v6+s3+$0x0], $0xffff  }
0x8d: {  	s1 =	sadd.s32 $0xB60, s23  }
0x8e: {  	v6 =	vadd.s32 s1, v0;
	_ =	sdelay $0x3  }
0x8f: {  	[tilespmem:s22+$0xFFFFFF60] =	vst v5  }
0x90: {  	v5 =	vld.idx.msk [tilespmem:v6+s3+$0x0], $0xffff  }
0x91: {  	s1 =	sadd.s32 $0xD00, s23  }
0x92: {  	v6 =	vadd.s32 s1, v0;
	_ =	sdelay $0x3  }
0x93: {  	[tilespmem:s22+$0xFFFFFF70] =	vst v5  }
0x94: {  	v5 =	vld.idx.msk [tilespmem:v6+s3+$0x0], $0xffff  }
0x95: {  	s1 =	sadd.s32 $0xEA0, s23  }
0x96: {  	v6 =	vadd.s32 s1, v0;
	_ =	sdelay $0x3  }
0x97: {  	[tilespmem:s22+$0xFFFFFF80] =	vst v5  }
0x98: {  	v5 =	vld.idx.msk [tilespmem:v6+s3+$0x0], $0xffff  }
0x99: {  	s1 =	sadd.s32 $0x1040, s23  }
0x9a: {  	v6 =	vadd.s32 s1, v0;
	_ =	sdelay $0x3  }
0x9b: {  	[tilespmem:s22+$0xFFFFFF90] =	vst v5  }
0x9c: {  	v5 =	vld.idx.msk [tilespmem:v6+s3+$0x0], $0xffff  }
0x9d: {  	s1 =	sadd.s32 $0x11E0, s23  }
0x9e: {  	v6 =	vadd.s32 s1, v0;
	_ =	sdelay $0x3  }
0x9f: {  	[tilespmem:s22+$0xFFFFFFA0] =	vst v5  }
0xa0: {  	v5 =	vld.idx.msk [tilespmem:v6+s3+$0x0], $0xffff  }
0xa1: {  	s1 =	sadd.s32 $0x1380, s23  }
0xa2: {  	v6 =	vadd.s32 s1, v0;
	_ =	sdelay $0x3  }
0xa3: {  	[tilespmem:s22+$0xFFFFFFB0] =	vst v5  }
0xa4: {  	v5 =	vld.idx.msk [tilespmem:v6+s3+$0x0], $0xffff  }
0xa5: {  	s1 =	sadd.s32 $0x1520, s23  }
0xa6: {  	v6 =	vadd.s32 s1, v0;
	_ =	sdelay $0x3  }
0xa7: {  	[tilespmem:s22+$0xFFFFFFC0] =	vst v5  }
0xa8: {  	v5 =	vld.idx.msk [tilespmem:v6+s3+$0x0], $0xffff  }
0xa9: {  	s1 =	sadd.s32 $0x16C0, s23  }
0xaa: {  	v6 =	vadd.s32 s1, v0;
	_ =	sdelay $0x3  }
0xab: {  	[tilespmem:s22+$0xFFFFFFD0] =	vst v5  }
0xac: {  	v5 =	vld.idx.msk [tilespmem:v6+s3+$0x0], $0xffff  }
0xad: {  	s1 =	sadd.s32 $0x1860, s23  }
0xae: {  	v6 =	vadd.s32 s1, v0;
	_ =	sdelay $0x3  }
0xaf: {  	[tilespmem:s22+$0xFFFFFFE0] =	vst v5  }
0xb0: {  	v5 =	vld.idx.msk [tilespmem:v6+s3+$0x0], $0xffff  }
0xb1: {  	s1 =	sadd.s32 $0x1A00, s23  }
0xb2: {  	v6 =	vadd.s32 s1, v0;
	_ =	sdelay $0x3  }
0xb3: {  	[tilespmem:s22+$0xFFFFFFF0] =	vst v5  }
0xb4: {  	v5 =	vld.idx.msk [tilespmem:v6+s3+$0x0], $0xffff  }
0xb5: {  	s1 =	sadd.s32 $0x1BA0, s23  }
0xb6: {  	v6 =	vadd.s32 s1, v0;
	_ =	sdelay $0x3  }
0xb7: {  	[tilespmem:s22+$0x0] =	vst v5  }
0xb8: {  	v5 =	vld.idx.msk [tilespmem:v6+s3+$0x0], $0xffff  }
0xb9: {  	s1 =	sadd.s32 $0x1D40, s23  }
0xba: {  	v6 =	vadd.s32 s1, v0;
	_ =	sdelay $0x3  }
0xbb: {  	[tilespmem:s22+$0x10] =	vst v5  }
0xbc: {  	v5 =	vld.idx.msk [tilespmem:v6+s3+$0x0], $0xffff  }
0xbd: {  	s1 =	sadd.s32 $0x1EE0, s23  }
0xbe: {  	v6 =	vadd.s32 s1, v0;
	_ =	sdelay $0x3  }
0xbf: {  	[tilespmem:s22+$0x20] =	vst v5  }
0xc0: {  	v5 =	vld.idx.msk [tilespmem:v6+s3+$0x0], $0xffff  }
0xc1: {  	s1 =	sadd.s32 $0x2080, s23  }
0xc2: {  	v6 =	vadd.s32 s1, v0;
	_ =	sdelay $0x3  }
0xc3: {  	[tilespmem:s22+$0x30] =	vst v5  }
0xc4: {  	v5 =	vld.idx.msk [tilespmem:v6+s3+$0x0], $0xffff  }
0xc5: {  	s1 =	sadd.s32 $0x2220, s23  }
0xc6: {  	v6 =	vadd.s32 s1, v0;
	_ =	sdelay $0x3  }
0xc7: {  	[tilespmem:s22+$0x40] =	vst v5  }
0xc8: {  	v5 =	vld.idx.msk [tilespmem:v6+s3+$0x0], $0xffff  }
0xc9: {  	s1 =	sadd.s32 $0x23C0, s23  }
0xca: {  	v6 =	vadd.s32 s1, v0;
	_ =	sdelay $0x3  }
0xcb: {  	[tilespmem:s22+$0x50] =	vst v5  }
0xcc: {  	v5 =	vld.idx.msk [tilespmem:v6+s3+$0x0], $0xffff  }
0xcd: {  	s1 =	sadd.s32 $0x2560, s23  }
0xce: {  	v6 =	vadd.s32 s1, v0;
	_ =	sdelay $0x3  }
0xcf: {  	[tilespmem:s22+$0x60] =	vst v5  }
0xd0: {  	v5 =	vld.idx.msk [tilespmem:v6+s3+$0x0], $0xffff  }
0xd1: {  	s1 =	sadd.s32 $0x2700, s23  }
0xd2: {  	v6 =	vadd.s32 s1, v0;
	_ =	sdelay $0x3  }
0xd3: {  	[tilespmem:s22+$0x70] =	vst v5  }
0xd4: {  	v5 =	vld.idx.msk [tilespmem:v6+s3+$0x0], $0xffff  }
0xd5: {  	s1 =	sadd.s32 $0x28A0, s23  }
0xd6: {  	v6 =	vadd.s32 s1, v0;
	_ =	sdelay $0x3  }
0xd7: {  	[tilespmem:s22+$0x80] =	vst v5  }
0xd8: {  	v5 =	vld.idx.msk [tilespmem:v6+s3+$0x0], $0xffff  }
0xd9: {  	s1 =	sadd.s32 $0x2A40, s23  }
0xda: {  	v6 =	vadd.s32 s1, v0;
	_ =	sdelay $0x3  }
0xdb: {  	[tilespmem:s22+$0x90] =	vst v5  }
0xdc: {  	v5 =	vld.idx.msk [tilespmem:v6+s3+$0x0], $0xffff  }
0xdd: {  	s1 =	sadd.s32 $0x2BE0, s23  }
0xde: {  	v6 =	vadd.s32 s1, v0;
	_ =	sdelay $0x3  }
0xdf: {  	[tilespmem:s22+$0xA0] =	vst v5  }
0xe0: {  	v5 =	vld.idx.msk [tilespmem:v6+s3+$0x0], $0xffff  }
0xe1: {  	s1 =	sadd.s32 $0x2D80, s23  }
0xe2: {  	v6 =	vadd.s32 s1, v0;
	_ =	sdelay $0x3  }
0xe3: {  	[tilespmem:s22+$0xB0] =	vst v5  }
0xe4: {  	v5 =	vld.idx.msk [tilespmem:v6+s3+$0x0], $0xffff  }
0xe5: {  	s1 =	sadd.s32 $0x2F20, s23  }
0xe6: {  	v6 =	vadd.s32 s1, v0;
	_ =	sdelay $0x3  }
0xe7: {  	[tilespmem:s22+$0xC0] =	vst v5  }
0xe8: {  	v5 =	vld.idx.msk [tilespmem:v6+s3+$0x0], $0xffff  }
0xe9: {  	s1 =	sadd.s32 $0x30C0, s23  }
0xea: {  	v6 =	vadd.s32 s1, v0;
	_ =	sdelay $0x3  }
0xeb: {  	[tilespmem:s22+$0xD0] =	vst v5  }
0xec: {  	v5 =	vld.idx.msk [tilespmem:v6+s3+$0x0], $0xffff  }
0xed: {  	s1 =	sadd.s32 $0x3260, s23;
	s23 =	smov.u32 s24  }
0xee: {  	v6 =	vadd.s32 s1, v0;
	_ =	sdelay $0x2  }
.Ltmp0:
0xef: {  	(pc) =	sbr.rel @p0 .LBB2_2-.Ltmp0, $3  }
0xf0: {  	[tilespmem:s22+$0xE0] =	vst v5  }
0xf1: {  	v5 =	vld.idx.msk [tilespmem:v6+s3+$0x0], $0xffff;
	_ =	sdelay $0x1  }
0xf2: {  	s24 =	sadd.s32 $0x1, s24;
	v6 =	vadd.s32 s23, v0  }
0xf3: {  	_ =	sdelay $0x2  }
0xf4: {  	[tilespmem:s22+$0xF0] =	vst v5  }
0xf5: {  	s1 =	sadd.s32 $0x1A0, s23;
	v5 =	vld.idx.msk [tilespmem:v6+s3+$0x0], $0xffff  }
0xf6: {  	v29 =	vadd.s32 s1, v0;
	_ =	sdelay $0x2  }
0xf7: {  	s1 =	sadd.s32 $0x200, s22  }
0xf8: {  	[tilespmem:s1+$0xFFFFFF00] =	vst v5  }
0xf9: {  	s29 =	sadd.s32 $0x340, s23;
	v5 =	vld.idx.msk [tilespmem:v29+s3+$0x0], $0xffff  }
0xfa: {  	v30 =	vadd.s32 s29, v0;
	_ =	sdelay $0x3  }
0xfb: {  	[tilespmem:s1+$0xFFFFFF10] =	vst v5  }
0xfc: {  	s30 =	sadd.s32 $0x4E0, s23;
	v5 =	vld.idx.msk [tilespmem:v30+s3+$0x0], $0xffff  }
0xfd: {  	v31 =	vadd.s32 s30, v0;
	_ =	sdelay $0x3  }
0xfe: {  	[tilespmem:s1+$0xFFFFFF20] =	vst v5  }
0xff: {  	s31 =	sadd.s32 $0x680, s23;
	v5 =	vld.idx.msk [tilespmem:v31+s3+$0x0], $0xffff  }
0x100: {  	v32 =	vadd.s32 s31, v0;
	_ =	sdelay $0x3  }
0x101: {  	[tilespmem:s1+$0xFFFFFF30] =	vst v5  }
0x102: {  	s0 =	sadd.s32 $0x820, s23;
	v5 =	vld.idx.msk [tilespmem:v32+s3+$0x0], $0xffff  }
0x103: {  	v33 =	vadd.s32 s0, v0;
	_ =	sdelay $0x3  }
0x104: {  	[tilespmem:s1+$0xFFFFFF40] =	vst v5  }
0x105: {  	s10 =	sadd.s32 $0x9C0, s23;
	v5 =	vld.idx.msk [tilespmem:v33+s3+$0x0], $0xffff  }
0x106: {  	v34 =	vadd.s32 s10, v0;
	_ =	sdelay $0x3  }
0x107: {  	[tilespmem:s1+$0xFFFFFF50] =	vst v5  }
0x108: {  	s24 =	sadd.s32 $0xB60, s23;
	v5 =	vld.idx.msk [tilespmem:v34+s3+$0x0], $0xffff  }
0x109: {  	v35 =	vadd.s32 s24, v0;
	_ =	sdelay $0x3  }
0x10a: {  	[tilespmem:s1+$0xFFFFFF60] =	vst v5  }
0x10b: {  	s25 =	sadd.s32 $0xD00, s23;
	v5 =	vld.idx.msk [tilespmem:v35+s3+$0x0], $0xffff  }
0x10c: {  	v36 =	vadd.s32 s25, v0;
	_ =	sdelay $0x3  }
0x10d: {  	[tilespmem:s1+$0xFFFFFF70] =	vst v5  }
0x10e: {  	s26 =	sadd.s32 $0xEA0, s23;
	v5 =	vld.idx.msk [tilespmem:v36+s3+$0x0], $0xffff  }
0x10f: {  	v37 =	vadd.s32 s26, v0;
	_ =	sdelay $0x3  }
0x110: {  	[tilespmem:s1+$0xFFFFFF80] =	vst v5  }
0x111: {  	s28 =	sadd.s32 $0x1040, s23;
	v5 =	vld.idx.msk [tilespmem:v37+s3+$0x0], $0xffff  }
0x112: {  	v38 =	vadd.s32 s28, v0;
	_ =	sdelay $0x3  }
0x113: {  	[tilespmem:s1+$0xFFFFFF90] =	vst v5  }
0x114: {  	s29 =	sadd.s32 $0x11E0, s23;
	v5 =	vld.idx.msk [tilespmem:v38+s3+$0x0], $0xffff  }
0x115: {  	v39 =	vadd.s32 s29, v0;
	_ =	sdelay $0x3  }
0x116: {  	[tilespmem:s1+$0xFFFFFFA0] =	vst v5  }
0x117: {  	s30 =	sadd.s32 $0x1380, s23;
	v5 =	vld.idx.msk [tilespmem:v39+s3+$0x0], $0xffff  }
0x118: {  	v40 =	vadd.s32 s30, v0;
	_ =	sdelay $0x3  }
0x119: {  	[tilespmem:s1+$0xFFFFFFB0] =	vst v5  }
0x11a: {  	s31 =	sadd.s32 $0x1520, s23;
	v5 =	vld.idx.msk [tilespmem:v40+s3+$0x0], $0xffff  }
0x11b: {  	v41 =	vadd.s32 s31, v0;
	_ =	sdelay $0x3  }
0x11c: {  	[tilespmem:s1+$0xFFFFFFC0] =	vst v5  }
0x11d: {  	s0 =	sadd.s32 $0x16C0, s23;
	v5 =	vld.idx.msk [tilespmem:v41+s3+$0x0], $0xffff  }
0x11e: {  	v42 =	vadd.s32 s0, v0;
	_ =	sdelay $0x3  }
0x11f: {  	[tilespmem:s1+$0xFFFFFFD0] =	vst v5  }
0x120: {  	s10 =	sadd.s32 $0x1860, s23;
	v5 =	vld.idx.msk [tilespmem:v42+s3+$0x0], $0xffff  }
0x121: {  	v43 =	vadd.s32 s10, v0;
	_ =	sdelay $0x3  }
0x122: {  	[tilespmem:s1+$0xFFFFFFE0] =	vst v5  }
0x123: {  	s24 =	sadd.s32 $0x1A00, s23;
	v5 =	vld.idx.msk [tilespmem:v43+s3+$0x0], $0xffff  }
0x124: {  	v44 =	vadd.s32 s24, v0;
	_ =	sdelay $0x3  }
0x125: {  	[tilespmem:s1+$0xFFFFFFF0] =	vst v5  }
0x126: {  	s25 =	sadd.s32 $0x1BA0, s23;
	v5 =	vld.idx.msk [tilespmem:v44+s3+$0x0], $0xffff  }
0x127: {  	v45 =	vadd.s32 s25, v0;
	_ =	sdelay $0x3  }
0x128: {  	[tilespmem:s1+$0x0] =	vst v5  }
0x129: {  	s26 =	sadd.s32 $0x1D40, s23;
	v5 =	vld.idx.msk [tilespmem:v45+s3+$0x0], $0xffff  }
0x12a: {  	v46 =	vadd.s32 s26, v0;
	_ =	sdelay $0x3  }
0x12b: {  	[tilespmem:s1+$0x10] =	vst v5  }
0x12c: {  	s28 =	sadd.s32 $0x1EE0, s23;
	v5 =	vld.idx.msk [tilespmem:v46+s3+$0x0], $0xffff  }
0x12d: {  	v47 =	vadd.s32 s28, v0;
	_ =	sdelay $0x3  }
0x12e: {  	[tilespmem:s1+$0x20] =	vst v5  }
0x12f: {  	s29 =	sadd.s32 $0x2080, s23;
	v5 =	vld.idx.msk [tilespmem:v47+s3+$0x0], $0xffff  }
0x130: {  	v50 =	vadd.s32 s29, v0;
	_ =	sdelay $0x3  }
0x131: {  	[tilespmem:s1+$0x30] =	vst v5  }
0x132: {  	s30 =	sadd.s32 $0x2220, s23;
	v5 =	vld.idx.msk [tilespmem:v50+s3+$0x0], $0xffff  }
0x133: {  	v53 =	vadd.s32 s30, v0;
	_ =	sdelay $0x3  }
0x134: {  	[tilespmem:s1+$0x40] =	vst v5  }
0x135: {  	s31 =	sadd.s32 $0x23C0, s23;
	v5 =	vld.idx.msk [tilespmem:v53+s3+$0x0], $0xffff  }
0x136: {  	v54 =	vadd.s32 s31, v0;
	_ =	sdelay $0x3  }
0x137: {  	[tilespmem:s1+$0x50] =	vst v5  }
0x138: {  	s0 =	sadd.s32 $0x2560, s23;
	v5 =	vld.idx.msk [tilespmem:v54+s3+$0x0], $0xffff  }
0x139: {  	v55 =	vadd.s32 s0, v0;
	_ =	sdelay $0x3  }
0x13a: {  	[tilespmem:s1+$0x60] =	vst v5  }
0x13b: {  	s10 =	sadd.s32 $0x2700, s23;
	v5 =	vld.idx.msk [tilespmem:v55+s3+$0x0], $0xffff  }
0x13c: {  	v56 =	vadd.s32 s10, v0;
	_ =	sdelay $0x3  }
0x13d: {  	[tilespmem:s1+$0x70] =	vst v5  }
0x13e: {  	s24 =	sadd.s32 $0x28A0, s23;
	v5 =	vld.idx.msk [tilespmem:v56+s3+$0x0], $0xffff  }
0x13f: {  	v57 =	vadd.s32 s24, v0;
	_ =	sdelay $0x3  }
0x140: {  	[tilespmem:s1+$0x80] =	vst v5  }
0x141: {  	s25 =	sadd.s32 $0x2A40, s23;
	v5 =	vld.idx.msk [tilespmem:v57+s3+$0x0], $0xffff  }
0x142: {  	v58 =	vadd.s32 s25, v0;
	_ =	sdelay $0x3  }
0x143: {  	[tilespmem:s1+$0x90] =	vst v5  }
0x144: {  	s26 =	sadd.s32 $0x2BE0, s23;
	v5 =	vld.idx.msk [tilespmem:v58+s3+$0x0], $0xffff  }
0x145: {  	v59 =	vadd.s32 s26, v0;
	_ =	sdelay $0x3  }
0x146: {  	[tilespmem:s1+$0xA0] =	vst v5  }
0x147: {  	s28 =	sadd.s32 $0x2D80, s23;
	v5 =	vld.idx.msk [tilespmem:v59+s3+$0x0], $0xffff  }
0x148: {  	v60 =	vadd.s32 s28, v0;
	_ =	sdelay $0x3  }
0x149: {  	[tilespmem:s1+$0xB0] =	vst v5  }
0x14a: {  	s29 =	sadd.s32 $0x2F20, s23;
	v5 =	vld.idx.msk [tilespmem:v60+s3+$0x0], $0xffff  }
0x14b: {  	v61 =	vadd.s32 s29, v0;
	_ =	sdelay $0x3  }
0x14c: {  	[tilespmem:s1+$0xC0] =	vst v5  }
0x14d: {  	s30 =	sadd.s32 $0x30C0, s23;
	v5 =	vld.idx.msk [tilespmem:v61+s3+$0x0], $0xffff  }
0x14e: {  	v62 =	vadd.s32 s30, v0;
	_ =	sdelay $0x3  }
0x14f: {  	[tilespmem:s1+$0xD0] =	vst v5  }
0x150: {  	s31 =	sadd.s32 $0x3260, s23;
	v5 =	vld.idx.msk [tilespmem:v62+s3+$0x0], $0xffff  }
0x151: {  	v63 =	vadd.s32 s31, v0;
	_ =	sdelay $0x3  }
0x152: {  	[tilespmem:s1+$0xE0] =	vst v5  }
0x153: {  	v5 =	vld.idx.msk [tilespmem:v63+s3+$0x0], $0xffff;
	_ =	sdelay $0x4  }
0x154: {  	s22 =	simm.s32 $0x0;
	s0 =	simm.s32 $0x3400;
	s23 =	simm.s32 $0x0;
	[tilespmem:s1+$0xF0] =	vst v5  }
0x155: {  	[tilespmem:s11], [sflag:$0x1] =	stream.indirect.gather [hbm4b:s4+s9], $0x20, s0, s9, $0xb8;
	[tilespmem:$0x16800] =	vst v63  }
.LBB2_4:
0x156: {  	s24 =	sshllo.u32 s23, $0x1  }
0x157: {  	s1 =	sshll.u32 s24, $0x9  }
0x158: {  	s1 =	sand.u32 $0x3FFFFE00, s1  }
0x159: {  	s1 =	sadd.s32 $0x3400, s1  }
0x15a: {  	[tilespmem:s12], [sflag:$0x2] =	stream.indirect.gather [hbm4b:s4+s9], $0x20, s1, s9, $0xb8;
	[tilespmem:$0x16800] =	vst v63  }
0x15b: {  	_ =	swait.ge [sflag:s13], $0x4000  }
0x15c: {  	p0 =	seq.s32 s23, $0x0;
	[sflag:s13] =	ssyncset.done $0x0  }
0x15d: {  	s25 =	simm.s32 @!p0 $0x3;
	[sflag:s13] =	ssyncadd.s32 $0xFFFFC000  }
0x15e: {  	s0 =	simm.s32 $0x0;
	s26 =	simm.s32 $0x10;
	_ =	swait.ge @!p0 [sflag:s25], $0x4000  }
0x15f: {  	s29 =	sand.u32 $0xFFFFFC00, s0;
	s10 =	sand.u32 $0x70, s26;
	[sflag:s25] =	ssyncset.done @!p0 $0x0  }
0x160: {  	s28 =	simm.s32 $0x6A00;
	v6 =	vor.u32 s29, v49;
	v5 =	vor.u32 s10, v48;
	[sflag:s25] =	ssyncadd.s32 @!p0 $0xFFFFC000  }
0x161: {  	v7 =	vor.u32 s29, v51;
	v9 =	vor.u32 v6, v5;
	v8 =	vld [tilespmem:s28+$0x0]  }
0x162: {  	v5 =	vor.u32 v7, v5;
	v10 =	vld [tilespmem:s28+$0x10];
	_ =	sdelay $0x1  }
0x163: {  	s29 =	sand.u32 $0x60, s22  }
0x164: {  	v13 =	vor.u32 s29, v48  }
0x165: {  	v14 =	vor.u32 v13, v6;
	v15 =	vld [tilespmem:s28+$0xFFFFFE00];
	[tilespmem:v9+s14+$0x0] =	vst.idx.msk $0xffff, v8  }
0x166: {  	v16 =	vor.u32 v13, v7;
	v13 =	vld [tilespmem:s28+$0xFFFFFE10];
	[tilespmem:v5+s14+$0x0] =	vst.idx.msk $0xffff, v10  }
0x167: {  	v10 =	vor.u32 $0x1, v9;
	v8 =	vld [tilespmem:s28+$0x20]  }
0x168: {  	v12 =	vor.u32 $0x1, v5;
	v11 =	vld [tilespmem:s28+$0x30];
	_ =	sdelay $0x1  }
0x169: {  	[tilespmem:v14+s14+$0x0] =	vst.idx.msk $0xffff, v15  }
0x16a: {  	[tilespmem:v16+s14+$0x0] =	vst.idx.msk $0xffff, v13  }
0x16b: {  	v13 =	vor.u32 $0x1, v14;
	v15 =	vld [tilespmem:s28+$0xFFFFFE20];
	[tilespmem:v10+s14+$0x0] =	vst.idx.msk $0xffff, v8  }
0x16c: {  	v17 =	vor.u32 $0x1, v16;
	v18 =	vld [tilespmem:s28+$0xFFFFFE30];
	[tilespmem:v12+s14+$0x0] =	vst.idx.msk $0xffff, v11  }
0x16d: {  	v10 =	vor.u32 $0x2, v9;
	v8 =	vld [tilespmem:s28+$0x40]  }
0x16e: {  	v12 =	vor.u32 $0x2, v5;
	v11 =	vld [tilespmem:s28+$0x50];
	_ =	sdelay $0x1  }
0x16f: {  	[tilespmem:v13+s14+$0x0] =	vst.idx.msk $0xffff, v15  }
0x170: {  	[tilespmem:v17+s14+$0x0] =	vst.idx.msk $0xffff, v18  }
0x171: {  	v13 =	vor.u32 $0x2, v14;
	v15 =	vld [tilespmem:s28+$0xFFFFFE40];
	[tilespmem:v10+s14+$0x0] =	vst.idx.msk $0xffff, v8  }
0x172: {  	v17 =	vor.u32 $0x2, v16;
	v18 =	vld [tilespmem:s28+$0xFFFFFE50];
	[tilespmem:v12+s14+$0x0] =	vst.idx.msk $0xffff, v11  }
0x173: {  	v10 =	vor.u32 $0x3, v9;
	v8 =	vld [tilespmem:s28+$0x60]  }
0x174: {  	v12 =	vor.u32 $0x3, v5;
	v11 =	vld [tilespmem:s28+$0x70];
	_ =	sdelay $0x1  }
0x175: {  	[tilespmem:v13+s14+$0x0] =	vst.idx.msk $0xffff, v15  }
0x176: {  	[tilespmem:v17+s14+$0x0] =	vst.idx.msk $0xffff, v18  }
0x177: {  	v13 =	vor.u32 $0x3, v14;
	v15 =	vld [tilespmem:s28+$0xFFFFFE60];
	[tilespmem:v10+s14+$0x0] =	vst.idx.msk $0xffff, v8  }
0x178: {  	v17 =	vor.u32 $0x3, v16;
	v18 =	vld [tilespmem:s28+$0xFFFFFE70];
	[tilespmem:v12+s14+$0x0] =	vst.idx.msk $0xffff, v11  }
0x179: {  	v10 =	vor.u32 $0x4, v9;
	v8 =	vld [tilespmem:s28+$0x80]  }
0x17a: {  	v12 =	vor.u32 $0x4, v5;
	v11 =	vld [tilespmem:s28+$0x90];
	_ =	sdelay $0x1  }
0x17b: {  	[tilespmem:v13+s14+$0x0] =	vst.idx.msk $0xffff, v15  }
0x17c: {  	[tilespmem:v17+s14+$0x0] =	vst.idx.msk $0xffff, v18  }
0x17d: {  	v13 =	vor.u32 $0x4, v14;
	v15 =	vld [tilespmem:s28+$0xFFFFFE80];
	[tilespmem:v10+s14+$0x0] =	vst.idx.msk $0xffff, v8  }
0x17e: {  	v17 =	vor.u32 $0x4, v16;
	v18 =	vld [tilespmem:s28+$0xFFFFFE90];
	[tilespmem:v12+s14+$0x0] =	vst.idx.msk $0xffff, v11  }
0x17f: {  	v10 =	vor.u32 $0x5, v9;
	v8 =	vld [tilespmem:s28+$0xA0]  }
0x180: {  	v12 =	vor.u32 $0x5, v5;
	v11 =	vld [tilespmem:s28+$0xB0];
	_ =	sdelay $0x1  }
0x181: {  	[tilespmem:v13+s14+$0x0] =	vst.idx.msk $0xffff, v15  }
0x182: {  	[tilespmem:v17+s14+$0x0] =	vst.idx.msk $0xffff, v18  }
0x183: {  	v13 =	vor.u32 $0x5, v14;
	v15 =	vld [tilespmem:s28+$0xFFFFFEA0];
	[tilespmem:v10+s14+$0x0] =	vst.idx.msk $0xffff, v8  }
0x184: {  	v17 =	vor.u32 $0x5, v16;
	v18 =	vld [tilespmem:s28+$0xFFFFFEB0];
	[tilespmem:v12+s14+$0x0] =	vst.idx.msk $0xffff, v11  }
0x185: {  	v10 =	vor.u32 $0x6, v9;
	v8 =	vld [tilespmem:s28+$0xC0]  }
0x186: {  	v12 =	vor.u32 $0x6, v5;
	v11 =	vld [tilespmem:s28+$0xD0];
	_ =	sdelay $0x1  }
0x187: {  	[tilespmem:v13+s14+$0x0] =	vst.idx.msk $0xffff, v15  }
0x188: {  	[tilespmem:v17+s14+$0x0] =	vst.idx.msk $0xffff, v18  }
0x189: {  	[tilespmem:v10+s14+$0x0] =	vst.idx.msk $0xffff, v8  }
0x18a: {  	[tilespmem:v12+s14+$0x0] =	vst.idx.msk $0xffff, v11;
	v11 =	vor.u32 $0x6, v14;
	v12 =	vld [tilespmem:s28+$0xFFFFFEC0]  }
0x18b: {  	v9 =	vor.u32 $0x7, v9;
	v8 =	vld [tilespmem:s28+$0xE0]  }
0x18c: {  	v13 =	vor.u32 $0x6, v16;
	v15 =	vld [tilespmem:s28+$0xFFFFFED0]  }
0x18d: {  	v5 =	vor.u32 $0x7, v5;
	v10 =	vld [tilespmem:s28+$0xF0];
	_ =	sdelay $0x1  }
0x18e: {  	[tilespmem:v11+s14+$0x0] =	vst.idx.msk $0xffff, v12  }
0x18f: {  	[tilespmem:v9+s14+$0x0] =	vst.idx.msk $0xffff, v8  }
0x190: {  	[tilespmem:v13+s14+$0x0] =	vst.idx.msk $0xffff, v15  }
0x191: {  	s26 =	simm.s32 $0x30;
	s25 =	simm.s32 $0x100;
	v14 =	vor.u32 $0x7, v14;
	[tilespmem:v5+s14+$0x0] =	vst.idx.msk $0xffff, v10;
	v5 =	vor.u32 s10, v52;
	v13 =	vld [tilespmem:s28+$0xFFFFFEE0]  }
0x192: {  	s0 =	sand.u32 $0x70, s26;
	s1 =	sand.u32 $0xFFFFFC00, s25;
	s25 =	simm.s32 $0x6E00;
	v17 =	vld [tilespmem:s28+$0x100];
	v10 =	vor.u32 v6, v5  }
0x193: {  	v19 =	vld [tilespmem:s25+$0x0];
	v12 =	vor.u32 s0, v48;
	s10 =	simm.s32 $0x20  }
0x194: {  	v9 =	vor.u32 s1, v49;
	v8 =	vor.u32 s1, v51;
	v18 =	vld [tilespmem:s28+$0x110];
	v5 =	vor.u32 v7, v5;
	s1 =	sand.u32 $0x60, s10  }
0x195: {  	v24 =	vld [tilespmem:s25+$0xFFFFFE00];
	v11 =	vor.u32 v9, v12;
	v21 =	vor.u32 s1, v48  }
0x196: {  	v15 =	vld [tilespmem:s28+$0xFFFFFEF0];
	[tilespmem:v14+s14+$0x0] =	vst.idx.msk $0xffff, v13;
	v13 =	vor.u32 v21, v9  }
0x197: {  	v12 =	vor.u32 v8, v12;
	[tilespmem:v10+s14+$0x0] =	vst.idx.msk $0xffff, v17;
	v17 =	vld [tilespmem:s25+$0x10]  }
0x198: {  	v14 =	vor.u32 v21, v8;
	v21 =	vld [tilespmem:s25+$0xFFFFFE10]  }
0x199: {  	v16 =	vor.u32 $0x7, v16;
	[tilespmem:v5+s14+$0x0] =	vst.idx.msk $0xffff, v18  }
0x19a: {  	v20 =	vor.u32 $0x1, v10;
	[tilespmem:v11+s14+$0x0] =	vst.idx.msk $0xffff, v19;
	v18 =	vld [tilespmem:s28+$0x120]  }
0x19b: {  	[tilespmem:v13+s14+$0x0] =	vst.idx.msk $0xffff, v24  }
0x19c: {  	v23 =	vor.u32 $0x1, v5;
	v22 =	vld [tilespmem:s28+$0x130];
	[tilespmem:v12+s14+$0x0] =	vst.idx.msk $0xffff, v17  }
0x19d: {  	v19 =	vor.u32 $0x1, v11;
	[tilespmem:v14+s14+$0x0] =	vst.idx.msk $0xffff, v21;
	v17 =	vld [tilespmem:s25+$0x20]  }
0x19e: {  	[tilespmem:v16+s14+$0x0] =	vst.idx.msk $0xffff, v15;
	v15 =	vor.u32 $0x1, v13;
	v16 =	vld [tilespmem:s25+$0xFFFFFE20]  }
0x19f: {  	[tilespmem:v20+s14+$0x0] =	vst.idx.msk $0xffff, v18;
	v18 =	vld [tilespmem:s25+$0x30];
	v20 =	vor.u32 $0x1, v12  }
0x1a0: {  	v25 =	vor.u32 $0x1, v14;
	v26 =	vld [tilespmem:s25+$0xFFFFFE30]  }
0x1a1: {  	[tilespmem:v23+s14+$0x0] =	vst.idx.msk $0xffff, v22  }
0x1a2: {  	v23 =	vor.u32 $0x2, v10;
	v22 =	vld [tilespmem:s28+$0x140];
	[tilespmem:v19+s14+$0x0] =	vst.idx.msk $0xffff, v17  }
0x1a3: {  	v24 =	vor.u32 $0x2, v5;
	v21 =	vld [tilespmem:s28+$0x150];
	[tilespmem:v15+s14+$0x0] =	vst.idx.msk $0xffff, v16  }
0x1a4: {  	v17 =	vld [tilespmem:s28+$0xFFFFFF00];
	[tilespmem:v20+s14+$0x0] =	vst.idx.msk $0xffff, v18  }
0x1a5: {  	v19 =	vor.u32 $0x2, v11;
	[tilespmem:v25+s14+$0x0] =	vst.idx.msk $0xffff, v26;
	v26 =	vor.u32 s29, v52;
	v18 =	vld [tilespmem:s25+$0x40]  }
0x1a6: {  	v20 =	vld [tilespmem:s25+$0x50];
	v6 =	vor.u32 v26, v6  }
0x1a7: {  	v25 =	vld [tilespmem:s25+$0xFFFFFE40];
	[tilespmem:v23+s14+$0x0] =	vst.idx.msk $0xffff, v22;
	v22 =	vor.u32 $0x2, v12  }
0x1a8: {  	v28 =	vld [tilespmem:s25+$0xFFFFFE50];
	[tilespmem:v24+s14+$0x0] =	vst.idx.msk $0xffff, v21;
	v24 =	vor.u32 $0x2, v13  }
0x1a9: {  	v16 =	vor.u32 $0x3, v10;
	v15 =	vld [tilespmem:s28+$0x160]  }
0x1aa: {  	v27 =	vor.u32 $0x2, v14;
	v21 =	vld [tilespmem:s28+$0x170];
	[tilespmem:v19+s14+$0x0] =	vst.idx.msk $0xffff, v18  }
0x1ab: {  	v23 =	vor.u32 $0x3, v5;
	v18 =	vld [tilespmem:s28+$0xFFFFFF10];
	[tilespmem:v6+s14+$0x0] =	vst.idx.msk $0xffff, v17  }
0x1ac: {  	[tilespmem:v22+s14+$0x0] =	vst.idx.msk $0xffff, v20  }
0x1ad: {  	v7 =	vor.u32 v26, v7;
	[tilespmem:v24+s14+$0x0] =	vst.idx.msk $0xffff, v25  }
0x1ae: {  	v20 =	vor.u32 $0x3, v11;
	v19 =	vld [tilespmem:s25+$0x60];
	[tilespmem:v16+s14+$0x0] =	vst.idx.msk $0xffff, v15  }
0x1af: {  	v15 =	vld [tilespmem:s25+$0x70];
	v16 =	vor.u32 $0x3, v12;
	[tilespmem:v27+s14+$0x0] =	vst.idx.msk $0xffff, v28  }
0x1b0: {  	v17 =	vor.u32 $0x3, v13;
	[tilespmem:v23+s14+$0x0] =	vst.idx.msk $0xffff, v21;
	v25 =	vld [tilespmem:s25+$0xFFFFFE60]  }
0x1b1: {  	v22 =	vor.u32 $0x4, v10;
	v21 =	vld [tilespmem:s28+$0x180]  }
0x1b2: {  	v27 =	vor.u32 $0x3, v14;
	v28 =	vld [tilespmem:s25+$0xFFFFFE70];
	[tilespmem:v7+s14+$0x0] =	vst.idx.msk $0xffff, v18  }
0x1b3: {  	v24 =	vor.u32 $0x4, v5;
	v23 =	vld [tilespmem:s28+$0x190];
	[tilespmem:v20+s14+$0x0] =	vst.idx.msk $0xffff, v19  }
0x1b4: {  	[tilespmem:v16+s14+$0x0] =	vst.idx.msk $0xffff, v15  }
0x1b5: {  	[tilespmem:v17+s14+$0x0] =	vst.idx.msk $0xffff, v25  }
0x1b6: {  	v16 =	vor.u32 $0x4, v11;
	v15 =	vld [tilespmem:s25+$0x80];
	[tilespmem:v22+s14+$0x0] =	vst.idx.msk $0xffff, v21  }
0x1b7: {  	v20 =	vor.u32 $0x4, v12;
	v19 =	vld [tilespmem:s25+$0x90];
	[tilespmem:v27+s14+$0x0] =	vst.idx.msk $0xffff, v28  }
0x1b8: {  	v18 =	vor.u32 $0x4, v13;
	[tilespmem:v24+s14+$0x0] =	vst.idx.msk $0xffff, v23;
	v24 =	vld [tilespmem:s25+$0xFFFFFE80]  }
0x1b9: {  	v21 =	vor.u32 $0x5, v10;
	v17 =	vld [tilespmem:s28+$0x1A0]  }
0x1ba: {  	v23 =	vor.u32 $0x5, v5;
	v22 =	vld [tilespmem:s28+$0x1B0]  }
0x1bb: {  	v25 =	vor.u32 $0x4, v14;
	v26 =	vld [tilespmem:s25+$0xFFFFFE90];
	[tilespmem:v16+s14+$0x0] =	vst.idx.msk $0xffff, v15  }
0x1bc: {  	v15 =	vor.u32 $0x1, v6;
	v16 =	vld [tilespmem:s28+$0xFFFFFF20];
	[tilespmem:v20+s14+$0x0] =	vst.idx.msk $0xffff, v19  }
0x1bd: {  	v20 =	vor.u32 $0x5, v11;
	v19 =	vld [tilespmem:s25+$0xA0];
	[tilespmem:v18+s14+$0x0] =	vst.idx.msk $0xffff, v24  }
0x1be: {  	[tilespmem:v21+s14+$0x0] =	vst.idx.msk $0xffff, v17;
	v17 =	vld [tilespmem:s25+$0xB0];
	v21 =	vor.u32 $0x5, v12  }
0x1bf: {  	[tilespmem:v23+s14+$0x0] =	vst.idx.msk $0xffff, v22;
	v22 =	vor.u32 $0x1, v7;
	v23 =	vld [tilespmem:s28+$0xFFFFFF30]  }
0x1c0: {  	v24 =	vor.u32 $0x6, v10;
	[tilespmem:v25+s14+$0x0] =	vst.idx.msk $0xffff, v26;
	v18 =	vld [tilespmem:s28+$0x1C0]  }
0x1c1: {  	v25 =	vor.u32 $0x5, v13;
	[tilespmem:v15+s14+$0x0] =	vst.idx.msk $0xffff, v16;
	v15 =	vld [tilespmem:s25+$0xFFFFFEA0]  }
0x1c2: {  	v26 =	vld [tilespmem:s25+$0xFFFFFEB0];
	v16 =	vor.u32 $0x5, v14;
	[tilespmem:v20+s14+$0x0] =	vst.idx.msk $0xffff, v19  }
0x1c3: {  	v19 =	vld [tilespmem:s28+$0x1D0];
	v20 =	vor.u32 $0x6, v5;
	[tilespmem:v21+s14+$0x0] =	vst.idx.msk $0xffff, v17  }
0x1c4: {  	v21 =	vor.u32 $0x6, v11;
	[tilespmem:v22+s14+$0x0] =	vst.idx.msk $0xffff, v23;
	v17 =	vld [tilespmem:s25+$0xC0]  }
0x1c5: {  	v22 =	vor.u32 $0x6, v12;
	[tilespmem:v24+s14+$0x0] =	vst.idx.msk $0xffff, v18;
	v18 =	vld [tilespmem:s25+$0xD0]  }
0x1c6: {  	v23 =	vor.u32 $0x2, v6;
	v24 =	vld [tilespmem:s28+$0xFFFFFF40];
	[tilespmem:v25+s14+$0x0] =	vst.idx.msk $0xffff, v15  }
0x1c7: {  	s26 =	simm.s32 $0x7200;
	v15 =	vor.u32 $0x2, v7;
	v25 =	vld [tilespmem:s28+$0xFFFFFF50];
	[tilespmem:v16+s14+$0x0] =	vst.idx.msk $0xffff, v26  }
0x1c8: {  	v27 =	vld [tilespmem:s26+$0x10];
	[tilespmem:v20+s14+$0x0] =	vst.idx.msk $0xffff, v19  }
0x1c9: {  	v16 =	vor.u32 $0x6, v13;
	v19 =	vld [tilespmem:s25+$0xFFFFFEC0];
	[tilespmem:v21+s14+$0x0] =	vst.idx.msk $0xffff, v17  }
0x1ca: {  	v20 =	vor.u32 $0x6, v14;
	v26 =	vld [tilespmem:s25+$0xFFFFFED0];
	[tilespmem:v22+s14+$0x0] =	vst.idx.msk $0xffff, v18  }
0x1cb: {  	v11 =	vor.u32 $0x7, v11;
	[tilespmem:v23+s14+$0x0] =	vst.idx.msk $0xffff, v24;
	v17 =	vld [tilespmem:s25+$0xE0]  }
0x1cc: {  	v12 =	vor.u32 $0x7, v12;
	[tilespmem:v15+s14+$0x0] =	vst.idx.msk $0xffff, v25;
	v15 =	vld [tilespmem:s25+$0xF0]  }
0x1cd: {  	v21 =	vld [tilespmem:s28+$0x1E0]  }
0x1ce: {  	v18 =	vor.u32 $0x3, v6;
	v22 =	vld [tilespmem:s28+$0xFFFFFF60];
	[tilespmem:v16+s14+$0x0] =	vst.idx.msk $0xffff, v19  }
0x1cf: {  	v16 =	vor.u32 $0x3, v7;
	v19 =	vld [tilespmem:s28+$0xFFFFFF70];
	[tilespmem:v20+s14+$0x0] =	vst.idx.msk $0xffff, v26  }
0x1d0: {  	v13 =	vor.u32 $0x7, v13;
	v20 =	vld [tilespmem:s25+$0xFFFFFEE0];
	[tilespmem:v11+s14+$0x0] =	vst.idx.msk $0xffff, v17  }
0x1d1: {  	v23 =	vor.u32 $0x7, v14;
	v24 =	vld [tilespmem:s25+$0xFFFFFEF0];
	v11 =	vor.u32 s0, v52;
	[tilespmem:v12+s14+$0x0] =	vst.idx.msk $0xffff, v15  }
0x1d2: {  	v15 =	vor.u32 v9, v11;
	v17 =	vld [tilespmem:s25+$0x100]  }
0x1d3: {  	[tilespmem:v18+s14+$0x0] =	vst.idx.msk $0xffff, v22;
	v14 =	vor.u32 v8, v11;
	v18 =	vld [tilespmem:s25+$0x110]  }
0x1d4: {  	s29 =	simm.s32 $0x50;
	v10 =	vor.u32 $0x7, v10;
	v25 =	vld [tilespmem:s28+$0x1F0];
	s0 =	simm.s32 $0x200;
	[tilespmem:v16+s14+$0x0] =	vst.idx.msk $0xffff, v19  }
0x1d5: {  	s29 =	sand.u32 $0x70, s29;
	s30 =	sand.u32 $0xFFFFFC00, s0;
	v19 =	vor.u32 $0x4, v6;
	v11 =	vld [tilespmem:s28+$0xFFFFFF80];
	[tilespmem:v13+s14+$0x0] =	vst.idx.msk $0xffff, v20  }
0x1d6: {  	v22 =	vor.u32 $0x4, v7;
	v20 =	vld [tilespmem:s28+$0xFFFFFF90];
	v13 =	vor.u32 s30, v49;
	[tilespmem:v23+s14+$0x0] =	vst.idx.msk $0xffff, v24;
	v24 =	vor.u32 s29, v48  }
0x1d7: {  	v26 =	vld [tilespmem:s26+$0x0];
	v12 =	vor.u32 s30, v51;
	v16 =	vor.u32 v13, v24;
	[tilespmem:v15+s14+$0x0] =	vst.idx.msk $0xffff, v17  }
0x1d8: {  	v23 =	vld [tilespmem:s25+$0xFFFFFF00];
	v17 =	vor.u32 v12, v24;
	[tilespmem:v14+s14+$0x0] =	vst.idx.msk $0xffff, v18  }
0x1d9: {  	[tilespmem:v10+s14+$0x0] =	vst.idx.msk $0xffff, v21;
	s30 =	simm.s32 $0x40;
	v24 =	vor.u32 $0x1, v15;
	v21 =	vld [tilespmem:s25+$0x120]  }
0x1da: {  	v28 =	vor.u32 s1, v52;
	s10 =	sand.u32 $0x60, s30;
	[tilespmem:v19+s14+$0x0] =	vst.idx.msk $0xffff, v11;
	v19 =	vor.u32 $0x1, v14;
	v11 =	vld [tilespmem:s25+$0x130]  }
0x1db: {  	v10 =	vor.u32 v28, v9;
	v29 =	vld [tilespmem:s25+$0xFFFFFF10];
	v18 =	vor.u32 s10, v48;
	[tilespmem:v22+s14+$0x0] =	vst.idx.msk $0xffff, v20  }
0x1dc: {  	v9 =	vor.u32 v18, v13;
	v20 =	vld [tilespmem:s26+$0xFFFFFE00];
	[tilespmem:v16+s14+$0x0] =	vst.idx.msk $0xffff, v26  }
0x1dd: {  	v18 =	vor.u32 v18, v12;
	v22 =	vld [tilespmem:s26+$0xFFFFFE10];
	[tilespmem:v17+s14+$0x0] =	vst.idx.msk $0xffff, v27  }
0x1de: {  	v27 =	vor.u32 $0x1, v16;
	v26 =	vld [tilespmem:s26+$0x20];
	[tilespmem:v24+s14+$0x0] =	vst.idx.msk $0xffff, v21  }
0x1df: {  	v21 =	vld [tilespmem:s26+$0x30];
	v24 =	vor.u32 $0x1, v17;
	[tilespmem:v19+s14+$0x0] =	vst.idx.msk $0xffff, v11  }
0x1e0: {  	[tilespmem:v10+s14+$0x0] =	vst.idx.msk $0xffff, v23;
	v23 =	vor.u32 $0x2, v15;
	v19 =	vld [tilespmem:s25+$0x140]  }
0x1e1: {  	v30 =	vor.u32 $0x2, v14;
	[tilespmem:v9+s14+$0x0] =	vst.idx.msk $0xffff, v20;
	v20 =	vld [tilespmem:s25+$0x150]  }
0x1e2: {  	v11 =	vor.u32 v28, v8;
	v8 =	vld [tilespmem:s28+$0xFFFFFFA0];
	[tilespmem:v18+s14+$0x0] =	vst.idx.msk $0xffff, v22  }
0x1e3: {  	v22 =	vor.u32 $0x1, v9;
	v28 =	vld [tilespmem:s26+$0xFFFFFE20];
	[tilespmem:v27+s14+$0x0] =	vst.idx.msk $0xffff, v26  }
0x1e4: {  	v26 =	vor.u32 $0x1, v18;
	v27 =	vld [tilespmem:s26+$0xFFFFFE30];
	[tilespmem:v24+s14+$0x0] =	vst.idx.msk $0xffff, v21  }
0x1e5: {  	v24 =	vor.u32 $0x2, v16;
	v21 =	vld [tilespmem:s26+$0x40];
	[tilespmem:v23+s14+$0x0] =	vst.idx.msk $0xffff, v19  }
0x1e6: {  	v19 =	vld [tilespmem:s26+$0x50];
	v23 =	vor.u32 $0x2, v17;
	[tilespmem:v30+s14+$0x0] =	vst.idx.msk $0xffff, v20  }
0x1e7: {  	[tilespmem:v11+s14+$0x0] =	vst.idx.msk $0xffff, v29;
	v29 =	vor.u32 $0x3, v15;
	v20 =	vld [tilespmem:s25+$0x160]  }
0x1e8: {  	[tilespmem:v22+s14+$0x0] =	vst.idx.msk $0xffff, v28;
	v28 =	vor.u32 $0x3, v14;
	v22 =	vld [tilespmem:s25+$0x170]  }
0x1e9: {  	v5 =	vor.u32 $0x7, v5;
	v30 =	vld [tilespmem:s25+$0xFFFFFF20];
	[tilespmem:v26+s14+$0x0] =	vst.idx.msk $0xffff, v27  }
0x1ea: {  	v26 =	vor.u32 $0x2, v9;
	v27 =	vld [tilespmem:s26+$0xFFFFFE40];
	[tilespmem:v24+s14+$0x0] =	vst.idx.msk $0xffff, v21  }
0x1eb: {  	v21 =	vor.u32 $0x2, v18;
	v24 =	vld [tilespmem:s26+$0xFFFFFE50];
	[tilespmem:v23+s14+$0x0] =	vst.idx.msk $0xffff, v19  }
0x1ec: {  	v23 =	vor.u32 $0x3, v16;
	v19 =	vld [tilespmem:s26+$0x60];
	[tilespmem:v29+s14+$0x0] =	vst.idx.msk $0xffff, v20  }
0x1ed: {  	v20 =	vld [tilespmem:s26+$0x70];
	v29 =	vor.u32 $0x3, v17;
	[tilespmem:v28+s14+$0x0] =	vst.idx.msk $0xffff, v22  }
0x1ee: {  	[tilespmem:v5+s14+$0x0] =	vst.idx.msk $0xffff, v25;
	v22 =	vor.u32 $0x4, v15;
	v5 =	vld [tilespmem:s25+$0x180]  }
0x1ef: {  	[tilespmem:v26+s14+$0x0] =	vst.idx.msk $0xffff, v27;
	v26 =	vor.u32 $0x4, v14;
	v25 =	vld [tilespmem:s25+$0x190]  }
0x1f0: {  	v27 =	vor.u32 $0x1, v10;
	v28 =	vld [tilespmem:s25+$0xFFFFFF30];
	[tilespmem:v21+s14+$0x0] =	vst.idx.msk $0xffff, v24  }
0x1f1: {  	v21 =	vor.u32 $0x3, v9;
	v24 =	vld [tilespmem:s26+$0xFFFFFE60];
	[tilespmem:v23+s14+$0x0] =	vst.idx.msk $0xffff, v19  }
0x1f2: {  	v19 =	vor.u32 $0x3, v18;
	v23 =	vld [tilespmem:s26+$0xFFFFFE70];
	[tilespmem:v29+s14+$0x0] =	vst.idx.msk $0xffff, v20  }
0x1f3: {  	v29 =	vor.u32 $0x4, v16;
	v20 =	vld [tilespmem:s26+$0x80];
	[tilespmem:v22+s14+$0x0] =	vst.idx.msk $0xffff, v5  }
0x1f4: {  	v5 =	vld [tilespmem:s26+$0x90];
	v22 =	vor.u32 $0x4, v17;
	[tilespmem:v26+s14+$0x0] =	vst.idx.msk $0xffff, v25  }
0x1f5: {  	[tilespmem:v27+s14+$0x0] =	vst.idx.msk $0xffff, v30;
	v26 =	vor.u32 $0x5, v15;
	v25 =	vld [tilespmem:s25+$0x1A0]  }
0x1f6: {  	[tilespmem:v21+s14+$0x0] =	vst.idx.msk $0xffff, v24;
	v24 =	vor.u32 $0x5, v14;
	v21 =	vld [tilespmem:s25+$0x1B0]  }
0x1f7: {  	v27 =	vor.u32 $0x1, v11;
	v30 =	vld [tilespmem:s28+$0xFFFFFFB0];
	[tilespmem:v19+s14+$0x0] =	vst.idx.msk $0xffff, v23  }
0x1f8: {  	v19 =	vor.u32 $0x4, v9;
	v23 =	vld [tilespmem:s26+$0xFFFFFE80];
	[tilespmem:v29+s14+$0x0] =	vst.idx.msk $0xffff, v20  }
0x1f9: {  	v20 =	vor.u32 $0x4, v18;
	v29 =	vld [tilespmem:s26+$0xFFFFFE90];
	[tilespmem:v22+s14+$0x0] =	vst.idx.msk $0xffff, v5  }
0x1fa: {  	v22 =	vor.u32 $0x5, v16;
	v5 =	vld [tilespmem:s26+$0xA0];
	[tilespmem:v26+s14+$0x0] =	vst.idx.msk $0xffff, v25  }
0x1fb: {  	v25 =	vld [tilespmem:s26+$0xB0];
	v26 =	vor.u32 $0x5, v17;
	[tilespmem:v24+s14+$0x0] =	vst.idx.msk $0xffff, v21  }
0x1fc: {  	[tilespmem:v27+s14+$0x0] =	vst.idx.msk $0xffff, v28;
	v24 =	vor.u32 $0x6, v15;
	v21 =	vld [tilespmem:s25+$0x1C0]  }
0x1fd: {  	[tilespmem:v19+s14+$0x0] =	vst.idx.msk $0xffff, v23;
	v23 =	vor.u32 $0x6, v14;
	v19 =	vld [tilespmem:s25+$0x1D0]  }
0x1fe: {  	v27 =	vor.u32 $0x5, v6;
	v28 =	vld [tilespmem:s25+$0xFFFFFF40];
	[tilespmem:v20+s14+$0x0] =	vst.idx.msk $0xffff, v29  }
0x1ff: {  	v20 =	vor.u32 $0x5, v9;
	v29 =	vld [tilespmem:s26+$0xFFFFFEA0];
	[tilespmem:v22+s14+$0x0] =	vst.idx.msk $0xffff, v5  }
0x200: {  	v5 =	vor.u32 $0x5, v18;
	v22 =	vld [tilespmem:s26+$0xFFFFFEB0];
	[tilespmem:v26+s14+$0x0] =	vst.idx.msk $0xffff, v25  }
0x201: {  	v25 =	vor.u32 $0x2, v10;
	v26 =	vld [tilespmem:s25+$0xFFFFFF50];
	[tilespmem:v24+s14+$0x0] =	vst.idx.msk $0xffff, v21  }
0x202: {  	v21 =	vor.u32 $0x2, v11;
	v24 =	vld [tilespmem:s26+$0xC0];
	[tilespmem:v23+s14+$0x0] =	vst.idx.msk $0xffff, v19  }
0x203: {  	[tilespmem:v27+s14+$0x0] =	vst.idx.msk $0xffff, v8;
	v19 =	vor.u32 $0x5, v7;
	v8 =	vld [tilespmem:s25+$0x1E0]  }
0x204: {  	v23 =	vor.u32 $0x6, v16;
	[tilespmem:v20+s14+$0x0] =	vst.idx.msk $0xffff, v29;
	v27 =	vld [tilespmem:s25+$0x1F0]  }
0x205: {  	v20 =	vor.u32 $0x6, v17;
	[tilespmem:v5+s14+$0x0] =	vst.idx.msk $0xffff, v22;
	v5 =	vld [tilespmem:s26+$0xD0]  }
0x206: {  	v22 =	vor.u32 $0x6, v9;
	[tilespmem:v25+s14+$0x0] =	vst.idx.msk $0xffff, v28;
	v25 =	vld [tilespmem:s26+$0xFFFFFEC0]  }
0x207: {  	v28 =	vor.u32 $0x6, v18;
	[tilespmem:v21+s14+$0x0] =	vst.idx.msk $0xffff, v26;
	v21 =	vld [tilespmem:s26+$0xFFFFFED0]  }
0x208: {  	v26 =	vor.u32 $0x3, v10;
	[tilespmem:v19+s14+$0x0] =	vst.idx.msk $0xffff, v30;
	v19 =	vld [tilespmem:s25+$0xFFFFFF60]  }
0x209: {  	v29 =	vor.u32 $0x3, v11;
	[tilespmem:v23+s14+$0x0] =	vst.idx.msk $0xffff, v24;
	v23 =	vld [tilespmem:s25+$0xFFFFFF70]  }
0x20a: {  	v15 =	vor.u32 $0x7, v15;
	[tilespmem:v20+s14+$0x0] =	vst.idx.msk $0xffff, v5;
	v24 =	vld [tilespmem:s28+$0xFFFFFFC0]  }
0x20b: {  	v16 =	vor.u32 $0x7, v16;
	[tilespmem:v22+s14+$0x0] =	vst.idx.msk $0xffff, v25;
	v5 =	vld [tilespmem:s26+$0xE0]  }
0x20c: {  	v17 =	vor.u32 $0x7, v17;
	v20 =	vld [tilespmem:s26+$0xF0];
	[tilespmem:v28+s14+$0x0] =	vst.idx.msk $0xffff, v21  }
0x20d: {  	v9 =	vor.u32 $0x7, v9;
	v21 =	vld [tilespmem:s26+$0xFFFFFEE0];
	[tilespmem:v26+s14+$0x0] =	vst.idx.msk $0xffff, v19  }
0x20e: {  	v18 =	vor.u32 $0x7, v18;
	v19 =	vld [tilespmem:s26+$0xFFFFFEF0];
	[tilespmem:v29+s14+$0x0] =	vst.idx.msk $0xffff, v23  }
0x20f: {  	v14 =	vor.u32 $0x7, v14;
	[tilespmem:v15+s14+$0x0] =	vst.idx.msk $0xffff, v8;
	v15 =	vld [tilespmem:s25+$0xFFFFFF80]  }
0x210: {  	v22 =	vor.u32 $0x4, v10;
	[tilespmem:v16+s14+$0x0] =	vst.idx.msk $0xffff, v5;
	v5 =	vld [tilespmem:s25+$0xFFFFFF90]  }
0x211: {  	v23 =	vor.u32 $0x4, v11;
	v16 =	vor.u32 s29, v52;
	[tilespmem:v17+s14+$0x0] =	vst.idx.msk $0xffff, v20;
	v17 =	vld [tilespmem:s28+$0xFFFFFFD0]  }
0x212: {  	s29 =	simm.s32 $0x70;
	v8 =	vor.u32 v13, v16;
	[tilespmem:v9+s14+$0x0] =	vst.idx.msk $0xffff, v21;
	v21 =	vld [tilespmem:s26+$0x100]  }
0x213: {  	v20 =	vor.u32 s10, v52;
	s10 =	sand.u32 $0x70, s29;
	s29 =	simm.s32 $0x7600;
	v9 =	vor.u32 v12, v16;
	[tilespmem:v18+s14+$0x0] =	vst.idx.msk $0xffff, v19;
	v18 =	vld [tilespmem:s26+$0x110]  }
0x214: {  	s0 =	simm.s32 $0x300;
	[tilespmem:v14+s14+$0x0] =	vst.idx.msk $0xffff, v27;
	v26 =	vld [tilespmem:s29+$0x10];
	v16 =	vor.u32 $0x6, v6  }
0x215: {  	s30 =	sand.u32 $0xFFFFFC00, s0;
	v19 =	vor.u32 v20, v13;
	v25 =	vld [tilespmem:s26+$0xFFFFFF00];
	[tilespmem:v22+s14+$0x0] =	vst.idx.msk $0xffff, v15  }
0x216: {  	v34 =	vor.u32 s30, v49;
	v20 =	vor.u32 v20, v12;
	v12 =	vor.u32 s10, v48;
	v13 =	vld [tilespmem:s26+$0xFFFFFF10];
	[tilespmem:v23+s14+$0x0] =	vst.idx.msk $0xffff, v5  }
0x217: {  	v15 =	vld [tilespmem:s29+$0x0];
	v22 =	vor.u32 v34, v12;
	v5 =	vor.u32 s30, v51;
	[tilespmem:v8+s14+$0x0] =	vst.idx.msk $0xffff, v21  }
0x218: {  	s30 =	simm.s32 $0x60;
	v14 =	vld [tilespmem:s25+$0xFFFFFFA0];
	v21 =	vor.u32 v5, v12;
	[tilespmem:v9+s14+$0x0] =	vst.idx.msk $0xffff, v18  }
0x219: {  	s31 =	sand.u32 $0x60, s30;
	[tilespmem:v16+s14+$0x0] =	vst.idx.msk $0xffff, v24;
	v16 =	vor.u32 $0x1, v8;
	v12 =	vld [tilespmem:s26+$0x120]  }
0x21a: {  	v27 =	vor.u32 $0x1, v9;
	v18 =	vor.u32 s31, v48;
	[tilespmem:v19+s14+$0x0] =	vst.idx.msk $0xffff, v25;
	v25 =	vld [tilespmem:s26+$0x130]  }
0x21b: {  	v24 =	vor.u32 v18, v34;
	[tilespmem:v20+s14+$0x0] =	vst.idx.msk $0xffff, v13;
	v13 =	vld [tilespmem:s29+$0xFFFFFE00]  }
0x21c: {  	v23 =	vor.u32 v18, v5;
	v18 =	vld [tilespmem:s29+$0xFFFFFE10];
	[tilespmem:v22+s14+$0x0] =	vst.idx.msk $0xffff, v15  }
0x21d: {  	v15 =	vor.u32 $0x6, v7;
	[tilespmem:v21+s14+$0x0] =	vst.idx.msk $0xffff, v26;
	v26 =	vld [tilespmem:s26+$0xFFFFFF20]  }
0x21e: {  	v29 =	vor.u32 $0x1, v22;
	v28 =	vld [tilespmem:s29+$0x20];
	[tilespmem:v16+s14+$0x0] =	vst.idx.msk $0xffff, v12  }
0x21f: {  	v12 =	vld [tilespmem:s29+$0x30];
	v16 =	vor.u32 $0x1, v21;
	[tilespmem:v27+s14+$0x0] =	vst.idx.msk $0xffff, v25  }
0x220: {  	[tilespmem:v24+s14+$0x0] =	vst.idx.msk $0xffff, v13;
	v25 =	vor.u32 $0x2, v8;
	v13 =	vld [tilespmem:s26+$0x140]  }
0x221: {  	v27 =	vor.u32 $0x2, v9;
	[tilespmem:v23+s14+$0x0] =	vst.idx.msk $0xffff, v18;
	v18 =	vld [tilespmem:s26+$0x150]  }
0x222: {  	v30 =	vor.u32 $0x1, v24;
	[tilespmem:v15+s14+$0x0] =	vst.idx.msk $0xffff, v17;
	v15 =	vld [tilespmem:s29+$0xFFFFFE20]  }
0x223: {  	v17 =	vor.u32 $0x1, v23;
	v31 =	vld [tilespmem:s29+$0xFFFFFE30];
	[tilespmem:v29+s14+$0x0] =	vst.idx.msk $0xffff, v28  }
0x224: {  	v28 =	vor.u32 $0x1, v19;
	[tilespmem:v16+s14+$0x0] =	vst.idx.msk $0xffff, v12;
	v12 =	vld [tilespmem:s26+$0xFFFFFF30]  }
0x225: {  	v29 =	vor.u32 $0x2, v22;
	v16 =	vld [tilespmem:s29+$0x40];
	[tilespmem:v25+s14+$0x0] =	vst.idx.msk $0xffff, v13  }
0x226: {  	v13 =	vld [tilespmem:s29+$0x50];
	v25 =	vor.u32 $0x2, v21;
	[tilespmem:v27+s14+$0x0] =	vst.idx.msk $0xffff, v18  }
0x227: {  	[tilespmem:v30+s14+$0x0] =	vst.idx.msk $0xffff, v15;
	v18 =	vor.u32 $0x3, v8;
	v15 =	vld [tilespmem:s26+$0x160]  }
0x228: {  	v27 =	vor.u32 $0x3, v9;
	[tilespmem:v17+s14+$0x0] =	vst.idx.msk $0xffff, v31;
	v17 =	vld [tilespmem:s26+$0x170]  }
0x229: {  	v30 =	vor.u32 $0x2, v24;
	[tilespmem:v28+s14+$0x0] =	vst.idx.msk $0xffff, v26;
	v31 =	vld [tilespmem:s29+$0xFFFFFE40]  }
0x22a: {  	v26 =	vor.u32 $0x2, v23;
	v28 =	vld [tilespmem:s29+$0xFFFFFE50];
	[tilespmem:v29+s14+$0x0] =	vst.idx.msk $0xffff, v16  }
0x22b: {  	v16 =	vor.u32 $0x1, v20;
	[tilespmem:v25+s14+$0x0] =	vst.idx.msk $0xffff, v13;
	v13 =	vld [tilespmem:s25+$0xFFFFFFB0]  }
0x22c: {  	v29 =	vor.u32 $0x3, v22;
	v25 =	vld [tilespmem:s29+$0x60];
	[tilespmem:v18+s14+$0x0] =	vst.idx.msk $0xffff, v15  }
0x22d: {  	v15 =	vld [tilespmem:s29+$0x70];
	v18 =	vor.u32 $0x3, v21;
	[tilespmem:v27+s14+$0x0] =	vst.idx.msk $0xffff, v17  }
0x22e: {  	[tilespmem:v30+s14+$0x0] =	vst.idx.msk $0xffff, v31;
	v27 =	vor.u32 $0x4, v8;
	v17 =	vld [tilespmem:s26+$0x180]  }
0x22f: {  	[tilespmem:v26+s14+$0x0] =	vst.idx.msk $0xffff, v28;
	v26 =	vld [tilespmem:s26+$0x190];
	v28 =	vor.u32 $0x4, v9  }
0x230: {  	v30 =	vor.u32 $0x3, v24;
	[tilespmem:v16+s14+$0x0] =	vst.idx.msk $0xffff, v12;
	v31 =	vld [tilespmem:s29+$0xFFFFFE60]  }
0x231: {  	v12 =	vor.u32 $0x3, v23;
	v16 =	vld [tilespmem:s29+$0xFFFFFE70];
	[tilespmem:v29+s14+$0x0] =	vst.idx.msk $0xffff, v25  }
0x232: {  	v25 =	vor.u32 $0x5, v10;
	[tilespmem:v18+s14+$0x0] =	vst.idx.msk $0xffff, v15;
	v15 =	vld [tilespmem:s26+$0xFFFFFF40]  }
0x233: {  	v29 =	vor.u32 $0x4, v22;
	v18 =	vld [tilespmem:s29+$0x80];
	[tilespmem:v27+s14+$0x0] =	vst.idx.msk $0xffff, v17  }
0x234: {  	v17 =	vld [tilespmem:s29+$0x90];
	v27 =	vor.u32 $0x4, v21;
	[tilespmem:v28+s14+$0x0] =	vst.idx.msk $0xffff, v26  }
0x235: {  	[tilespmem:v30+s14+$0x0] =	vst.idx.msk $0xffff, v31;
	v28 =	vor.u32 $0x5, v8;
	v26 =	vld [tilespmem:s26+$0x1A0]  }
0x236: {  	[tilespmem:v12+s14+$0x0] =	vst.idx.msk $0xffff, v16;
	v12 =	vld [tilespmem:s26+$0x1B0];
	v16 =	vor.u32 $0x5, v9  }
0x237: {  	v30 =	vor.u32 $0x4, v24;
	[tilespmem:v25+s14+$0x0] =	vst.idx.msk $0xffff, v14;
	v31 =	vld [tilespmem:s29+$0xFFFFFE80]  }
0x238: {  	v14 =	vor.u32 $0x4, v23;
	v25 =	vld [tilespmem:s29+$0xFFFFFE90];
	[tilespmem:v29+s14+$0x0] =	vst.idx.msk $0xffff, v18  }
0x239: {  	v18 =	vor.u32 $0x2, v19;
	[tilespmem:v27+s14+$0x0] =	vst.idx.msk $0xffff, v17;
	v17 =	vld [tilespmem:s26+$0xFFFFFF50]  }
0x23a: {  	v29 =	vor.u32 $0x5, v22;
	v27 =	vld [tilespmem:s29+$0xA0];
	[tilespmem:v28+s14+$0x0] =	vst.idx.msk $0xffff, v26  }
0x23b: {  	v26 =	vld [tilespmem:s29+$0xB0];
	v28 =	vor.u32 $0x5, v21;
	[tilespmem:v16+s14+$0x0] =	vst.idx.msk $0xffff, v12  }
0x23c: {  	[tilespmem:v30+s14+$0x0] =	vst.idx.msk $0xffff, v31;
	v16 =	vor.u32 $0x6, v8;
	v12 =	vld [tilespmem:s26+$0x1C0]  }
0x23d: {  	[tilespmem:v14+s14+$0x0] =	vst.idx.msk $0xffff, v25;
	v14 =	vld [tilespmem:s26+$0x1D0];
	v25 =	vor.u32 $0x6, v9  }
0x23e: {  	v31 =	vor.u32 $0x5, v24;
	[tilespmem:v18+s14+$0x0] =	vst.idx.msk $0xffff, v15;
	v32 =	vld [tilespmem:s29+$0xFFFFFEA0]  }
0x23f: {  	v15 =	vor.u32 $0x5, v23;
	v18 =	vld [tilespmem:s29+$0xFFFFFEB0];
	[tilespmem:v29+s14+$0x0] =	vst.idx.msk $0xffff, v27  }
0x240: {  	[tilespmem:v28+s14+$0x0] =	vst.idx.msk $0xffff, v26  }
0x241: {  	v30 =	vld [tilespmem:s28+$0xFFFFFFF0];
	v27 =	vor.u32 $0x2, v20;
	[tilespmem:v16+s14+$0x0] =	vst.idx.msk $0xffff, v12  }
0x242: {  	v29 =	vld [tilespmem:s28+$0xFFFFFFE0];
	v26 =	vor.u32 $0x5, v11;
	[tilespmem:v25+s14+$0x0] =	vst.idx.msk $0xffff, v14  }
0x243: {  	v12 =	vld [tilespmem:s29+$0xC0];
	[tilespmem:v31+s14+$0x0] =	vst.idx.msk $0xffff, v32  }
0x244: {  	v0 =	vor.u32 $0x7, v7;
	v16 =	vor.u32 $0x6, v22;
	v25 =	vld [tilespmem:s26+$0x1E0];
	[tilespmem:v15+s14+$0x0] =	vst.idx.msk $0xffff, v18  }
0x245: {  	v28 =	vor.u32 $0x7, v8;
	v31 =	vld [tilespmem:s26+$0x1F0];
	[tilespmem:$0x1FF80] =	vst v0  }
0x246: {  	v60 =	vor.u32 $0x7, v9;
	[tilespmem:v27+s14+$0x0] =	vst.idx.msk $0xffff, v17  }
0x247: {  	v61 =	vor.u32 $0x7, v11;
	v36 =	vor.u32 $0x6, v21;
	v35 =	vld [tilespmem:s29+$0xD0];
	[tilespmem:v26+s14+$0x0] =	vst.idx.msk $0xffff, v13  }
0x248: {  	v37 =	vld [tilespmem:s29+$0xFFFFFEC0];
	[tilespmem:$0x1FF90] =	vst v61  }
0x249: {  	v33 =	vor.u32 $0x7, v6;
	v39 =	vor.u32 $0x3, v19;
	v27 =	vor.u32 $0x6, v24;
	[tilespmem:v16+s14+$0x0] =	vst.idx.msk $0xffff, v12  }
0x24a: {  	v40 =	vor.u32 $0x3, v20;
	v62 =	vor.u32 $0x7, v20;
	v26 =	vor.u32 $0x6, v23;
	v38 =	vld [tilespmem:s29+$0xFFFFFED0];
	[tilespmem:v28+s14+$0x0] =	vst.idx.msk $0xffff, v25  }
0x24b: {  	v63 =	vor.u32 $0x7, v22;
	v44 =	vor.u32 $0x7, v21;
	v45 =	vor.u32 $0x7, v24;
	v41 =	vld [tilespmem:s26+$0xFFFFFF60];
	[tilespmem:v60+s14+$0x0] =	vst.idx.msk $0xffff, v31  }
0x24c: {  	v8 =	vor.u32 $0x6, v11;
	v11 =	vor.u32 $0x6, v20;
	v18 =	vor.u32 $0x4, v20;
	v42 =	vld [tilespmem:s26+$0xFFFFFF70];
	[tilespmem:v36+s14+$0x0] =	vst.idx.msk $0xffff, v35  }
0x24d: {  	v15 =	vor.u32 $0x5, v20;
	v17 =	vor.u32 $0x4, v19;
	v13 =	vor.u32 $0x6, v19;
	v47 =	vld [tilespmem:s25+$0xFFFFFFC0];
	[tilespmem:$0x1FFA0] =	vst v62  }
0x24e: {  	v16 =	vor.u32 $0x5, v19;
	v12 =	vor.u32 $0x7, v19;
	v19 =	vor.u32 s31, v52;
	[tilespmem:v27+s14+$0x0] =	vst.idx.msk $0xffff, v37;
	v20 =	vld [tilespmem:s29+$0xE0]  }
0x24f: {  	v9 =	vor.u32 $0x7, v10;
	v14 =	vor.u32 $0x6, v10;
	v32 =	vor.u32 v19, v34;
	v43 =	vld [tilespmem:s29+$0xF0];
	[tilespmem:v26+s14+$0x0] =	vst.idx.msk $0xffff, v38  }
0x250: {  	v31 =	vor.u32 v19, v5;
	v25 =	vor.u32 $0x2, v32;
	v22 =	vor.u32 $0x5, v32;
	[tilespmem:v39+s14+$0x0] =	vst.idx.msk $0xffff, v41;
	v46 =	vld [tilespmem:s29+$0xFFFFFEE0]  }
0x251: {  	v19 =	vor.u32 $0x7, v32;
	v28 =	vor.u32 $0x1, v31;
	v38 =	vor.u32 $0x7, v23;
	[tilespmem:v40+s14+$0x0] =	vst.idx.msk $0xffff, v42;
	v39 =	vld [tilespmem:s29+$0xFFFFFEF0]  }
0x252: {  	v24 =	vor.u32 $0x3, v31;
	v36 =	vor.u32 $0x4, v32;
	v35 =	vor.u32 $0x4, v31;
	[tilespmem:v33+s14+$0x0] =	vst.idx.msk $0xffff, v29;
	v40 =	vld [tilespmem:s26+$0xFFFFFF80]  }
0x253: {  	v21 =	vor.u32 $0x5, v31;
	v27 =	vor.u32 $0x1, v32;
	v33 =	vor.u32 $0x6, v32;
	v41 =	vld [tilespmem:s26+$0xFFFFFF90];
	[tilespmem:v63+s14+$0x0] =	vst.idx.msk $0xffff, v20  }
0x254: {  	v29 =	vor.u32 $0x6, v31;
	v26 =	vor.u32 $0x2, v31;
	[tilespmem:v44+s14+$0x0] =	vst.idx.msk $0xffff, v43;
	v44 =	vor.u32 s10, v52;
	v43 =	vld [tilespmem:s25+$0xFFFFFFD0]  }
0x255: {  	s28 =	simm.s32 $0x7600;
	s31 =	simm.s32 $0x6;
	v23 =	vor.u32 $0x3, v32;
	v20 =	vor.u32 $0x7, v31;
	[tilespmem:v45+s14+$0x0] =	vst.idx.msk $0xffff, v46;
	v42 =	vld [tilespmem:s29+$0x100];
	v34 =	vor.u32 v34, v44  }
.LBB2_5:
0x256: {  	[tilespmem:v38+s14+$0x0] =	vst.idx.msk $0xffff, v39  }
0x257: {  	v0 =	vld [tilespmem:s29+$0xFFFFFF00];
	[tilespmem:v17+s14+$0x0] =	vst.idx.msk $0xffff, v40  }
0x258: {  	v46 =	vld [tilespmem:s29+$0xFFFFFF10];
	_ =	sdelay $0x1  }
0x259: {  	s31 =	sadd.s32 $0x2, s31;
	[tilespmem:v18+s14+$0x0] =	vst.idx.msk $0xffff, v41  }
0x25a: {  	s30 =	sadd.s32 $0x20, s30;
	s0 =	sshll.u32 s31, $0x7;
	v50 =	vld [tilespmem:s26+$0xFFFFFFA0];
	[tilespmem:v14+s14+$0x0] =	vst.idx.msk $0xffff, v47  }
0x25b: {  	v63 =	vld [tilespmem:s29+$0x110];
	s1 =	sand.u32 $0x60, s30;
	s0 =	sand.u32 $0xFFFFFC00, s0;
	s29 =	sadd.s32 $0x400, s29;
	[tilespmem:v32+s14+$0x0] =	vst.idx.msk $0xffff, v0  }
0x25c: {  	v39 =	vor.u32 v5, v44;
	v1 =	vor.u32 s1, v48;
	v37 =	vor.u32 s0, v49;
	v49 =	vld [tilespmem:s29+$0x0];
	[tilespmem:v31+s14+$0x0] =	vst.idx.msk $0xffff, v46  }
0x25d: {  	v5 =	vor.u32 s0, v51;
	v14 =	vmovc v13;
	v13 =	vmov v33;
	v33 =	vor.u32 v1, v37;
	v61 =	vld [tilespmem:s29+$0xFFFFFE00];
	[tilespmem:v8+s14+$0x0] =	vst.idx.msk $0xffff, v43  }
0x25e: {  	v17 =	vmov v36;
	[tilespmem:v34+s14+$0x0] =	vst.idx.msk $0xffff, v42;
	v36 =	vor.u32 v1, v5;
	v42 =	vmov v29;
	v29 =	vld [tilespmem:s29+$0xFFFFFE10];
	_ =	sdelay $0x2  }
0x25f: {  	v51 =	vld [tilespmem:s29+$0x10];
	[tilespmem:v39+s14+$0x0] =	vst.idx.msk $0xffff, v63  }
0x260: {  	v63 =	vld [tilespmem:s28+$0xFFFFFF20];
	[tilespmem:v33+s14+$0x0] =	vst.idx.msk $0xffff, v61  }
0x261: {  	[tilespmem:v36+s14+$0x0] =	vst.idx.msk $0xffff, v29;
	v29 =	vld [tilespmem:$0x1FF80]  }
0x262: {  	s10 =	sadd.s32 $0x10, s30  }
0x263: {  	s10 =	sand.u32 $0x70, s10  }
0x264: {  	v2 =	vor.u32 s10, v48  }
0x265: {  	v40 =	vor.u32 v37, v2  }
0x266: {  	v18 =	vmov v35;
	v41 =	vor.u32 v5, v2;
	v35 =	vld [tilespmem:s28+$0x120]  }
0x267: {  	v54 =	vor.u32 $0x1, v34;
	v0 =	vmov v11;
	v46 =	vld [tilespmem:s28+$0x130]  }
0x268: {  	v60 =	vor.u32 $0x1, v39;
	v11 =	vmov v9;
	[tilespmem:$0x1FF70] =	vst v0;
	v9 =	vld [tilespmem:s29+$0xFFFFFE20]  }
0x269: {  	[tilespmem:v29+s14+$0x0] =	vst.idx.msk $0xffff, v30;
	v29 =	vld [tilespmem:$0x1FF90]  }
0x26a: {  	[tilespmem:v40+s14+$0x0] =	vst.idx.msk $0xffff, v49  }
0x26b: {  	[tilespmem:v41+s14+$0x0] =	vst.idx.msk $0xffff, v51  }
0x26c: {  	v2 =	vor.u32 $0x1, v40;
	v49 =	vld [tilespmem:s29+$0x20];
	[tilespmem:v54+s14+$0x0] =	vst.idx.msk $0xffff, v35  }
0x26d: {  	v4 =	vor.u32 $0x1, v41;
	v0 =	vld [tilespmem:s29+$0x30];
	[tilespmem:v60+s14+$0x0] =	vst.idx.msk $0xffff, v46  }
0x26e: {  	v61 =	vld [tilespmem:s28+$0x140];
	v30 =	vmov v29  }
0x26f: {  	v6 =	vor.u32 $0x2, v34;
	[tilespmem:$0x1FF80] =	vst v30;
	v30 =	vld [tilespmem:$0x1FFA0]  }
0x270: {  	v8 =	vor.u32 $0x2, v39;
	v7 =	vld [tilespmem:s28+$0x150]  }
0x271: {  	[tilespmem:v2+s14+$0x0] =	vst.idx.msk $0xffff, v49  }
0x272: {  	v56 =	vor.u32 $0x1, v33;
	[tilespmem:v4+s14+$0x0] =	vst.idx.msk $0xffff, v0  }
0x273: {  	v4 =	vor.u32 $0x2, v40;
	v2 =	vld [tilespmem:s29+$0x40]  }
0x274: {  	v57 =	vor.u32 $0x1, v36;
	[tilespmem:v6+s14+$0x0] =	vst.idx.msk $0xffff, v61;
	v29 =	vmov v30;
	v30 =	vld [tilespmem:s29+$0xFFFFFE30]  }
0x275: {  	v61 =	vor.u32 $0x2, v41;
	v6 =	vld [tilespmem:s29+$0x50];
	[tilespmem:v8+s14+$0x0] =	vst.idx.msk $0xffff, v7  }
0x276: {  	v7 =	vld [tilespmem:s28+$0x160]  }
0x277: {  	v8 =	vor.u32 $0x3, v34;
	v0 =	vld [tilespmem:s28+$0xFFFFFF30];
	[tilespmem:v56+s14+$0x0] =	vst.idx.msk $0xffff, v9  }
0x278: {  	v9 =	vld [tilespmem:s28+$0x170];
	[tilespmem:v4+s14+$0x0] =	vst.idx.msk $0xffff, v2  }
0x279: {  	[tilespmem:v57+s14+$0x0] =	vst.idx.msk $0xffff, v30;
	v30 =	vor.u32 $0x3, v39  }
0x27a: {  	v58 =	vor.u32 $0x2, v33;
	[tilespmem:v61+s14+$0x0] =	vst.idx.msk $0xffff, v6;
	v56 =	vld [tilespmem:s29+$0xFFFFFE40]  }
0x27b: {  	v6 =	vor.u32 $0x3, v40;
	v4 =	vld [tilespmem:s29+$0x60];
	[tilespmem:v27+s14+$0x0] =	vst.idx.msk $0xffff, v63  }
0x27c: {  	v59 =	vor.u32 $0x2, v36;
	[tilespmem:v8+s14+$0x0] =	vst.idx.msk $0xffff, v7;
	v57 =	vld [tilespmem:s29+$0xFFFFFE50]  }
0x27d: {  	v8 =	vor.u32 $0x3, v41;
	v7 =	vld [tilespmem:s29+$0x70]  }
0x27e: {  	v2 =	vld [tilespmem:s26+$0xFFFFFFB0];
	[tilespmem:v30+s14+$0x0] =	vst.idx.msk $0xffff, v9  }
0x27f: {  	[tilespmem:v58+s14+$0x0] =	vst.idx.msk $0xffff, v56;
	v9 =	vld [tilespmem:s28+$0x180]  }
0x280: {  	v30 =	vor.u32 $0x4, v34;
	v61 =	vld [tilespmem:s28+$0x190];
	[tilespmem:v6+s14+$0x0] =	vst.idx.msk $0xffff, v4  }
0x281: {  	[tilespmem:v59+s14+$0x0] =	vst.idx.msk $0xffff, v57  }
0x282: {  	v45 =	vor.u32 s1, v52;
	v63 =	vor.u32 $0x4, v39;
	[tilespmem:v8+s14+$0x0] =	vst.idx.msk $0xffff, v7;
	v57 =	vld [tilespmem:s29+$0xFFFFFE60]  }
0x283: {  	v55 =	vor.u32 $0x3, v33;
	v31 =	vor.u32 v45, v5;
	[tilespmem:v28+s14+$0x0] =	vst.idx.msk $0xffff, v0;
	v4 =	vld [tilespmem:s29+$0x80]  }
0x284: {  	v62 =	vor.u32 $0x3, v36;
	v3 =	vor.u32 $0x1, v31;
	v0 =	vld [tilespmem:s29+$0xFFFFFE70]  }
0x285: {  	v38 =	vor.u32 $0x7, v33;
	v28 =	vmov v3;
	v3 =	vld [tilespmem:s28+$0xFFFFFF40];
	[tilespmem:v30+s14+$0x0] =	vst.idx.msk $0xffff, v9  }
0x286: {  	[tilespmem:$0x1FF60] =	vst v38;
	v32 =	vor.u32 v45, v37;
	v6 =	vor.u32 $0x4, v40;
	v7 =	vld [tilespmem:s29+$0x90]  }
0x287: {  	v1 =	vor.u32 $0x1, v32;
	v8 =	vor.u32 $0x4, v41;
	[tilespmem:v63+s14+$0x0] =	vst.idx.msk $0xffff, v61;
	v63 =	vld [tilespmem:$0x1FF60]  }
0x288: {  	v27 =	vmov v1;
	v9 =	vor.u32 $0x5, v34;
	[tilespmem:v55+s14+$0x0] =	vst.idx.msk $0xffff, v57;
	v1 =	vld [tilespmem:s28+$0x1A0]  }
0x289: {  	v30 =	vor.u32 $0x5, v39;
	v57 =	vld [tilespmem:s28+$0x1B0];
	[tilespmem:v62+s14+$0x0] =	vst.idx.msk $0xffff, v0  }
0x28a: {  	v53 =	vor.u32 $0x4, v33;
	v10 =	vor.u32 $0x5, v32;
	v55 =	vld [tilespmem:s29+$0xFFFFFE80];
	[tilespmem:v16+s14+$0x0] =	vst.idx.msk $0xffff, v50  }
0x28b: {  	v52 =	vor.u32 $0x4, v36;
	[tilespmem:v6+s14+$0x0] =	vst.idx.msk $0xffff, v4;
	v16 =	vmov v22;
	v22 =	vmov v10;
	v10 =	vld [tilespmem:s29+$0xFFFFFE90]  }
0x28c: {  	v4 =	vld [tilespmem:s28+$0xFFFFFF50];
	[tilespmem:v8+s14+$0x0] =	vst.idx.msk $0xffff, v7  }
0x28d: {  	v7 =	vor.u32 $0x5, v40;
	v6 =	vld [tilespmem:s29+$0xA0];
	[tilespmem:v9+s14+$0x0] =	vst.idx.msk $0xffff, v1  }
0x28e: {  	v8 =	vor.u32 $0x5, v41;
	v1 =	vld [tilespmem:s29+$0xB0];
	[tilespmem:v30+s14+$0x0] =	vst.idx.msk $0xffff, v57  }
0x28f: {  	v9 =	vor.u32 $0x6, v34;
	[tilespmem:v53+s14+$0x0] =	vst.idx.msk $0xffff, v55;
	v0 =	vld [tilespmem:s28+$0x1C0]  }
0x290: {  	[tilespmem:v52+s14+$0x0] =	vst.idx.msk $0xffff, v10;
	v10 =	vld [tilespmem:s28+$0x1D0]  }
0x291: {  	v48 =	vor.u32 $0x5, v33;
	v52 =	vld [tilespmem:s29+$0xFFFFFEA0];
	[tilespmem:v25+s14+$0x0] =	vst.idx.msk $0xffff, v3  }
0x292: {  	v58 =	vor.u32 $0x6, v39;
	v3 =	vld [tilespmem:s29+$0xFFFFFEB0];
	[tilespmem:v7+s14+$0x0] =	vst.idx.msk $0xffff, v6  }
0x293: {  	v59 =	vld [tilespmem:s25+$0xFFFFFFE0];
	[tilespmem:v8+s14+$0x0] =	vst.idx.msk $0xffff, v1  }
0x294: {  	v30 =	vld [tilespmem:s25+$0xFFFFFFF0];
	[tilespmem:v9+s14+$0x0] =	vst.idx.msk $0xffff, v0  }
0x295: {  	v47 =	vor.u32 $0x5, v36;
	v0 =	vld [tilespmem:s29+$0xC0]  }
0x296: {  	[tilespmem:v48+s14+$0x0] =	vst.idx.msk $0xffff, v52;
	v52 =	vld [tilespmem:$0x1FFF0]  }
0x297: {  	s25 =	smov.u32 s26;
	s26 =	smov.u32 s28;
	[tilespmem:v58+s14+$0x0] =	vst.idx.msk $0xffff, v10;
	v48 =	vld [tilespmem:$0x1FFB0]  }
0x298: {  	v49 =	vmov v20;
	v7 =	vld [tilespmem:s26+$0x1E0]  }
0x299: {  	[tilespmem:$0x1FFA0] =	vst v49;
	v6 =	vor.u32 $0x6, v40;
	v10 =	vld [tilespmem:s29+$0xD0]  }
0x29a: {  	v51 =	vor.u32 $0x2, v31;
	v8 =	vor.u32 $0x7, v34;
	[tilespmem:v47+s14+$0x0] =	vst.idx.msk $0xffff, v3;
	v3 =	vld [tilespmem:s26+$0x1F0]  }
0x29b: {  	v60 =	vor.u32 $0x2, v32;
	v9 =	vor.u32 $0x7, v39;
	[tilespmem:v26+s14+$0x0] =	vst.idx.msk $0xffff, v4;
	v26 =	vmov v51;
	v51 =	vld [tilespmem:$0x1FFE0]  }
0x29c: {  	v25 =	vmov v60;
	v60 =	vor.u32 $0x6, v41;
	v4 =	vld [tilespmem:s29+$0xFFFFFEC0];
	[tilespmem:v15+s14+$0x0] =	vst.idx.msk $0xffff, v2  }
0x29d: {  	v44 =	vor.u32 $0x6, v33;
	[tilespmem:$0x1FF90] =	vst v29;
	v2 =	vld [tilespmem:s29+$0xFFFFFED0]  }
0x29e: {  	v43 =	vor.u32 $0x6, v36;
	[tilespmem:v6+s14+$0x0] =	vst.idx.msk $0xffff, v0;
	v61 =	vld [tilespmem:s26+$0xFFFFFF60]  }
0x29f: {  	v6 =	vld [tilespmem:s26+$0xFFFFFF70];
	[tilespmem:v8+s14+$0x0] =	vst.idx.msk $0xffff, v7  }
0x2a0: {  	v49 =	vor.u32 $0x7, v32;
	v47 =	vld [tilespmem:s25+$0xFFFFFFC0];
	[tilespmem:v9+s14+$0x0] =	vst.idx.msk $0xffff, v3  }
0x2a1: {  	v9 =	vmov v12;
	v12 =	vmov v19;
	v19 =	vmov v49;
	v49 =	vld [tilespmem:$0x1FFC0];
	[tilespmem:v60+s14+$0x0] =	vst.idx.msk $0xffff, v10  }
0x2a2: {  	[tilespmem:v44+s14+$0x0] =	vst.idx.msk $0xffff, v4;
	v3 =	vld [tilespmem:s29+$0xE0];
	v4 =	vor.u32 $0x7, v40  }
0x2a3: {  	v7 =	vor.u32 $0x7, v41;
	v62 =	vld [tilespmem:s29+$0xF0];
	[tilespmem:v43+s14+$0x0] =	vst.idx.msk $0xffff, v2  }
0x2a4: {  	v8 =	vld [tilespmem:s29+$0xFFFFFEE0];
	[tilespmem:v23+s14+$0x0] =	vst.idx.msk $0xffff, v61  }
0x2a5: {  	p1 =	slt.u32 s31, $0x1E;
	v39 =	vld [tilespmem:s29+$0xFFFFFEF0];
	[tilespmem:v24+s14+$0x0] =	vst.idx.msk $0xffff, v6  }
.Ltmp1:
0x2a6: {  	v38 =	vor.u32 $0x7, v36;
	v40 =	vld [tilespmem:s26+$0xFFFFFF80];
	[tilespmem:v11+s14+$0x0] =	vst.idx.msk $0xffff, v59;
	(pc) =	sbr.rel @p1 .LBB2_5-.Ltmp1, $4  }
0x2a7: {  	v45 =	vor.u32 $0x3, v31;
	v35 =	vor.u32 $0x4, v31;
	v54 =	vor.u32 $0x5, v31;
	[tilespmem:v4+s14+$0x0] =	vst.idx.msk $0xffff, v3;
	v41 =	vld [tilespmem:s26+$0xFFFFFF90]  }
0x2a8: {  	v46 =	vor.u32 $0x3, v32;
	v33 =	vor.u32 $0x6, v32;
	v36 =	vor.u32 $0x4, v32;
	v43 =	vld [tilespmem:s25+$0xFFFFFFD0];
	[tilespmem:v7+s14+$0x0] =	vst.idx.msk $0xffff, v62  }
0x2a9: {  	v20 =	vor.u32 $0x7, v31;
	v29 =	vor.u32 $0x6, v31;
	v15 =	vmovc v21;
	v44 =	vor.u32 s10, v52;
	[tilespmem:v63+s14+$0x0] =	vst.idx.msk $0xffff, v8;
	v8 =	vld [tilespmem:$0x1FF70]  }
0x2aa: {  	s28 =	smov.u32 s29;
	v21 =	vmovc v54;
	v34 =	vor.u32 v37, v44;
	v23 =	vmovc v46;
	v24 =	vmov v45;
	v11 =	vmov v42;
	v42 =	vld [tilespmem:s29+$0x100]  }
0x2ab: {  	_ = 	snop  }
0x2ac: {  	v0 =	vld [tilespmem:s29+$0x110];
	v1 =	vor.u32 v5, v44;
	_ =	sdelay $0x2  }
0x2ad: {  	[tilespmem:v38+s14+$0x0] =	vst.idx.msk $0xffff, v39  }
0x2ae: {  	v62 =	vld [tilespmem:s29+$0xFFFFFF00];
	[tilespmem:v34+s14+$0x0] =	vst.idx.msk $0xffff, v42  }
0x2af: {  	v6 =	vld [tilespmem:s29+$0xFFFFFF10];
	[tilespmem:v1+s14+$0x0] =	vst.idx.msk $0xffff, v0  }
0x2b0: {  	v2 =	vor.u32 $0x1, v34;
	v0 =	vld [tilespmem:s28+$0x120]  }
0x2b1: {  	v4 =	vor.u32 $0x1, v1;
	v3 =	vld [tilespmem:s28+$0x130];
	_ =	sdelay $0x1  }
0x2b2: {  	[tilespmem:v32+s14+$0x0] =	vst.idx.msk $0xffff, v62  }
0x2b3: {  	[tilespmem:v31+s14+$0x0] =	vst.idx.msk $0xffff, v6  }
0x2b4: {  	v5 =	vld [tilespmem:s28+$0xFFFFFF20];
	[tilespmem:v2+s14+$0x0] =	vst.idx.msk $0xffff, v0  }
0x2b5: {  	v6 =	vld [tilespmem:s28+$0xFFFFFF30];
	[tilespmem:v4+s14+$0x0] =	vst.idx.msk $0xffff, v3  }
0x2b6: {  	v63 =	vor.u32 $0x2, v34;
	v0 =	vld [tilespmem:s28+$0x140]  }
0x2b7: {  	v10 =	vor.u32 $0x2, v1;
	v3 =	vld [tilespmem:s28+$0x150];
	_ =	sdelay $0x1  }
0x2b8: {  	[tilespmem:v27+s14+$0x0] =	vst.idx.msk $0xffff, v5  }
0x2b9: {  	[tilespmem:v28+s14+$0x0] =	vst.idx.msk $0xffff, v6  }
0x2ba: {  	v5 =	vld [tilespmem:s28+$0xFFFFFF40];
	[tilespmem:v63+s14+$0x0] =	vst.idx.msk $0xffff, v0  }
0x2bb: {  	v37 =	vld [tilespmem:s28+$0xFFFFFF50];
	[tilespmem:v10+s14+$0x0] =	vst.idx.msk $0xffff, v3  }
0x2bc: {  	v31 =	vor.u32 $0x3, v34;
	v0 =	vld [tilespmem:s28+$0x160]  }
0x2bd: {  	v32 =	vor.u32 $0x3, v1;
	v3 =	vld [tilespmem:s28+$0x170];
	_ =	sdelay $0x1  }
0x2be: {  	[tilespmem:v25+s14+$0x0] =	vst.idx.msk $0xffff, v5  }
0x2bf: {  	[tilespmem:v26+s14+$0x0] =	vst.idx.msk $0xffff, v37  }
0x2c0: {  	[tilespmem:v31+s14+$0x0] =	vst.idx.msk $0xffff, v0;
	v0 =	vld [tilespmem:s28+$0xFFFFFF60]  }
0x2c1: {  	v42 =	vld [tilespmem:s28+$0xFFFFFF70];
	[tilespmem:v32+s14+$0x0] =	vst.idx.msk $0xffff, v3  }
0x2c2: {  	v38 =	vor.u32 $0x4, v34;
	v2 =	vld [tilespmem:s28+$0x180]  }
0x2c3: {  	v39 =	vor.u32 $0x4, v1;
	v4 =	vld [tilespmem:s28+$0x190]  }
0x2c4: {  	[tilespmem:v17+s14+$0x0] =	vst.idx.msk $0xffff, v40  }
0x2c5: {  	[tilespmem:v23+s14+$0x0] =	vst.idx.msk $0xffff, v0  }
0x2c6: {  	[tilespmem:v24+s14+$0x0] =	vst.idx.msk $0xffff, v42  }
0x2c7: {  	[tilespmem:v38+s14+$0x0] =	vst.idx.msk $0xffff, v2;
	v0 =	vld [tilespmem:s28+$0xFFFFFF80]  }
0x2c8: {  	v2 =	vld [tilespmem:s28+$0xFFFFFF90];
	[tilespmem:v39+s14+$0x0] =	vst.idx.msk $0xffff, v4  }
0x2c9: {  	v44 =	vor.u32 $0x5, v34;
	[tilespmem:v14+s14+$0x0] =	vst.idx.msk $0xffff, v47;
	v3 =	vld [tilespmem:s28+$0x1A0]  }
0x2ca: {  	v46 =	vor.u32 $0x5, v1;
	[tilespmem:v18+s14+$0x0] =	vst.idx.msk $0xffff, v41;
	v45 =	vld [tilespmem:s28+$0x1B0]  }
0x2cb: {  	v7 =	vld [tilespmem:s26+$0xFFFFFFA0];
	[tilespmem:v8+s14+$0x0] =	vst.idx.msk $0xffff, v43  }
0x2cc: {  	v54 =	vld [tilespmem:s26+$0xFFFFFFB0];
	[tilespmem:v36+s14+$0x0] =	vst.idx.msk $0xffff, v0  }
0x2cd: {  	v59 =	vld [tilespmem:s25+$0xFFFFFFE0];
	[tilespmem:v35+s14+$0x0] =	vst.idx.msk $0xffff, v2  }
0x2ce: {  	[tilespmem:v44+s14+$0x0] =	vst.idx.msk $0xffff, v3;
	v2 =	vld [tilespmem:s28+$0xFFFFFFA0]  }
0x2cf: {  	v55 =	vld [tilespmem:s28+$0xFFFFFFB0];
	[tilespmem:v46+s14+$0x0] =	vst.idx.msk $0xffff, v45  }
0x2d0: {  	v50 =	vor.u32 $0x6, v34;
	v3 =	vld [tilespmem:s28+$0x1C0]  }
0x2d1: {  	v53 =	vor.u32 $0x6, v1;
	[tilespmem:v16+s14+$0x0] =	vst.idx.msk $0xffff, v7;
	v5 =	vld [tilespmem:s28+$0x1D0]  }
0x2d2: {  	v60 =	vld [tilespmem:s25+$0xFFFFFFF0];
	[tilespmem:v15+s14+$0x0] =	vst.idx.msk $0xffff, v54  }
0x2d3: {  	v0 =	vld [tilespmem:s26+$0xFFFFFFC0];
	[tilespmem:v22+s14+$0x0] =	vst.idx.msk $0xffff, v2  }
0x2d4: {  	v57 =	vld [tilespmem:s26+$0xFFFFFFD0];
	[tilespmem:v21+s14+$0x0] =	vst.idx.msk $0xffff, v55  }
0x2d5: {  	[tilespmem:v50+s14+$0x0] =	vst.idx.msk $0xffff, v3;
	v3 =	vld [tilespmem:s28+$0xFFFFFFC0]  }
0x2d6: {  	v58 =	vld [tilespmem:s28+$0xFFFFFFD0];
	[tilespmem:v53+s14+$0x0] =	vst.idx.msk $0xffff, v5  }
0x2d7: {  	v7 =	vld [tilespmem:$0x1FF80]  }
0x2d8: {  	v56 =	vor.u32 $0x7, v34;
	v4 =	vld [tilespmem:s28+$0x1E0];
	[tilespmem:v13+s14+$0x0] =	vst.idx.msk $0xffff, v0  }
0x2d9: {  	v1 =	vor.u32 $0x7, v1;
	v6 =	vld [tilespmem:s28+$0x1F0];
	[tilespmem:v9+s14+$0x0] =	vst.idx.msk $0xffff, v59  }
0x2da: {  	[tilespmem:v11+s14+$0x0] =	vst.idx.msk $0xffff, v57  }
0x2db: {  	[tilespmem:v33+s14+$0x0] =	vst.idx.msk $0xffff, v3  }
0x2dc: {  	[tilespmem:v29+s14+$0x0] =	vst.idx.msk $0xffff, v58  }
0x2dd: {  	[tilespmem:v56+s14+$0x0] =	vst.idx.msk $0xffff, v4  }
0x2de: {  	[tilespmem:v1+s14+$0x0] =	vst.idx.msk $0xffff, v6  }
0x2df: {  	[tilespmem:v7+s14+$0x0] =	vst.idx.msk $0xffff, v30  }
0x2e0: {  	v5 =	vld [tilespmem:$0x1FF90];
	_ =	sdelay $0x1  }
0x2e1: {  	v2 =	vld [tilespmem:s26+$0xFFFFFFE0];
	_ =	sdelay $0x4  }
0x2e2: {  	v61 =	vld [tilespmem:s26+$0xFFFFFFF0];
	[tilespmem:v12+s14+$0x0] =	vst.idx.msk $0xffff, v2  }
0x2e3: {  	[tilespmem:v5+s14+$0x0] =	vst.idx.msk $0xffff, v60  }
0x2e4: {  	v0 =	vld [tilespmem:$0x1FFA0]  }
0x2e5: {  	v62 =	vld [tilespmem:s28+$0xFFFFFFE0]  }
0x2e6: {  	v63 =	vld [tilespmem:s28+$0xFFFFFFF0];
	_ =	sdelay $0x1  }
0x2e7: {  	p1 =	sne.s32 s23, $0xC  }
.Ltmp2:
0x2e8: {  	s0 =	sshll.u32 s23, $0x14;
	(pc) =	sbr.rel @p1 .LBB2_8-.Ltmp2, $4  }
0x2e9: {  	s0 =	sor.u32 s6, s0;
	[tilespmem:v19+s14+$0x0] =	vst.idx.msk $0xffff, v62  }
0x2ea: {  	s0 =	sshrl.u32 s0, $0x3;
	[tilespmem:v20+s14+$0x0] =	vst.idx.msk $0xffff, v63  }
0x2eb: {  	s0 =	sadd.s32 s2, s0;
	[tilespmem:v0+s14+$0x0] =	vst.idx.msk $0xffff, v61  }
0x2ec: {  	[hbm4b:s0+s15] =	stream.strided.scatter [tilespmem:s14], [sflag:$0x3], $0x4000, s16, s15, $0x38;
	[tilespmem:$0x16800] =	vst v63  }
.Ltmp3:
0x2ed: {  	(pc) =	sbr.rel .LBB2_9-.Ltmp3, $4  }
0x2ee: {  	_ = 	snop  }
0x2ef: {  	_ =	swait.ge [sflag:s17], $0x4000  }
0x2f0: {  	[sflag:s17] =	ssyncset.done $0x0  }
0x2f1: {  	[sflag:s17] =	ssyncadd.s32 $0xFFFFC000  }
.LBB2_8:
0x2f2: {  	s0 =	sshll.u32 s23, $0xA  }
0x2f3: {  	s0 =	sand.u32 $0x3FFFFC00, s0  }
.Ltmp4:
0x2f4: {  	s0 =	sadd.s32 $0x3800, s0;
	(pc) =	sbr.rel @p0 .LBB2_10-.Ltmp4, $4  }
0x2f5: {  	[tilespmem:s11], [sflag:$0x1] =	stream.indirect.gather [hbm4b:s4+s9], $0x20, s0, s9, $0xb8;
	[tilespmem:$0x16800] =	vst v63  }
0x2f6: {  	_ =	swait.ge [sflag:s17], $0x4000  }
0x2f7: {  	[sflag:s17] =	ssyncset.done $0x0  }
0x2f8: {  	[sflag:s17] =	ssyncadd.s32 $0xFFFFC000  }
.LBB2_9:
0x2f9: {  	_ =	swait.ge [sflag:s18], $0x4000  }
0x2fa: {  	[sflag:s18] =	ssyncset.done $0x0  }
0x2fb: {  	[sflag:s18] =	ssyncadd.s32 $0xFFFFC000  }
.LBB2_10:
0x2fc: {  	s0 =	simm.s32 $0x10;
	s1 =	simm.s32 $0x0  }
0x2fd: {  	s10 =	sand.u32 $0xFFFFFC00, s1;
	s26 =	sand.u32 $0x70, s0  }
0x2fe: {  	s28 =	simm.s32 $0xABF0;
	v6 =	vor.u32 s10, v49;
	v0 =	vor.u32 s26, v48  }
0x2ff: {  	v1 =	vld [tilespmem:s28+$0xFFFFFE10];
	v7 =	vor.u32 s10, v51;
	v2 =	vor.u32 v6, v0  }
0x300: {  	v3 =	vld [tilespmem:s28+$0xFFFFFE20];
	v0 =	vor.u32 v7, v0  }
0x301: {  	s10 =	simm.s32 $0x0  }
0x302: {  	s29 =	sand.u32 $0x60, s10  }
0x303: {  	v8 =	vor.u32 s29, v48  }
0x304: {  	v10 =	vld [tilespmem:s28+$0xFFFFFC10];
	v9 =	vor.u32 v8, v6;
	[tilespmem:v2+s19+$0x0] =	vst.idx.msk $0xffff, v1  }
0x305: {  	v15 =	vor.u32 v8, v7;
	v8 =	vld [tilespmem:s28+$0xFFFFFC20];
	[tilespmem:v0+s19+$0x0] =	vst.idx.msk $0xffff, v3  }
0x306: {  	v3 =	vor.u32 $0x1, v2;
	v1 =	vld [tilespmem:s28+$0xFFFFFE30]  }
0x307: {  	v5 =	vor.u32 $0x1, v0;
	v4 =	vld [tilespmem:s28+$0xFFFFFE40];
	_ =	sdelay $0x1  }
0x308: {  	[tilespmem:v9+s19+$0x0] =	vst.idx.msk $0xffff, v10  }
0x309: {  	[tilespmem:v15+s19+$0x0] =	vst.idx.msk $0xffff, v8  }
0x30a: {  	v8 =	vor.u32 $0x1, v9;
	v10 =	vld [tilespmem:s28+$0xFFFFFC30];
	[tilespmem:v3+s19+$0x0] =	vst.idx.msk $0xffff, v1  }
0x30b: {  	v11 =	vor.u32 $0x1, v15;
	v12 =	vld [tilespmem:s28+$0xFFFFFC40];
	[tilespmem:v5+s19+$0x0] =	vst.idx.msk $0xffff, v4  }
0x30c: {  	v3 =	vor.u32 $0x2, v2;
	v1 =	vld [tilespmem:s28+$0xFFFFFE50]  }
0x30d: {  	v5 =	vor.u32 $0x2, v0;
	v4 =	vld [tilespmem:s28+$0xFFFFFE60];
	_ =	sdelay $0x1  }
0x30e: {  	[tilespmem:v8+s19+$0x0] =	vst.idx.msk $0xffff, v10  }
0x30f: {  	[tilespmem:v11+s19+$0x0] =	vst.idx.msk $0xffff, v12  }
0x310: {  	v8 =	vor.u32 $0x2, v9;
	v10 =	vld [tilespmem:s28+$0xFFFFFC50];
	[tilespmem:v3+s19+$0x0] =	vst.idx.msk $0xffff, v1  }
0x311: {  	v11 =	vor.u32 $0x2, v15;
	v12 =	vld [tilespmem:s28+$0xFFFFFC60];
	[tilespmem:v5+s19+$0x0] =	vst.idx.msk $0xffff, v4  }
0x312: {  	v3 =	vor.u32 $0x3, v2;
	v1 =	vld [tilespmem:s28+$0xFFFFFE70]  }
0x313: {  	v5 =	vor.u32 $0x3, v0;
	v4 =	vld [tilespmem:s28+$0xFFFFFE80];
	_ =	sdelay $0x1  }
0x314: {  	[tilespmem:v8+s19+$0x0] =	vst.idx.msk $0xffff, v10  }
0x315: {  	[tilespmem:v11+s19+$0x0] =	vst.idx.msk $0xffff, v12  }
0x316: {  	v8 =	vor.u32 $0x3, v9;
	v10 =	vld [tilespmem:s28+$0xFFFFFC70];
	[tilespmem:v3+s19+$0x0] =	vst.idx.msk $0xffff, v1  }
0x317: {  	v11 =	vor.u32 $0x3, v15;
	v12 =	vld [tilespmem:s28+$0xFFFFFC80];
	[tilespmem:v5+s19+$0x0] =	vst.idx.msk $0xffff, v4  }
0x318: {  	v3 =	vor.u32 $0x4, v2;
	v1 =	vld [tilespmem:s28+$0xFFFFFE90]  }
0x319: {  	v5 =	vor.u32 $0x4, v0;
	v4 =	vld [tilespmem:s28+$0xFFFFFEA0];
	_ =	sdelay $0x1  }
0x31a: {  	[tilespmem:v8+s19+$0x0] =	vst.idx.msk $0xffff, v10  }
0x31b: {  	[tilespmem:v11+s19+$0x0] =	vst.idx.msk $0xffff, v12  }
0x31c: {  	v8 =	vor.u32 $0x4, v9;
	v10 =	vld [tilespmem:s28+$0xFFFFFC90];
	[tilespmem:v3+s19+$0x0] =	vst.idx.msk $0xffff, v1  }
0x31d: {  	v11 =	vor.u32 $0x4, v15;
	v12 =	vld [tilespmem:s28+$0xFFFFFCA0];
	[tilespmem:v5+s19+$0x0] =	vst.idx.msk $0xffff, v4  }
0x31e: {  	v3 =	vor.u32 $0x5, v2;
	v1 =	vld [tilespmem:s28+$0xFFFFFEB0]  }
0x31f: {  	v5 =	vor.u32 $0x5, v0;
	v4 =	vld [tilespmem:s28+$0xFFFFFEC0];
	_ =	sdelay $0x1  }
0x320: {  	[tilespmem:v8+s19+$0x0] =	vst.idx.msk $0xffff, v10  }
0x321: {  	[tilespmem:v11+s19+$0x0] =	vst.idx.msk $0xffff, v12  }
0x322: {  	v8 =	vor.u32 $0x5, v9;
	v10 =	vld [tilespmem:s28+$0xFFFFFCB0];
	[tilespmem:v3+s19+$0x0] =	vst.idx.msk $0xffff, v1  }
0x323: {  	v11 =	vor.u32 $0x5, v15;
	v12 =	vld [tilespmem:s28+$0xFFFFFCC0];
	[tilespmem:v5+s19+$0x0] =	vst.idx.msk $0xffff, v4  }
0x324: {  	v3 =	vor.u32 $0x6, v2;
	v1 =	vld [tilespmem:s28+$0xFFFFFED0]  }
0x325: {  	v5 =	vor.u32 $0x6, v0;
	v4 =	vld [tilespmem:s28+$0xFFFFFEE0];
	_ =	sdelay $0x1  }
0x326: {  	[tilespmem:v8+s19+$0x0] =	vst.idx.msk $0xffff, v10  }
0x327: {  	[tilespmem:v11+s19+$0x0] =	vst.idx.msk $0xffff, v12  }
0x328: {  	[tilespmem:v3+s19+$0x0] =	vst.idx.msk $0xffff, v1  }
0x329: {  	[tilespmem:v5+s19+$0x0] =	vst.idx.msk $0xffff, v4;
	v4 =	vor.u32 $0x6, v9;
	v5 =	vld [tilespmem:s28+$0xFFFFFCD0]  }
0x32a: {  	v2 =	vor.u32 $0x7, v2;
	v1 =	vld [tilespmem:s28+$0xFFFFFEF0]  }
0x32b: {  	v8 =	vor.u32 $0x6, v15;
	v11 =	vld [tilespmem:s28+$0xFFFFFCE0]  }
0x32c: {  	v0 =	vor.u32 $0x7, v0;
	v3 =	vld [tilespmem:s28+$0xFFFFFF00];
	_ =	sdelay $0x1  }
0x32d: {  	s25 =	simm.s32 $0x100;
	[tilespmem:v4+s19+$0x0] =	vst.idx.msk $0xffff, v5  }
0x32e: {  	s0 =	sand.u32 $0xFFFFFC00, s25;
	s25 =	simm.s32 $0xAFF0;
	[tilespmem:v2+s19+$0x0] =	vst.idx.msk $0xffff, v1  }
0x32f: {  	v16 =	vld [tilespmem:s25+$0xFFFFFE10];
	[tilespmem:v8+s19+$0x0] =	vst.idx.msk $0xffff, v11  }
0x330: {  	v45 =	vor.u32 s26, v52;
	s26 =	simm.s32 $0x30;
	[tilespmem:v0+s19+$0x0] =	vst.idx.msk $0xffff, v3;
	v46 =	vld [tilespmem:s28+$0xFFFFFCF0];
	v3 =	vor.u32 $0x7, v9  }
0x331: {  	s1 =	simm.s32 $0x20;
	s26 =	sand.u32 $0x70, s26;
	v10 =	vor.u32 v6, v45;
	v1 =	vld [tilespmem:s28+$0xFFFFFF10]  }
0x332: {  	s1 =	sand.u32 $0x60, s1;
	v12 =	vor.u32 s26, v48;
	v5 =	vor.u32 v7, v45;
	v9 =	vor.u32 s0, v49;
	v2 =	vld [tilespmem:s28+$0xFFFFFF20]  }
0x333: {  	v47 =	vld [tilespmem:s25+$0xFFFFFE20];
	v14 =	vor.u32 s1, v48;
	v11 =	vor.u32 v9, v12  }
0x334: {  	v50 =	vld [tilespmem:s25+$0xFFFFFC10];
	v8 =	vor.u32 s0, v51;
	v13 =	vor.u32 v14, v9  }
0x335: {  	v4 =	vld [tilespmem:s28+$0xFFFFFD00];
	v12 =	vor.u32 v8, v12;
	[tilespmem:v3+s19+$0x0] =	vst.idx.msk $0xffff, v46  }
0x336: {  	v14 =	vor.u32 v14, v8;
	v3 =	vld [tilespmem:s25+$0xFFFFFC20];
	[tilespmem:v10+s19+$0x0] =	vst.idx.msk $0xffff, v1  }
0x337: {  	v15 =	vor.u32 $0x7, v15;
	[tilespmem:v5+s19+$0x0] =	vst.idx.msk $0xffff, v2  }
0x338: {  	v17 =	vor.u32 $0x1, v10;
	[tilespmem:v11+s19+$0x0] =	vst.idx.msk $0xffff, v16;
	v2 =	vld [tilespmem:s28+$0xFFFFFF30]  }
0x339: {  	v19 =	vor.u32 $0x1, v5;
	[tilespmem:v13+s19+$0x0] =	vst.idx.msk $0xffff, v50;
	v18 =	vld [tilespmem:s28+$0xFFFFFF40]  }
0x33a: {  	[tilespmem:v12+s19+$0x0] =	vst.idx.msk $0xffff, v47  }
0x33b: {  	v16 =	vor.u32 $0x1, v11;
	v1 =	vld [tilespmem:s25+$0xFFFFFE30];
	[tilespmem:v14+s19+$0x0] =	vst.idx.msk $0xffff, v3  }
0x33c: {  	[tilespmem:v15+s19+$0x0] =	vst.idx.msk $0xffff, v4;
	v4 =	vor.u32 $0x1, v13;
	v15 =	vld [tilespmem:s25+$0xFFFFFC30]  }
0x33d: {  	v53 =	vld [tilespmem:s25+$0xFFFFFE40];
	[tilespmem:v17+s19+$0x0] =	vst.idx.msk $0xffff, v2;
	v17 =	vor.u32 $0x1, v12  }
0x33e: {  	v20 =	vor.u32 $0x1, v14;
	v21 =	vld [tilespmem:s25+$0xFFFFFC40];
	[tilespmem:v19+s19+$0x0] =	vst.idx.msk $0xffff, v18  }
0x33f: {  	v18 =	vor.u32 $0x2, v10;
	v54 =	vld [tilespmem:s28+$0xFFFFFF50]  }
0x340: {  	[tilespmem:v16+s19+$0x0] =	vst.idx.msk $0xffff, v1;
	v19 =	vor.u32 $0x2, v5;
	v3 =	vld [tilespmem:s28+$0xFFFFFF60]  }
0x341: {  	[tilespmem:v4+s19+$0x0] =	vst.idx.msk $0xffff, v15  }
0x342: {  	[tilespmem:v17+s19+$0x0] =	vst.idx.msk $0xffff, v53  }
0x343: {  	v16 =	vor.u32 $0x2, v11;
	[tilespmem:v20+s19+$0x0] =	vst.idx.msk $0xffff, v21;
	v2 =	vld [tilespmem:s25+$0xFFFFFE50]  }
0x344: {  	v17 =	vor.u32 $0x2, v12;
	v56 =	vld [tilespmem:s25+$0xFFFFFE60];
	[tilespmem:v18+s19+$0x0] =	vst.idx.msk $0xffff, v54  }
0x345: {  	v20 =	vld [tilespmem:s25+$0xFFFFFC50];
	[tilespmem:v19+s19+$0x0] =	vst.idx.msk $0xffff, v3;
	v19 =	vor.u32 $0x2, v13  }
0x346: {  	v4 =	vor.u32 $0x3, v10;
	v3 =	vld [tilespmem:s28+$0xFFFFFF70]  }
0x347: {  	v22 =	vor.u32 $0x2, v14;
	v23 =	vld [tilespmem:s25+$0xFFFFFC60]  }
0x348: {  	v18 =	vor.u32 $0x3, v5;
	v15 =	vld [tilespmem:s28+$0xFFFFFF80];
	[tilespmem:v16+s19+$0x0] =	vst.idx.msk $0xffff, v2  }
0x349: {  	[tilespmem:v17+s19+$0x0] =	vst.idx.msk $0xffff, v56  }
0x34a: {  	[tilespmem:v19+s19+$0x0] =	vst.idx.msk $0xffff, v20  }
0x34b: {  	v16 =	vor.u32 $0x3, v11;
	v0 =	vld [tilespmem:s25+$0xFFFFFE70];
	[tilespmem:v4+s19+$0x0] =	vst.idx.msk $0xffff, v3  }
0x34c: {  	v3 =	vld [tilespmem:s25+$0xFFFFFE80];
	v4 =	vor.u32 $0x3, v12;
	[tilespmem:v22+s19+$0x0] =	vst.idx.msk $0xffff, v23  }
0x34d: {  	v58 =	vor.u32 $0x3, v13;
	[tilespmem:v18+s19+$0x0] =	vst.idx.msk $0xffff, v15;
	v20 =	vld [tilespmem:s25+$0xFFFFFC70]  }
0x34e: {  	v17 =	vor.u32 $0x4, v10;
	v15 =	vld [tilespmem:s28+$0xFFFFFF90]  }
0x34f: {  	v22 =	vor.u32 $0x3, v14;
	v23 =	vld [tilespmem:s25+$0xFFFFFC80]  }
0x350: {  	v21 =	vor.u32 s29, v52;
	v19 =	vor.u32 $0x4, v5;
	v18 =	vld [tilespmem:s28+$0xFFFFFFA0];
	[tilespmem:v16+s19+$0x0] =	vst.idx.msk $0xffff, v0  }
0x351: {  	v55 =	vld [tilespmem:s28+$0xFFFFFD10];
	v6 =	vor.u32 v21, v6;
	[tilespmem:v4+s19+$0x0] =	vst.idx.msk $0xffff, v3  }
0x352: {  	v57 =	vld [tilespmem:s28+$0xFFFFFD20];
	v7 =	vor.u32 v21, v7;
	[tilespmem:v58+s19+$0x0] =	vst.idx.msk $0xffff, v20  }
0x353: {  	v3 =	vor.u32 $0x4, v11;
	v0 =	vld [tilespmem:s25+$0xFFFFFE90];
	[tilespmem:v17+s19+$0x0] =	vst.idx.msk $0xffff, v15  }
0x354: {  	v4 =	vld [tilespmem:s25+$0xFFFFFEA0];
	v15 =	vor.u32 $0x4, v12;
	[tilespmem:v22+s19+$0x0] =	vst.idx.msk $0xffff, v23  }
0x355: {  	v60 =	vor.u32 $0x4, v13;
	[tilespmem:v19+s19+$0x0] =	vst.idx.msk $0xffff, v18;
	v19 =	vld [tilespmem:s25+$0xFFFFFC90]  }
0x356: {  	[tilespmem:v6+s19+$0x0] =	vst.idx.msk $0xffff, v55;
	v16 =	vor.u32 $0x5, v10;
	v59 =	vld [tilespmem:s28+$0xFFFFFFB0]  }
0x357: {  	[tilespmem:v7+s19+$0x0] =	vst.idx.msk $0xffff, v57;
	v20 =	vor.u32 $0x4, v14;
	v21 =	vld [tilespmem:s25+$0xFFFFFCA0]  }
0x358: {  	v18 =	vor.u32 $0x5, v5;
	v17 =	vld [tilespmem:s28+$0xFFFFFFC0];
	[tilespmem:v3+s19+$0x0] =	vst.idx.msk $0xffff, v0  }
0x359: {  	[tilespmem:v15+s19+$0x0] =	vst.idx.msk $0xffff, v4  }
0x35a: {  	v61 =	vor.u32 $0x1, v6;
	v3 =	vld [tilespmem:s28+$0xFFFFFD30];
	[tilespmem:v60+s19+$0x0] =	vst.idx.msk $0xffff, v19  }
0x35b: {  	v15 =	vor.u32 $0x5, v11;
	v4 =	vld [tilespmem:s25+$0xFFFFFEB0];
	[tilespmem:v16+s19+$0x0] =	vst.idx.msk $0xffff, v59  }
0x35c: {  	v62 =	vld [tilespmem:s25+$0xFFFFFEC0];
	v16 =	vor.u32 $0x5, v12;
	[tilespmem:v20+s19+$0x0] =	vst.idx.msk $0xffff, v21  }
0x35d: {  	[tilespmem:v18+s19+$0x0] =	vst.idx.msk $0xffff, v17;
	v17 =	vor.u32 $0x1, v7;
	v18 =	vld [tilespmem:s28+$0xFFFFFD40]  }
0x35e: {  	v20 =	vor.u32 $0x5, v13;
	v32 =	vld [tilespmem:s25+$0xFFFFFCB0]  }
0x35f: {  	v19 =	vor.u32 $0x6, v10;
	v63 =	vld [tilespmem:s28+$0xFFFFFFD0];
	[tilespmem:v61+s19+$0x0] =	vst.idx.msk $0xffff, v3  }
0x360: {  	v21 =	vld [tilespmem:s25+$0xFFFFFCC0];
	v3 =	vor.u32 $0x5, v14;
	[tilespmem:v15+s19+$0x0] =	vst.idx.msk $0xffff, v4  }
0x361: {  	v4 =	vld [tilespmem:s28+$0xFFFFFFE0];
	v15 =	vor.u32 $0x6, v5;
	[tilespmem:v16+s19+$0x0] =	vst.idx.msk $0xffff, v62  }
0x362: {  	v16 =	vor.u32 $0x6, v11;
	[tilespmem:v17+s19+$0x0] =	vst.idx.msk $0xffff, v18;
	v1 =	vld [tilespmem:s25+$0xFFFFFED0]  }
0x363: {  	v33 =	vld [tilespmem:s25+$0xFFFFFEE0];
	v17 =	vor.u32 $0x6, v12;
	[tilespmem:v20+s19+$0x0] =	vst.idx.msk $0xffff, v32  }
0x364: {  	v18 =	vor.u32 $0x2, v6;
	[tilespmem:v19+s19+$0x0] =	vst.idx.msk $0xffff, v63;
	v19 =	vld [tilespmem:s28+$0xFFFFFD50]  }
0x365: {  	v34 =	vor.u32 $0x2, v7;
	v20 =	vld [tilespmem:s28+$0xFFFFFD60];
	[tilespmem:v3+s19+$0x0] =	vst.idx.msk $0xffff, v21  }
0x366: {  	[tilespmem:v15+s19+$0x0] =	vst.idx.msk $0xffff, v4  }
0x367: {  	v3 =	vor.u32 $0x6, v13;
	v4 =	vld [tilespmem:s25+$0xFFFFFCD0];
	[tilespmem:v16+s19+$0x0] =	vst.idx.msk $0xffff, v1  }
0x368: {  	v21 =	vld [tilespmem:s25+$0xFFFFFCE0];
	v15 =	vor.u32 $0x6, v14;
	[tilespmem:v17+s19+$0x0] =	vst.idx.msk $0xffff, v33  }
0x369: {  	v11 =	vor.u32 $0x7, v11;
	[tilespmem:v18+s19+$0x0] =	vst.idx.msk $0xffff, v19;
	v2 =	vld [tilespmem:s25+$0xFFFFFEF0]  }
0x36a: {  	v12 =	vor.u32 $0x7, v12;
	[tilespmem:v34+s19+$0x0] =	vst.idx.msk $0xffff, v20;
	v36 =	vld [tilespmem:s25+$0xFFFFFF00]  }
0x36b: {  	v16 =	vor.u32 $0x3, v6;
	v17 =	vld [tilespmem:s28+$0xFFFFFD70]  }
0x36c: {  	[tilespmem:v3+s19+$0x0] =	vst.idx.msk $0xffff, v4;
	v3 =	vor.u32 $0x3, v7;
	v4 =	vld [tilespmem:s28+$0xFFFFFD80]  }
0x36d: {  	v35 =	vld [tilespmem:s28+$0xFFFFFFF0];
	[tilespmem:v15+s19+$0x0] =	vst.idx.msk $0xffff, v21  }
0x36e: {  	v13 =	vor.u32 $0x7, v13;
	v18 =	vld [tilespmem:s25+$0xFFFFFCF0];
	[tilespmem:v11+s19+$0x0] =	vst.idx.msk $0xffff, v2  }
0x36f: {  	v38 =	vor.u32 s26, v52;
	v19 =	vor.u32 $0x7, v14;
	v20 =	vld [tilespmem:s25+$0xFFFFFD00];
	[tilespmem:v12+s19+$0x0] =	vst.idx.msk $0xffff, v36  }
0x370: {  	v15 =	vor.u32 v9, v38;
	[tilespmem:v16+s19+$0x0] =	vst.idx.msk $0xffff, v17;
	v11 =	vld [tilespmem:s25+$0xFFFFFF10]  }
0x371: {  	v14 =	vor.u32 v8, v38;
	[tilespmem:v3+s19+$0x0] =	vst.idx.msk $0xffff, v4;
	v3 =	vld [tilespmem:s25+$0xFFFFFF20]  }
0x372: {  	s10 =	simm.s32 $0x200;
	s26 =	simm.s32 $0x50;
	v37 =	vld [tilespmem:s28+$0x0]  }
0x373: {  	v39 =	vor.u32 $0x7, v10;
	s0 =	sand.u32 $0xFFFFFC00, s10;
	s29 =	sand.u32 $0x70, s26;
	v10 =	vor.u32 $0x4, v6;
	v4 =	vld [tilespmem:s28+$0xFFFFFD90];
	[tilespmem:v13+s19+$0x0] =	vst.idx.msk $0xffff, v18  }
0x374: {  	s26 =	simm.s32 $0xB3F0;
	v17 =	vor.u32 s29, v48;
	v18 =	vld [tilespmem:s28+$0xFFFFFDA0];
	v13 =	vor.u32 s0, v49;
	[tilespmem:v19+s19+$0x0] =	vst.idx.msk $0xffff, v20;
	v19 =	vor.u32 $0x4, v7  }
0x375: {  	v21 =	vld [tilespmem:s26+$0xFFFFFE10];
	v12 =	vor.u32 s0, v51;
	v16 =	vor.u32 v13, v17;
	[tilespmem:v15+s19+$0x0] =	vst.idx.msk $0xffff, v11  }
0x376: {  	v17 =	vor.u32 v12, v17;
	v11 =	vld [tilespmem:s26+$0xFFFFFE20];
	[tilespmem:v14+s19+$0x0] =	vst.idx.msk $0xffff, v3  }
0x377: {  	s10 =	simm.s32 $0x40;
	v41 =	vor.u32 $0x1, v15;
	v3 =	vor.u32 s1, v52;
	v40 =	vld [tilespmem:s25+$0xFFFFFF30]  }
0x378: {  	s0 =	sand.u32 $0x60, s10;
	v20 =	vld [tilespmem:s25+$0xFFFFFD10];
	[tilespmem:v10+s19+$0x0] =	vst.idx.msk $0xffff, v4;
	v10 =	vor.u32 v3, v9  }
0x379: {  	v22 =	vor.u32 $0x1, v14;
	v4 =	vld [tilespmem:s25+$0xFFFFFF40];
	[tilespmem:v19+s19+$0x0] =	vst.idx.msk $0xffff, v18;
	v18 =	vor.u32 s0, v48  }
0x37a: {  	v19 =	vld [tilespmem:s26+$0xFFFFFC10];
	[tilespmem:v16+s19+$0x0] =	vst.idx.msk $0xffff, v21;
	v9 =	vor.u32 v18, v13  }
0x37b: {  	v21 =	vld [tilespmem:s26+$0xFFFFFC20];
	v18 =	vor.u32 v18, v12;
	[tilespmem:v17+s19+$0x0] =	vst.idx.msk $0xffff, v11  }
0x37c: {  	v23 =	vld [tilespmem:s25+$0xFFFFFD20];
	[tilespmem:v41+s19+$0x0] =	vst.idx.msk $0xffff, v40  }
0x37d: {  	v25 =	vor.u32 $0x1, v16;
	v24 =	vld [tilespmem:s26+$0xFFFFFE30];
	[tilespmem:v10+s19+$0x0] =	vst.idx.msk $0xffff, v20  }
0x37e: {  	v43 =	vor.u32 $0x1, v17;
	v42 =	vld [tilespmem:s26+$0xFFFFFE40];
	[tilespmem:v22+s19+$0x0] =	vst.idx.msk $0xffff, v4  }
0x37f: {  	v20 =	vor.u32 $0x2, v15;
	[tilespmem:v9+s19+$0x0] =	vst.idx.msk $0xffff, v19;
	v4 =	vld [tilespmem:s25+$0xFFFFFF50]  }
0x380: {  	v22 =	vor.u32 $0x2, v14;
	v19 =	vld [tilespmem:s25+$0xFFFFFF60];
	[tilespmem:v18+s19+$0x0] =	vst.idx.msk $0xffff, v21  }
0x381: {  	[tilespmem:v39+s19+$0x0] =	vst.idx.msk $0xffff, v35;
	v11 =	vor.u32 v3, v8;
	v8 =	vor.u32 $0x1, v9;
	v21 =	vld [tilespmem:s26+$0xFFFFFC30]  }
0x382: {  	[tilespmem:v25+s19+$0x0] =	vst.idx.msk $0xffff, v24;
	v24 =	vor.u32 $0x1, v18;
	v25 =	vld [tilespmem:s26+$0xFFFFFC40]  }
0x383: {  	v3 =	vld [tilespmem:s28+$0xFFFFFDB0];
	[tilespmem:v43+s19+$0x0] =	vst.idx.msk $0xffff, v42  }
0x384: {  	v44 =	vor.u32 $0x2, v16;
	v0 =	vld [tilespmem:s26+$0xFFFFFE50];
	[tilespmem:v20+s19+$0x0] =	vst.idx.msk $0xffff, v4  }
0x385: {  	v4 =	vld [tilespmem:s26+$0xFFFFFE60];
	v20 =	vor.u32 $0x2, v17;
	[tilespmem:v22+s19+$0x0] =	vst.idx.msk $0xffff, v19  }
0x386: {  	v22 =	vor.u32 $0x3, v15;
	[tilespmem:v8+s19+$0x0] =	vst.idx.msk $0xffff, v21;
	v19 =	vld [tilespmem:s25+$0xFFFFFF70]  }
0x387: {  	v21 =	vor.u32 $0x3, v14;
	v8 =	vld [tilespmem:s25+$0xFFFFFF80];
	[tilespmem:v24+s19+$0x0] =	vst.idx.msk $0xffff, v25  }
0x388: {  	[tilespmem:v11+s19+$0x0] =	vst.idx.msk $0xffff, v23;
	v24 =	vor.u32 $0x2, v9;
	v25 =	vld [tilespmem:s26+$0xFFFFFC50]  }
0x389: {  	v5 =	vor.u32 $0x7, v5;
	v23 =	vld [tilespmem:s25+$0xFFFFFD30];
	[tilespmem:v44+s19+$0x0] =	vst.idx.msk $0xffff, v0  }
0x38a: {  	v45 =	vor.u32 $0x2, v18;
	v46 =	vld [tilespmem:s26+$0xFFFFFC60];
	[tilespmem:v20+s19+$0x0] =	vst.idx.msk $0xffff, v4  }
0x38b: {  	v20 =	vor.u32 $0x3, v16;
	v4 =	vld [tilespmem:s26+$0xFFFFFE70];
	[tilespmem:v22+s19+$0x0] =	vst.idx.msk $0xffff, v19  }
0x38c: {  	v19 =	vld [tilespmem:s26+$0xFFFFFE80];
	v22 =	vor.u32 $0x3, v17;
	[tilespmem:v21+s19+$0x0] =	vst.idx.msk $0xffff, v8  }
0x38d: {  	[tilespmem:v24+s19+$0x0] =	vst.idx.msk $0xffff, v25;
	v24 =	vor.u32 $0x1, v10;
	v25 =	vld [tilespmem:s25+$0xFFFFFD40]  }
0x38e: {  	[tilespmem:v5+s19+$0x0] =	vst.idx.msk $0xffff, v37;
	v5 =	vor.u32 $0x4, v15;
	v47 =	vld [tilespmem:s25+$0xFFFFFF90]  }
0x38f: {  	v21 =	vor.u32 $0x4, v14;
	v8 =	vld [tilespmem:s25+$0xFFFFFFA0];
	[tilespmem:v45+s19+$0x0] =	vst.idx.msk $0xffff, v46  }
0x390: {  	v50 =	vor.u32 $0x3, v9;
	v1 =	vld [tilespmem:s26+$0xFFFFFC70];
	[tilespmem:v20+s19+$0x0] =	vst.idx.msk $0xffff, v4  }
0x391: {  	v4 =	vor.u32 $0x3, v18;
	v20 =	vld [tilespmem:s26+$0xFFFFFC80];
	[tilespmem:v22+s19+$0x0] =	vst.idx.msk $0xffff, v19  }
0x392: {  	v36 =	vor.u32 s29, v52;
	s29 =	simm.s32 $0xB7F0;
	v22 =	vor.u32 $0x4, v16;
	v19 =	vld [tilespmem:s26+$0xFFFFFE90];
	[tilespmem:v24+s19+$0x0] =	vst.idx.msk $0xffff, v23  }
0x393: {  	v41 =	vld [tilespmem:s29+$0xFFFFFC10];
	v23 =	vor.u32 $0x1, v11;
	[tilespmem:v5+s19+$0x0] =	vst.idx.msk $0xffff, v47  }
0x394: {  	v53 =	vld [tilespmem:s26+$0xFFFFFEA0];
	v5 =	vor.u32 $0x4, v17;
	[tilespmem:v21+s19+$0x0] =	vst.idx.msk $0xffff, v8  }
0x395: {  	v21 =	vor.u32 $0x5, v15;
	[tilespmem:v50+s19+$0x0] =	vst.idx.msk $0xffff, v1;
	v8 =	vld [tilespmem:s25+$0xFFFFFFB0]  }
0x396: {  	v55 =	vor.u32 $0x5, v14;
	v54 =	vld [tilespmem:s25+$0xFFFFFFC0];
	[tilespmem:v4+s19+$0x0] =	vst.idx.msk $0xffff, v20  }
0x397: {  	v4 =	vor.u32 $0x4, v9;
	v20 =	vld [tilespmem:s26+$0xFFFFFC90];
	[tilespmem:v22+s19+$0x0] =	vst.idx.msk $0xffff, v19  }
0x398: {  	v19 =	vor.u32 $0x4, v18;
	v22 =	vld [tilespmem:s26+$0xFFFFFCA0];
	[tilespmem:v23+s19+$0x0] =	vst.idx.msk $0xffff, v25  }
0x399: {  	v24 =	vld [tilespmem:s28+$0xFFFFFDC0];
	v23 =	vor.u32 $0x5, v6;
	[tilespmem:v5+s19+$0x0] =	vst.idx.msk $0xffff, v53  }
0x39a: {  	v5 =	vor.u32 $0x5, v16;
	v2 =	vld [tilespmem:s26+$0xFFFFFEB0];
	[tilespmem:v21+s19+$0x0] =	vst.idx.msk $0xffff, v8  }
0x39b: {  	v8 =	vld [tilespmem:s26+$0xFFFFFEC0];
	v21 =	vor.u32 $0x5, v17;
	[tilespmem:v55+s19+$0x0] =	vst.idx.msk $0xffff, v54  }
0x39c: {  	v56 =	vor.u32 $0x6, v15;
	[tilespmem:v4+s19+$0x0] =	vst.idx.msk $0xffff, v20;
	v0 =	vld [tilespmem:s25+$0xFFFFFFD0]  }
0x39d: {  	v20 =	vor.u32 $0x6, v14;
	v4 =	vld [tilespmem:s25+$0xFFFFFFE0];
	[tilespmem:v19+s19+$0x0] =	vst.idx.msk $0xffff, v22  }
0x39e: {  	v19 =	vor.u32 $0x5, v9;
	[tilespmem:v23+s19+$0x0] =	vst.idx.msk $0xffff, v3;
	v22 =	vld [tilespmem:s26+$0xFFFFFCB0]  }
0x39f: {  	v57 =	vor.u32 $0x5, v18;
	[tilespmem:v5+s19+$0x0] =	vst.idx.msk $0xffff, v2;
	v5 =	vld [tilespmem:s26+$0xFFFFFCC0]  }
0x3a0: {  	v25 =	vld [tilespmem:s25+$0xFFFFFD50];
	[tilespmem:v21+s19+$0x0] =	vst.idx.msk $0xffff, v8;
	v8 =	vor.u32 $0x2, v10  }
0x3a1: {  	v58 =	vor.u32 $0x2, v11;
	v21 =	vld [tilespmem:s25+$0xFFFFFD60];
	[tilespmem:v56+s19+$0x0] =	vst.idx.msk $0xffff, v0  }
0x3a2: {  	v59 =	vld [tilespmem:s26+$0xFFFFFED0];
	[tilespmem:v20+s19+$0x0] =	vst.idx.msk $0xffff, v4;
	v4 =	vor.u32 $0x5, v7  }
0x3a3: {  	v60 =	vld [tilespmem:s26+$0xFFFFFEE0];
	v20 =	vor.u32 $0x6, v16;
	[tilespmem:v19+s19+$0x0] =	vst.idx.msk $0xffff, v22  }
0x3a4: {  	v3 =	vld [tilespmem:s25+$0xFFFFFFF0];
	[tilespmem:v57+s19+$0x0] =	vst.idx.msk $0xffff, v5;
	v5 =	vor.u32 $0x6, v17  }
0x3a5: {  	v19 =	vor.u32 $0x6, v9;
	[tilespmem:v8+s19+$0x0] =	vst.idx.msk $0xffff, v25;
	v8 =	vld [tilespmem:s26+$0xFFFFFCD0]  }
0x3a6: {  	v23 =	vor.u32 $0x6, v18;
	v61 =	vld [tilespmem:s26+$0xFFFFFCE0];
	[tilespmem:v58+s19+$0x0] =	vst.idx.msk $0xffff, v21  }
0x3a7: {  	v15 =	vor.u32 $0x7, v15;
	v22 =	vld [tilespmem:s25+$0x0];
	[tilespmem:v4+s19+$0x0] =	vst.idx.msk $0xffff, v24  }
0x3a8: {  	v21 =	vor.u32 $0x3, v10;
	v4 =	vld [tilespmem:s25+$0xFFFFFD70];
	[tilespmem:v20+s19+$0x0] =	vst.idx.msk $0xffff, v59  }
0x3a9: {  	v62 =	vld [tilespmem:s25+$0xFFFFFD80];
	v24 =	vor.u32 $0x3, v11;
	[tilespmem:v5+s19+$0x0] =	vst.idx.msk $0xffff, v60  }
0x3aa: {  	[tilespmem:v19+s19+$0x0] =	vst.idx.msk $0xffff, v8;
	v5 =	vld [tilespmem:s26+$0xFFFFFEF0];
	v8 =	vor.u32 $0x7, v16  }
0x3ab: {  	v34 =	vld [tilespmem:s26+$0xFFFFFF00];
	v16 =	vor.u32 $0x7, v17;
	[tilespmem:v23+s19+$0x0] =	vst.idx.msk $0xffff, v61  }
0x3ac: {  	v9 =	vor.u32 $0x7, v9;
	[tilespmem:v15+s19+$0x0] =	vst.idx.msk $0xffff, v3;
	v17 =	vld [tilespmem:s26+$0xFFFFFCF0]  }
0x3ad: {  	[tilespmem:v21+s19+$0x0] =	vst.idx.msk $0xffff, v4;
	v4 =	vor.u32 $0x7, v18;
	v18 =	vld [tilespmem:s26+$0xFFFFFD00]  }
0x3ae: {  	v14 =	vor.u32 $0x7, v14;
	v63 =	vld [tilespmem:s28+$0xFFFFFDD0];
	[tilespmem:v24+s19+$0x0] =	vst.idx.msk $0xffff, v62  }
0x3af: {  	v35 =	vor.u32 $0x4, v10;
	v3 =	vld [tilespmem:s25+$0xFFFFFD90];
	[tilespmem:v8+s19+$0x0] =	vst.idx.msk $0xffff, v5  }
0x3b0: {  	v15 =	vor.u32 $0x4, v11;
	v5 =	vld [tilespmem:s25+$0xFFFFFDA0];
	[tilespmem:v16+s19+$0x0] =	vst.idx.msk $0xffff, v34  }
0x3b1: {  	v8 =	vor.u32 v13, v36;
	[tilespmem:v9+s19+$0x0] =	vst.idx.msk $0xffff, v17;
	v17 =	vld [tilespmem:s26+$0xFFFFFF10]  }
0x3b2: {  	s30 =	simm.s32 $0x70;
	s1 =	simm.s32 $0x300;
	v9 =	vor.u32 v12, v36;
	[tilespmem:v4+s19+$0x0] =	vst.idx.msk $0xffff, v18;
	v4 =	vld [tilespmem:s26+$0xFFFFFF20]  }
0x3b3: {  	v37 =	vor.u32 $0x6, v6;
	[tilespmem:v14+s19+$0x0] =	vst.idx.msk $0xffff, v22;
	v14 =	vld [tilespmem:s29+$0xFFFFFE20];
	v18 =	vor.u32 s0, v52;
	s0 =	sand.u32 $0xFFFFFC00, s1;
	s1 =	sand.u32 $0x70, s30  }
0x3b4: {  	s10 =	simm.s32 $0x60;
	v23 =	vld [tilespmem:s26+$0xFFFFFD10];
	v19 =	vor.u32 v18, v13;
	v34 =	vor.u32 s0, v49;
	[tilespmem:v35+s19+$0x0] =	vst.idx.msk $0xffff, v3;
	v3 =	vor.u32 s1, v48  }
0x3b5: {  	s31 =	sand.u32 $0x60, s10;
	v13 =	vld [tilespmem:s29+$0xFFFFFE10];
	[tilespmem:v15+s19+$0x0] =	vst.idx.msk $0xffff, v5;
	v5 =	vor.u32 s0, v51;
	v22 =	vor.u32 v34, v3  }
0x3b6: {  	v16 =	vld [tilespmem:s28+$0xFFFFFDE0];
	[tilespmem:v8+s19+$0x0] =	vst.idx.msk $0xffff, v17;
	v21 =	vor.u32 v5, v3;
	v3 =	vor.u32 s31, v48  }
0x3b7: {  	v38 =	vld [tilespmem:s26+$0xFFFFFD20];
	[tilespmem:v9+s19+$0x0] =	vst.idx.msk $0xffff, v4;
	v24 =	vor.u32 v3, v34  }
0x3b8: {  	[tilespmem:v37+s19+$0x0] =	vst.idx.msk $0xffff, v63;
	v40 =	vor.u32 $0x1, v8;
	v39 =	vld [tilespmem:s26+$0xFFFFFF30]  }
0x3b9: {  	v15 =	vor.u32 $0x1, v9;
	[tilespmem:v19+s19+$0x0] =	vst.idx.msk $0xffff, v23;
	v4 =	vld [tilespmem:s26+$0xFFFFFF40]  }
0x3ba: {  	v23 =	vor.u32 v3, v5;
	v3 =	vld [tilespmem:s29+$0xFFFFFC20];
	[tilespmem:v22+s19+$0x0] =	vst.idx.msk $0xffff, v13  }
0x3bb: {  	v13 =	vor.u32 $0x6, v7;
	[tilespmem:v21+s19+$0x0] =	vst.idx.msk $0xffff, v14  }
0x3bc: {  	v20 =	vor.u32 v18, v12;
	[tilespmem:v24+s19+$0x0] =	vst.idx.msk $0xffff, v41  }
0x3bd: {  	v18 =	vor.u32 $0x1, v22;
	v17 =	vld [tilespmem:s29+$0xFFFFFE30];
	[tilespmem:v40+s19+$0x0] =	vst.idx.msk $0xffff, v39  }
0x3be: {  	v43 =	vor.u32 $0x1, v21;
	v42 =	vld [tilespmem:s29+$0xFFFFFE40];
	[tilespmem:v15+s19+$0x0] =	vst.idx.msk $0xffff, v4  }
0x3bf: {  	[tilespmem:v23+s19+$0x0] =	vst.idx.msk $0xffff, v3;
	v4 =	vor.u32 $0x2, v8;
	v44 =	vld [tilespmem:s26+$0xFFFFFF50]  }
0x3c0: {  	v25 =	vor.u32 $0x1, v24;
	[tilespmem:v13+s19+$0x0] =	vst.idx.msk $0xffff, v16;
	v13 =	vld [tilespmem:s29+$0xFFFFFC30]  }
0x3c1: {  	[tilespmem:v20+s19+$0x0] =	vst.idx.msk $0xffff, v38;
	v15 =	vor.u32 $0x2, v9;
	v3 =	vld [tilespmem:s26+$0xFFFFFF60]  }
0x3c2: {  	v26 =	vld [tilespmem:s29+$0xFFFFFC40];
	v16 =	vor.u32 $0x1, v23;
	[tilespmem:v18+s19+$0x0] =	vst.idx.msk $0xffff, v17  }
0x3c3: {  	v45 =	vld [tilespmem:s26+$0xFFFFFD40];
	[tilespmem:v43+s19+$0x0] =	vst.idx.msk $0xffff, v42  }
0x3c4: {  	v14 =	vld [tilespmem:s26+$0xFFFFFD30];
	v17 =	vor.u32 $0x1, v19;
	[tilespmem:v4+s19+$0x0] =	vst.idx.msk $0xffff, v44  }
0x3c5: {  	v18 =	vor.u32 $0x2, v22;
	v2 =	vld [tilespmem:s29+$0xFFFFFE50];
	[tilespmem:v25+s19+$0x0] =	vst.idx.msk $0xffff, v13  }
0x3c6: {  	v46 =	vld [tilespmem:s29+$0xFFFFFE60];
	v4 =	vor.u32 $0x2, v21;
	[tilespmem:v15+s19+$0x0] =	vst.idx.msk $0xffff, v3  }
0x3c7: {  	v13 =	vor.u32 $0x3, v8;
	[tilespmem:v16+s19+$0x0] =	vst.idx.msk $0xffff, v26;
	v3 =	vld [tilespmem:s26+$0xFFFFFF70]  }
0x3c8: {  	v25 =	vor.u32 $0x2, v24;
	v26 =	vld [tilespmem:s29+$0xFFFFFC50]  }
0x3c9: {  	v16 =	vor.u32 $0x3, v9;
	v15 =	vld [tilespmem:s26+$0xFFFFFF80];
	[tilespmem:v17+s19+$0x0] =	vst.idx.msk $0xffff, v14  }
0x3ca: {  	v14 =	vor.u32 $0x2, v23;
	v17 =	vld [tilespmem:s29+$0xFFFFFC60];
	[tilespmem:v18+s19+$0x0] =	vst.idx.msk $0xffff, v2  }
0x3cb: {  	[tilespmem:v4+s19+$0x0] =	vst.idx.msk $0xffff, v46  }
0x3cc: {  	[tilespmem:v13+s19+$0x0] =	vst.idx.msk $0xffff, v3  }
0x3cd: {  	v18 =	vor.u32 $0x3, v22;
	v4 =	vld [tilespmem:s29+$0xFFFFFE70];
	[tilespmem:v25+s19+$0x0] =	vst.idx.msk $0xffff, v26  }
0x3ce: {  	v3 =	vld [tilespmem:s29+$0xFFFFFE80];
	v13 =	vor.u32 $0x3, v21;
	[tilespmem:v16+s19+$0x0] =	vst.idx.msk $0xffff, v15  }
0x3cf: {  	v16 =	vor.u32 $0x4, v8;
	[tilespmem:v14+s19+$0x0] =	vst.idx.msk $0xffff, v17;
	v15 =	vld [tilespmem:s26+$0xFFFFFF90]  }
0x3d0: {  	v25 =	vor.u32 $0x3, v24;
	v26 =	vld [tilespmem:s29+$0xFFFFFC70]  }
0x3d1: {  	v17 =	vor.u32 $0x4, v9;
	v14 =	vld [tilespmem:s26+$0xFFFFFFA0]  }
0x3d2: {  	v53 =	vor.u32 $0x3, v23;
	v54 =	vld [tilespmem:s29+$0xFFFFFC80];
	[tilespmem:v18+s19+$0x0] =	vst.idx.msk $0xffff, v4  }
0x3d3: {  	v47 =	vor.u32 $0x1, v20;
	v12 =	vld [tilespmem:s25+$0xFFFFFDB0];
	[tilespmem:v13+s19+$0x0] =	vst.idx.msk $0xffff, v3  }
0x3d4: {  	v50 =	vld [tilespmem:s25+$0xFFFFFDC0];
	v4 =	vor.u32 $0x5, v10;
	[tilespmem:v16+s19+$0x0] =	vst.idx.msk $0xffff, v15  }
0x3d5: {  	v18 =	vor.u32 $0x4, v22;
	v13 =	vld [tilespmem:s29+$0xFFFFFE90];
	[tilespmem:v25+s19+$0x0] =	vst.idx.msk $0xffff, v26  }
0x3d6: {  	v15 =	vld [tilespmem:s29+$0xFFFFFEA0];
	v16 =	vor.u32 $0x4, v21;
	[tilespmem:v17+s19+$0x0] =	vst.idx.msk $0xffff, v14  }
0x3d7: {  	v17 =	vor.u32 $0x5, v8;
	[tilespmem:v53+s19+$0x0] =	vst.idx.msk $0xffff, v54;
	v14 =	vld [tilespmem:s26+$0xFFFFFFB0]  }
0x3d8: {  	[tilespmem:v47+s19+$0x0] =	vst.idx.msk $0xffff, v45;
	v25 =	vor.u32 $0x4, v24;
	v26 =	vld [tilespmem:s29+$0xFFFFFC90]  }
0x3d9: {  	v56 =	vor.u32 $0x5, v9;
	v55 =	vld [tilespmem:s26+$0xFFFFFFC0];
	[tilespmem:v4+s19+$0x0] =	vst.idx.msk $0xffff, v12  }
0x3da: {  	v4 =	vor.u32 $0x4, v23;
	v12 =	vld [tilespmem:s29+$0xFFFFFCA0];
	[tilespmem:v18+s19+$0x0] =	vst.idx.msk $0xffff, v13  }
0x3db: {  	v3 =	vld [tilespmem:s26+$0xFFFFFD50];
	[tilespmem:v16+s19+$0x0] =	vst.idx.msk $0xffff, v15  }
0x3dc: {  	v13 =	vor.u32 $0x2, v19;
	v15 =	vld [tilespmem:s26+$0xFFFFFD60];
	[tilespmem:v17+s19+$0x0] =	vst.idx.msk $0xffff, v14  }
0x3dd: {  	v18 =	vor.u32 $0x5, v22;
	v16 =	vld [tilespmem:s29+$0xFFFFFEB0];
	[tilespmem:v25+s19+$0x0] =	vst.idx.msk $0xffff, v26  }
0x3de: {  	v14 =	vld [tilespmem:s29+$0xFFFFFEC0];
	v17 =	vor.u32 $0x5, v21;
	[tilespmem:v56+s19+$0x0] =	vst.idx.msk $0xffff, v55  }
0x3df: {  	v57 =	vor.u32 $0x6, v8;
	[tilespmem:v4+s19+$0x0] =	vst.idx.msk $0xffff, v12;
	v0 =	vld [tilespmem:s26+$0xFFFFFFD0]  }
0x3e0: {  	v25 =	vor.u32 $0x5, v24;
	v26 =	vld [tilespmem:s29+$0xFFFFFCB0]  }
0x3e1: {  	v12 =	vor.u32 $0x6, v9;
	v4 =	vld [tilespmem:s26+$0xFFFFFFE0];
	[tilespmem:v13+s19+$0x0] =	vst.idx.msk $0xffff, v3  }
0x3e2: {  	v3 =	vor.u32 $0x5, v23;
	v13 =	vld [tilespmem:s29+$0xFFFFFCC0];
	[tilespmem:v18+s19+$0x0] =	vst.idx.msk $0xffff, v16  }
0x3e3: {  	v29 =	vld [tilespmem:s28+$0xFFFFFDF0];
	v16 =	vor.u32 $0x2, v20;
	[tilespmem:v17+s19+$0x0] =	vst.idx.msk $0xffff, v14  }
0x3e4: {  	v30 =	vld [tilespmem:s28+$0xFFFFFE00];
	v17 =	vor.u32 $0x5, v11;
	[tilespmem:v57+s19+$0x0] =	vst.idx.msk $0xffff, v0  }
0x3e5: {  	v59 =	vor.u32 $0x6, v22;
	v58 =	vld [tilespmem:s29+$0xFFFFFED0];
	[tilespmem:v25+s19+$0x0] =	vst.idx.msk $0xffff, v26  }
0x3e6: {  	v25 =	vld [tilespmem:s29+$0xFFFFFEE0];
	v26 =	vor.u32 $0x6, v21;
	[tilespmem:v12+s19+$0x0] =	vst.idx.msk $0xffff, v4  }
0x3e7: {  	v12 =	vor.u32 $0x7, v8;
	[tilespmem:v3+s19+$0x0] =	vst.idx.msk $0xffff, v13;
	v4 =	vld [tilespmem:s26+$0xFFFFFFF0]  }
0x3e8: {  	v33 =	vor.u32 $0x7, v6;
	v61 =	vor.u32 $0x3, v19;
	v27 =	vor.u32 $0x6, v24;
	[tilespmem:v16+s19+$0x0] =	vst.idx.msk $0xffff, v15;
	v28 =	vld [tilespmem:s29+$0xFFFFFCD0]  }
0x3e9: {  	v62 =	vor.u32 $0x3, v20;
	v37 =	vor.u32 $0x7, v24;
	v13 =	vor.u32 $0x7, v9;
	v3 =	vld [tilespmem:s26+$0x0];
	[tilespmem:v17+s19+$0x0] =	vst.idx.msk $0xffff, v50  }
0x3ea: {  	v60 =	vor.u32 $0x6, v23;
	v38 =	vor.u32 $0x7, v23;
	v42 =	vor.u32 $0x7, v21;
	v31 =	vld [tilespmem:s29+$0xFFFFFCE0];
	[tilespmem:v59+s19+$0x0] =	vst.idx.msk $0xffff, v58  }
0x3eb: {  	v54 =	vor.u32 $0x7, v7;
	v7 =	vor.u32 $0x4, v19;
	v18 =	vor.u32 $0x4, v20;
	v35 =	vld [tilespmem:s26+$0xFFFFFD70];
	[tilespmem:v26+s19+$0x0] =	vst.idx.msk $0xffff, v25  }
0x3ec: {  	v14 =	vor.u32 $0x6, v19;
	v57 =	vor.u32 $0x5, v19;
	v8 =	vor.u32 $0x6, v11;
	v47 =	vld [tilespmem:s25+$0xFFFFFDD0];
	[tilespmem:v12+s19+$0x0] =	vst.idx.msk $0xffff, v4  }
0x3ed: {  	v9 =	vor.u32 $0x7, v11;
	v11 =	vor.u32 $0x7, v19;
	v16 =	vor.u32 $0x6, v20;
	v4 =	vld [tilespmem:s26+$0xFFFFFD80];
	[tilespmem:v27+s19+$0x0] =	vst.idx.msk $0xffff, v28  }
0x3ee: {  	v17 =	vor.u32 $0x5, v20;
	v19 =	vld [tilespmem:s29+$0xFFFFFEF0];
	v12 =	vor.u32 $0x7, v20;
	v20 =	vor.u32 $0x7, v22;
	[tilespmem:v13+s19+$0x0] =	vst.idx.msk $0xffff, v3  }
0x3ef: {  	v44 =	vor.u32 s1, v52;
	v15 =	vor.u32 $0x6, v10;
	v63 =	vld [tilespmem:s29+$0xFFFFFF00];
	v3 =	vor.u32 s31, v52;
	[tilespmem:v60+s19+$0x0] =	vst.idx.msk $0xffff, v31  }
0x3f0: {  	[tilespmem:v33+s19+$0x0] =	vst.idx.msk $0xffff, v29;
	v10 =	vor.u32 $0x7, v10;
	v32 =	vor.u32 v3, v34;
	v31 =	vor.u32 v3, v5;
	v3 =	vld [tilespmem:s29+$0xFFFFFCF0]  }
0x3f1: {  	v43 =	vld [tilespmem:s25+$0xFFFFFDE0];
	[tilespmem:v61+s19+$0x0] =	vst.idx.msk $0xffff, v35;
	v34 =	vor.u32 v34, v44;
	v27 =	vor.u32 $0x1, v32;
	v28 =	vor.u32 $0x1, v31  }
0x3f2: {  	v39 =	vld [tilespmem:s29+$0xFFFFFD00];
	v25 =	vor.u32 $0x2, v32;
	v26 =	vor.u32 $0x2, v31;
	v23 =	vor.u32 $0x3, v32;
	[tilespmem:v62+s19+$0x0] =	vst.idx.msk $0xffff, v4  }
0x3f3: {  	v24 =	vor.u32 $0x3, v31;
	v35 =	vor.u32 $0x4, v32;
	v36 =	vor.u32 $0x4, v31;
	[tilespmem:v20+s19+$0x0] =	vst.idx.msk $0xffff, v19;
	v40 =	vld [tilespmem:s26+$0xFFFFFD90]  }
0x3f4: {  	v22 =	vor.u32 $0x5, v32;
	v21 =	vor.u32 $0x5, v31;
	v33 =	vor.u32 $0x6, v32;
	v41 =	vld [tilespmem:s26+$0xFFFFFDA0];
	[tilespmem:v42+s19+$0x0] =	vst.idx.msk $0xffff, v63  }
0x3f5: {  	s28 =	simm.s32 $0xB7F0;
	s31 =	simm.s32 $0x6;
	v29 =	vor.u32 $0x6, v31;
	v19 =	vor.u32 $0x7, v32;
	v20 =	vor.u32 $0x7, v31;
	[tilespmem:v37+s19+$0x0] =	vst.idx.msk $0xffff, v3;
	v42 =	vld [tilespmem:s29+$0xFFFFFF10]  }
.LBB2_11:
0x3f6: {  	[tilespmem:$0x1FF10] =	vst v17;
	v2 =	vmov v35  }
0x3f7: {  	v4 =	vmov v33;
	[tilespmem:$0x1FF40] =	vst v2  }
0x3f8: {  	v6 =	vmov v16;
	[tilespmem:$0x1FF30] =	vst v4  }
0x3f9: {  	[tilespmem:$0x1FF50] =	vst v6  }
0x3fa: {  	v0 =	vld [tilespmem:s29+$0xFFFFFF20];
	[tilespmem:v38+s19+$0x0] =	vst.idx.msk $0xffff, v39  }
0x3fb: {  	s31 =	sadd.s32 $0x2, s31;
	v39 =	vor.u32 v5, v44;
	v1 =	vld [tilespmem:s29+$0xFFFFFD10];
	[tilespmem:v7+s19+$0x0] =	vst.idx.msk $0xffff, v40  }
0x3fc: {  	s30 =	sadd.s32 $0x20, s30;
	s0 =	sshll.u32 s31, $0x7;
	v5 =	vmov v14;
	v61 =	vld [tilespmem:s29+$0xFFFFFD20];
	[tilespmem:v18+s19+$0x0] =	vst.idx.msk $0xffff, v41  }
0x3fd: {  	s1 =	sand.u32 $0x70, s30;
	s0 =	sand.u32 $0xFFFFFC00, s0;
	[tilespmem:$0x1FF20] =	vst v5  }
0x3fe: {  	s10 =	sadd.s32 $0xFFFFFFF0, s30;
	v37 =	vor.u32 s0, v49;
	v3 =	vor.u32 s1, v48;
	s29 =	sadd.s32 $0x400, s29;
	v50 =	vld [tilespmem:s26+$0xFFFFFDB0];
	[tilespmem:v15+s19+$0x0] =	vst.idx.msk $0xffff, v47  }
0x3ff: {  	s10 =	sand.u32 $0x60, s10;
	v5 =	vor.u32 s0, v51;
	v40 =	vor.u32 v37, v3;
	v62 =	vld [tilespmem:s29+$0xFFFFFE10];
	[tilespmem:v34+s19+$0x0] =	vst.idx.msk $0xffff, v42  }
0x400: {  	v4 =	vor.u32 s10, v48;
	v41 =	vor.u32 v5, v3;
	v63 =	vld [tilespmem:s29+$0xFFFFFE20];
	[tilespmem:v39+s19+$0x0] =	vst.idx.msk $0xffff, v0  }
0x401: {  	v35 =	vor.u32 v4, v37;
	v0 =	vor.u32 v4, v5;
	v4 =	vor.u32 $0x1, v34;
	[tilespmem:v32+s19+$0x0] =	vst.idx.msk $0xffff, v1;
	v1 =	vld [tilespmem:s28+$0xFFFFFF30]  }
0x402: {  	v45 =	vor.u32 $0x1, v39;
	v2 =	vld [tilespmem:s28+$0xFFFFFF40];
	[tilespmem:v31+s19+$0x0] =	vst.idx.msk $0xffff, v61  }
0x403: {  	v46 =	vld [tilespmem:s29+$0xFFFFFC10];
	[tilespmem:v8+s19+$0x0] =	vst.idx.msk $0xffff, v43  }
0x404: {  	v16 =	vmov v29;
	[tilespmem:v40+s19+$0x0] =	vst.idx.msk $0xffff, v62;
	v29 =	vld [tilespmem:s29+$0xFFFFFC20]  }
0x405: {  	[tilespmem:v41+s19+$0x0] =	vst.idx.msk $0xffff, v63;
	v60 =	vld [tilespmem:s28+$0xFFFFFD30]  }
0x406: {  	v49 =	vor.u32 $0x1, v40;
	v33 =	vld [tilespmem:s29+$0xFFFFFE30];
	[tilespmem:v4+s19+$0x0] =	vst.idx.msk $0xffff, v1  }
0x407: {  	v4 =	vor.u32 $0x1, v41;
	v1 =	vld [tilespmem:s29+$0xFFFFFE40];
	[tilespmem:v45+s19+$0x0] =	vst.idx.msk $0xffff, v2  }
0x408: {  	v63 =	vor.u32 $0x2, v34;
	v62 =	vld [tilespmem:s28+$0xFFFFFF50];
	[tilespmem:v35+s19+$0x0] =	vst.idx.msk $0xffff, v46  }
0x409: {  	v7 =	vor.u32 $0x2, v39;
	v6 =	vld [tilespmem:s28+$0xFFFFFF60];
	[tilespmem:v0+s19+$0x0] =	vst.idx.msk $0xffff, v29  }
0x40a: {  	v3 =	vor.u32 $0x1, v35;
	v8 =	vld [tilespmem:s29+$0xFFFFFC30];
	[tilespmem:v54+s19+$0x0] =	vst.idx.msk $0xffff, v30  }
0x40b: {  	v55 =	vor.u32 $0x1, v0;
	[tilespmem:v49+s19+$0x0] =	vst.idx.msk $0xffff, v33;
	v30 =	vld [tilespmem:s29+$0xFFFFFC40]  }
0x40c: {  	[tilespmem:v4+s19+$0x0] =	vst.idx.msk $0xffff, v1;
	v1 =	vld [tilespmem:s28+$0xFFFFFD40]  }
0x40d: {  	v14 =	vmovc v11;
	v11 =	vmov v12;
	v12 =	vmov v10;
	v10 =	vor.u32 $0x2, v40;
	v4 =	vld [tilespmem:s29+$0xFFFFFE50];
	[tilespmem:v63+s19+$0x0] =	vst.idx.msk $0xffff, v62  }
0x40e: {  	v63 =	vor.u32 $0x2, v41;
	v62 =	vld [tilespmem:s29+$0xFFFFFE60];
	[tilespmem:v7+s19+$0x0] =	vst.idx.msk $0xffff, v6  }
0x40f: {  	v6 =	vor.u32 $0x3, v34;
	[tilespmem:v3+s19+$0x0] =	vst.idx.msk $0xffff, v8;
	v3 =	vld [tilespmem:s28+$0xFFFFFF70]  }
0x410: {  	v7 =	vld [tilespmem:s28+$0xFFFFFF80];
	v8 =	vor.u32 $0x3, v39;
	[tilespmem:v55+s19+$0x0] =	vst.idx.msk $0xffff, v30  }
0x411: {  	v56 =	vor.u32 $0x2, v35;
	v30 =	vld [tilespmem:s29+$0xFFFFFC50];
	[tilespmem:v27+s19+$0x0] =	vst.idx.msk $0xffff, v60  }
0x412: {  	v17 =	vmov v57;
	v57 =	vor.u32 $0x2, v0;
	[tilespmem:v10+s19+$0x0] =	vst.idx.msk $0xffff, v4;
	v60 =	vld [tilespmem:s29+$0xFFFFFC60]  }
0x413: {  	[tilespmem:v63+s19+$0x0] =	vst.idx.msk $0xffff, v62;
	v4 =	vld [tilespmem:s26+$0xFFFFFDC0]  }
0x414: {  	v63 =	vor.u32 $0x3, v40;
	v10 =	vld [tilespmem:s29+$0xFFFFFE70];
	[tilespmem:v6+s19+$0x0] =	vst.idx.msk $0xffff, v3  }
0x415: {  	v6 =	vor.u32 $0x3, v41;
	v3 =	vld [tilespmem:s29+$0xFFFFFE80];
	[tilespmem:v8+s19+$0x0] =	vst.idx.msk $0xffff, v7  }
0x416: {  	v8 =	vor.u32 $0x4, v34;
	[tilespmem:v56+s19+$0x0] =	vst.idx.msk $0xffff, v30;
	v7 =	vld [tilespmem:s28+$0xFFFFFF90]  }
0x417: {  	v30 =	vor.u32 $0x4, v39;
	[tilespmem:v57+s19+$0x0] =	vst.idx.msk $0xffff, v60;
	v60 =	vld [tilespmem:s28+$0xFFFFFFA0]  }
0x418: {  	v58 =	vor.u32 $0x3, v35;
	v56 =	vld [tilespmem:s29+$0xFFFFFC70];
	[tilespmem:v28+s19+$0x0] =	vst.idx.msk $0xffff, v1  }
0x419: {  	v59 =	vor.u32 $0x3, v0;
	[tilespmem:v63+s19+$0x0] =	vst.idx.msk $0xffff, v10;
	v1 =	vld [tilespmem:s29+$0xFFFFFC80]  }
0x41a: {  	v18 =	vmov v36;
	v36 =	vor.u32 s10, v52;
	[tilespmem:v6+s19+$0x0] =	vst.idx.msk $0xffff, v3;
	v3 =	vld [tilespmem:s28+$0xFFFFFD50]  }
0x41b: {  	v32 =	vor.u32 v36, v37;
	v6 =	vld [tilespmem:s29+$0xFFFFFE90];
	[tilespmem:v8+s19+$0x0] =	vst.idx.msk $0xffff, v7  }
0x41c: {  	v2 =	vor.u32 $0x1, v32;
	v10 =	vor.u32 $0x4, v40;
	v7 =	vld [tilespmem:s29+$0xFFFFFEA0];
	[tilespmem:v30+s19+$0x0] =	vst.idx.msk $0xffff, v60  }
0x41d: {  	v27 =	vmov v2;
	v8 =	vor.u32 $0x4, v41;
	[tilespmem:v58+s19+$0x0] =	vst.idx.msk $0xffff, v56;
	v2 =	vld [tilespmem:s28+$0xFFFFFFB0]  }
0x41e: {  	v30 =	vor.u32 $0x5, v34;
	v62 =	vld [tilespmem:s28+$0xFFFFFFC0];
	[tilespmem:v59+s19+$0x0] =	vst.idx.msk $0xffff, v1  }
0x41f: {  	v63 =	vor.u32 $0x5, v39;
	v56 =	vld [tilespmem:s29+$0xFFFFFC90]  }
0x420: {  	v13 =	vmov v9;
	v53 =	vor.u32 $0x4, v35;
	v9 =	vor.u32 $0x5, v32;
	[tilespmem:v17+s19+$0x0] =	vst.idx.msk $0xffff, v50;
	v17 =	vld [tilespmem:$0x1FF10]  }
0x421: {  	v52 =	vor.u32 $0x4, v0;
	v57 =	vmov v22;
	v22 =	vmov v9;
	v9 =	vld [tilespmem:s29+$0xFFFFFCA0];
	[tilespmem:v10+s19+$0x0] =	vst.idx.msk $0xffff, v6  }
0x422: {  	v6 =	vld [tilespmem:s28+$0xFFFFFD60];
	[tilespmem:v8+s19+$0x0] =	vst.idx.msk $0xffff, v7  }
0x423: {  	v8 =	vor.u32 $0x5, v40;
	v7 =	vld [tilespmem:s29+$0xFFFFFEB0];
	[tilespmem:v30+s19+$0x0] =	vst.idx.msk $0xffff, v2  }
0x424: {  	v10 =	vor.u32 $0x5, v41;
	v2 =	vld [tilespmem:s29+$0xFFFFFEC0];
	[tilespmem:v63+s19+$0x0] =	vst.idx.msk $0xffff, v62  }
0x425: {  	v30 =	vor.u32 $0x6, v34;
	[tilespmem:v53+s19+$0x0] =	vst.idx.msk $0xffff, v56;
	v1 =	vld [tilespmem:s28+$0xFFFFFFD0]  }
0x426: {  	[tilespmem:v52+s19+$0x0] =	vst.idx.msk $0xffff, v9;
	v9 =	vld [tilespmem:s28+$0xFFFFFFE0]  }
0x427: {  	v48 =	vor.u32 $0x5, v35;
	v52 =	vld [tilespmem:s29+$0xFFFFFCB0];
	[tilespmem:v25+s19+$0x0] =	vst.idx.msk $0xffff, v3  }
0x428: {  	v58 =	vor.u32 $0x6, v39;
	v59 =	vld [tilespmem:s29+$0xFFFFFCC0];
	[tilespmem:v8+s19+$0x0] =	vst.idx.msk $0xffff, v7  }
0x429: {  	v60 =	vld [tilespmem:s25+$0xFFFFFDF0];
	[tilespmem:v10+s19+$0x0] =	vst.idx.msk $0xffff, v2  }
0x42a: {  	[tilespmem:v30+s19+$0x0] =	vst.idx.msk $0xffff, v1;
	v30 =	vld [tilespmem:s25+$0xFFFFFE00]  }
0x42b: {  	v47 =	vor.u32 $0x5, v0;
	v1 =	vld [tilespmem:s29+$0xFFFFFED0]  }
0x42c: {  	[tilespmem:v48+s19+$0x0] =	vst.idx.msk $0xffff, v52;
	v52 =	vld [tilespmem:$0x1FFF0]  }
0x42d: {  	v31 =	vor.u32 v36, v5;
	s25 =	smov.u32 s26;
	s26 =	smov.u32 s28;
	[tilespmem:v58+s19+$0x0] =	vst.idx.msk $0xffff, v9;
	v48 =	vld [tilespmem:$0x1FFB0]  }
0x42e: {  	v61 =	vor.u32 $0x1, v31;
	v7 =	vld [tilespmem:s26+$0xFFFFFFF0]  }
0x42f: {  	v28 =	vmov v61;
	v61 =	vld [tilespmem:s26+$0x0]  }
0x430: {  	v51 =	vor.u32 $0x2, v31;
	v3 =	vor.u32 $0x6, v40;
	v10 =	vld [tilespmem:s29+$0xFFFFFEE0];
	[tilespmem:v47+s19+$0x0] =	vst.idx.msk $0xffff, v59  }
0x431: {  	v8 =	vor.u32 $0x7, v34;
	[tilespmem:v26+s19+$0x0] =	vst.idx.msk $0xffff, v6;
	v26 =	vmov v51;
	v51 =	vld [tilespmem:$0x1FFE0]  }
0x432: {  	v9 =	vor.u32 $0x7, v39;
	v6 =	vld [tilespmem:s29+$0xFFFFFCD0];
	[tilespmem:v17+s19+$0x0] =	vst.idx.msk $0xffff, v4  }
0x433: {  	v62 =	vor.u32 $0x6, v41;
	v4 =	vld [tilespmem:s29+$0xFFFFFCE0]  }
0x434: {  	v44 =	vor.u32 $0x6, v35;
	v63 =	vld [tilespmem:s26+$0xFFFFFD70]  }
0x435: {  	v43 =	vor.u32 $0x6, v0;
	[tilespmem:v3+s19+$0x0] =	vst.idx.msk $0xffff, v1;
	v3 =	vld [tilespmem:s26+$0xFFFFFD80]  }
0x436: {  	v49 =	vor.u32 $0x7, v32;
	v47 =	vld [tilespmem:s25+$0xFFFFFDD0];
	[tilespmem:v8+s19+$0x0] =	vst.idx.msk $0xffff, v7  }
0x437: {  	[tilespmem:v9+s19+$0x0] =	vst.idx.msk $0xffff, v61;
	v9 =	vmov v11;
	v11 =	vmov v19;
	v19 =	vmov v49;
	v49 =	vld [tilespmem:$0x1FFC0]  }
0x438: {  	v38 =	vor.u32 $0x7, v0;
	v0 =	vor.u32 $0x2, v32;
	[tilespmem:v62+s19+$0x0] =	vst.idx.msk $0xffff, v10;
	v10 =	vmov v14;
	v14 =	vld [tilespmem:$0x1FF30]  }
0x439: {  	v25 =	vmov v0;
	[tilespmem:v44+s19+$0x0] =	vst.idx.msk $0xffff, v6;
	v0 =	vld [tilespmem:s29+$0xFFFFFEF0]  }
0x43a: {  	[tilespmem:v43+s19+$0x0] =	vst.idx.msk $0xffff, v4;
	v4 =	vld [tilespmem:s29+$0xFFFFFF00]  }
0x43b: {  	v6 =	vor.u32 $0x7, v40;
	v8 =	vld [tilespmem:s29+$0xFFFFFCF0];
	[tilespmem:v23+s19+$0x0] =	vst.idx.msk $0xffff, v63  }
0x43c: {  	v7 =	vor.u32 $0x7, v41;
	v39 =	vld [tilespmem:s29+$0xFFFFFD00];
	[tilespmem:v24+s19+$0x0] =	vst.idx.msk $0xffff, v3  }
0x43d: {  	v42 =	vor.u32 $0x7, v35;
	v15 =	vmov v20;
	v40 =	vld [tilespmem:s26+$0xFFFFFD90]  }
0x43e: {  	p0 =	slt.u32 s31, $0x1E;
	[tilespmem:v12+s19+$0x0] =	vst.idx.msk $0xffff, v60;
	v12 =	vmov v15;
	v15 =	vld [tilespmem:$0x1FF20]  }
.Ltmp5:
0x43f: {  	v41 =	vld [tilespmem:s26+$0xFFFFFDA0];
	(pc) =	sbr.rel @p0 .LBB2_11-.Ltmp5, $4  }
0x440: {  	v36 =	vor.u32 $0x4, v31;
	v20 =	vor.u32 $0x7, v31;
	v54 =	vor.u32 $0x5, v31;
	[tilespmem:v6+s19+$0x0] =	vst.idx.msk $0xffff, v0;
	v43 =	vld [tilespmem:s25+$0xFFFFFDE0]  }
0x441: {  	v45 =	vor.u32 $0x3, v31;
	v46 =	vor.u32 $0x3, v32;
	v35 =	vor.u32 $0x4, v32;
	[tilespmem:v7+s19+$0x0] =	vst.idx.msk $0xffff, v4;
	v7 =	vld [tilespmem:$0x1FF40]  }
0x442: {  	v29 =	vor.u32 $0x6, v31;
	v33 =	vor.u32 $0x6, v32;
	v17 =	vmovc v21;
	v44 =	vor.u32 s1, v52;
	[tilespmem:v42+s19+$0x0] =	vst.idx.msk $0xffff, v8;
	v8 =	vld [tilespmem:$0x1FF50]  }
0x443: {  	s28 =	smov.u32 s29;
	v21 =	vmovc v54;
	v54 =	vmovc v13;
	v34 =	vor.u32 v37, v44;
	v23 =	vmov v46;
	v24 =	vmov v45;
	v42 =	vld [tilespmem:s29+$0xFFFFFF10]  }
0x444: {  	_ = 	snop  }
0x445: {  	v0 =	vld [tilespmem:s29+$0xFFFFFF20];
	v1 =	vor.u32 v5, v44;
	_ =	sdelay $0x2  }
0x446: {  	[tilespmem:v38+s19+$0x0] =	vst.idx.msk $0xffff, v39  }
0x447: {  	v61 =	vld [tilespmem:s29+$0xFFFFFD10];
	[tilespmem:v34+s19+$0x0] =	vst.idx.msk $0xffff, v42  }
0x448: {  	v6 =	vld [tilespmem:s29+$0xFFFFFD20];
	[tilespmem:v1+s19+$0x0] =	vst.idx.msk $0xffff, v0  }
0x449: {  	v2 =	vor.u32 $0x1, v34;
	v0 =	vld [tilespmem:s28+$0xFFFFFF30]  }
0x44a: {  	v4 =	vor.u32 $0x1, v1;
	v3 =	vld [tilespmem:s28+$0xFFFFFF40];
	_ =	sdelay $0x1  }
0x44b: {  	[tilespmem:v32+s19+$0x0] =	vst.idx.msk $0xffff, v61  }
0x44c: {  	[tilespmem:v31+s19+$0x0] =	vst.idx.msk $0xffff, v6  }
0x44d: {  	v5 =	vld [tilespmem:s28+$0xFFFFFD30];
	[tilespmem:v2+s19+$0x0] =	vst.idx.msk $0xffff, v0  }
0x44e: {  	v6 =	vld [tilespmem:s28+$0xFFFFFD40];
	[tilespmem:v4+s19+$0x0] =	vst.idx.msk $0xffff, v3  }
0x44f: {  	v62 =	vor.u32 $0x2, v34;
	v0 =	vld [tilespmem:s28+$0xFFFFFF50]  }
0x450: {  	v63 =	vor.u32 $0x2, v1;
	v3 =	vld [tilespmem:s28+$0xFFFFFF60];
	_ =	sdelay $0x1  }
0x451: {  	[tilespmem:v27+s19+$0x0] =	vst.idx.msk $0xffff, v5  }
0x452: {  	[tilespmem:v28+s19+$0x0] =	vst.idx.msk $0xffff, v6  }
0x453: {  	v5 =	vld [tilespmem:s28+$0xFFFFFD50];
	[tilespmem:v62+s19+$0x0] =	vst.idx.msk $0xffff, v0  }
0x454: {  	v32 =	vld [tilespmem:s28+$0xFFFFFD60];
	[tilespmem:v63+s19+$0x0] =	vst.idx.msk $0xffff, v3  }
0x455: {  	v13 =	vor.u32 $0x3, v34;
	v0 =	vld [tilespmem:s28+$0xFFFFFF70]  }
0x456: {  	v31 =	vor.u32 $0x3, v1;
	v3 =	vld [tilespmem:s28+$0xFFFFFF80];
	_ =	sdelay $0x1  }
0x457: {  	[tilespmem:v25+s19+$0x0] =	vst.idx.msk $0xffff, v5  }
0x458: {  	[tilespmem:v26+s19+$0x0] =	vst.idx.msk $0xffff, v32  }
0x459: {  	[tilespmem:v13+s19+$0x0] =	vst.idx.msk $0xffff, v0;
	v0 =	vld [tilespmem:s28+$0xFFFFFD70]  }
0x45a: {  	v39 =	vld [tilespmem:s28+$0xFFFFFD80];
	[tilespmem:v31+s19+$0x0] =	vst.idx.msk $0xffff, v3  }
0x45b: {  	v37 =	vor.u32 $0x4, v34;
	v2 =	vld [tilespmem:s28+$0xFFFFFF90]  }
0x45c: {  	v38 =	vor.u32 $0x4, v1;
	[tilespmem:v7+s19+$0x0] =	vst.idx.msk $0xffff, v40;
	v4 =	vld [tilespmem:s28+$0xFFFFFFA0]  }
0x45d: {  	[tilespmem:v18+s19+$0x0] =	vst.idx.msk $0xffff, v41  }
0x45e: {  	[tilespmem:v23+s19+$0x0] =	vst.idx.msk $0xffff, v0  }
0x45f: {  	v7 =	vld [tilespmem:s26+$0xFFFFFDB0];
	[tilespmem:v24+s19+$0x0] =	vst.idx.msk $0xffff, v39  }
0x460: {  	[tilespmem:v37+s19+$0x0] =	vst.idx.msk $0xffff, v2;
	v0 =	vld [tilespmem:s28+$0xFFFFFD90]  }
0x461: {  	v2 =	vld [tilespmem:s28+$0xFFFFFDA0];
	[tilespmem:v38+s19+$0x0] =	vst.idx.msk $0xffff, v4  }
0x462: {  	v42 =	vor.u32 $0x5, v34;
	v3 =	vld [tilespmem:s28+$0xFFFFFFB0]  }
0x463: {  	[tilespmem:v15+s19+$0x0] =	vst.idx.msk $0xffff, v47;
	v45 =	vor.u32 $0x5, v1;
	v44 =	vld [tilespmem:s28+$0xFFFFFFC0]  }
0x464: {  	v53 =	vld [tilespmem:s26+$0xFFFFFDC0];
	[tilespmem:v57+s19+$0x0] =	vst.idx.msk $0xffff, v7  }
0x465: {  	[tilespmem:v35+s19+$0x0] =	vst.idx.msk $0xffff, v0  }
0x466: {  	[tilespmem:v36+s19+$0x0] =	vst.idx.msk $0xffff, v2  }
0x467: {  	[tilespmem:v42+s19+$0x0] =	vst.idx.msk $0xffff, v3;
	v2 =	vld [tilespmem:s28+$0xFFFFFDB0]  }
0x468: {  	v55 =	vld [tilespmem:s28+$0xFFFFFDC0];
	[tilespmem:v45+s19+$0x0] =	vst.idx.msk $0xffff, v44  }
0x469: {  	v46 =	vor.u32 $0x6, v34;
	[tilespmem:v17+s19+$0x0] =	vst.idx.msk $0xffff, v53;
	v3 =	vld [tilespmem:s28+$0xFFFFFFD0]  }
0x46a: {  	[tilespmem:v54+s19+$0x0] =	vst.idx.msk $0xffff, v30;
	v0 =	vld [tilespmem:s26+$0xFFFFFDD0]  }
0x46b: {  	[tilespmem:v8+s19+$0x0] =	vst.idx.msk $0xffff, v43;
	v57 =	vld [tilespmem:s26+$0xFFFFFDE0]  }
0x46c: {  	v59 =	vld [tilespmem:s25+$0xFFFFFDF0];
	[tilespmem:v22+s19+$0x0] =	vst.idx.msk $0xffff, v2  }
0x46d: {  	v50 =	vor.u32 $0x6, v1;
	v5 =	vld [tilespmem:s28+$0xFFFFFFE0];
	[tilespmem:v21+s19+$0x0] =	vst.idx.msk $0xffff, v55  }
0x46e: {  	[tilespmem:v46+s19+$0x0] =	vst.idx.msk $0xffff, v3;
	v3 =	vld [tilespmem:s28+$0xFFFFFDD0]  }
0x46f: {  	[tilespmem:v14+s19+$0x0] =	vst.idx.msk $0xffff, v0;
	v58 =	vld [tilespmem:s28+$0xFFFFFDE0]  }
0x470: {  	v60 =	vld [tilespmem:s25+$0xFFFFFE00];
	[tilespmem:v16+s19+$0x0] =	vst.idx.msk $0xffff, v57  }
0x471: {  	[tilespmem:v10+s19+$0x0] =	vst.idx.msk $0xffff, v59;
	v2 =	vld [tilespmem:s26+$0xFFFFFDF0]  }
0x472: {  	v61 =	vld [tilespmem:s26+$0xFFFFFE00];
	[tilespmem:v50+s19+$0x0] =	vst.idx.msk $0xffff, v5  }
0x473: {  	v56 =	vor.u32 $0x7, v34;
	v4 =	vld [tilespmem:s28+$0xFFFFFFF0];
	[tilespmem:v33+s19+$0x0] =	vst.idx.msk $0xffff, v3  }
0x474: {  	v1 =	vor.u32 $0x7, v1;
	v6 =	vld [tilespmem:s28+$0x0];
	[tilespmem:v29+s19+$0x0] =	vst.idx.msk $0xffff, v58  }
0x475: {  	[tilespmem:v9+s19+$0x0] =	vst.idx.msk $0xffff, v60;
	v62 =	vld [tilespmem:s28+$0xFFFFFDF0]  }
0x476: {  	s23 =	sadd.s32 $0x1, s23;
	[tilespmem:v11+s19+$0x0] =	vst.idx.msk $0xffff, v2;
	v63 =	vld [tilespmem:s28+$0xFFFFFE00]  }
0x477: {  	p0 =	sne.s32 s23, $0xD;
	[tilespmem:v12+s19+$0x0] =	vst.idx.msk $0xffff, v61  }
.Ltmp6:
0x478: {  	s0 =	sshll.u32 s24, $0x13;
	[tilespmem:v56+s19+$0x0] =	vst.idx.msk $0xffff, v4;
	(pc) =	sbr.rel @p0 .LBB2_4-.Ltmp6, $4  }
0x479: {  	s0 =	sor.u32 s6, s0;
	[tilespmem:v1+s19+$0x0] =	vst.idx.msk $0xffff, v6  }
0x47a: {  	s0 =	sshrl.u32 s0, $0x3;
	[tilespmem:v19+s19+$0x0] =	vst.idx.msk $0xffff, v62  }
0x47b: {  	s0 =	sadd.s32 s2, s0;
	[tilespmem:v20+s19+$0x0] =	vst.idx.msk $0xffff, v63  }
0x47c: {  	[hbm4b:s0+s15] =	stream.strided.scatter [tilespmem:s19], [sflag:$0x4], $0x4000, s16, s15, $0x38;
	[tilespmem:$0x16800] =	vst v63  }
0x47d: {  	_ =	swait.ge [sflag:s20], $0x4000  }
0x47e: {  	[sflag:s20] =	ssyncset.done $0x0  }
0x47f: {  	s21 =	sadd.s32 $0x1, s21;
	[sflag:s20] =	ssyncadd.s32 $0xFFFFC000  }
0x480: {  	p0 =	sne.s32 s21, s7;
	_ =	swait.ge [sflag:s18], $0x4000  }
.Ltmp7:
0x481: {  	v0 =	vld [tilespmem:$0x1FFD0];
	(pc) =	sbr.rel @p0 .LBB2_1-.Ltmp7, $3  }
0x482: {  	_ =	sdelay $0x1  }
0x483: {  	[sflag:s18] =	ssyncset.done $0x0  }
0x484: {  	[sflag:s18] =	ssyncadd.s32 $0xFFFFC000  }
0x485: {  	_ =	sfence.sel $0x180000  }
0x486: {  	[bflag:$0x0] =	sbarrier.arrive $0xFFFF  }
0x487: {  	_ =	strace $0x90000047  }
0x488: {  	s0 =	stileid.u32;
	[bflag:$0x2] =	sbarrier.arrive $0xFFFF  }
0x489: {  	p0 =	sne.s32 s0, $0x0;
	s0 =	rddreg [dreg:$0x2]  }
0x48a: {  	s0 =	sadd.s32 @!p0 $0x100000, s0  }
0x48b: {  	[sflag:s0] =	ssyncadd.tile.s32 @!p0 $0x1;
	_ =	shalt  }
.Lfunc_end2:
_tile_overlayer_lowered:
.L_overlay_start_2:
0x48c: {  	(tag) =	ssettag $0x2  }
0x48d: {  	s0 =	rddreg [dreg:$0x0];
	s2 =	stileid.u32  }
0x48e: {  	s1 =	rddreg [dreg:$0x1];
	p0 =	sne.s32 s2, $0x0  }
0x48f: {  	s3 =	rddreg [dreg:$0x2];
	[bflag:$0x3] =	sbarrier.arrive $0xFFFF;
	s2 =	simm.s32 @!p0 $0x1C05  }
0x490: {  	[timem:s3], [sflag:s2] =	dma.local @!p0 [hbm:s0], s1  }
0x491: {  	s0 =	simm.s32 @!p0 $0x5  }
0x492: {  	_ =	swait.ge @!p0 [sflag:s0], s1  }
0x493: {  	s1 =	ssub.s32 @!p0 $0x0, s1;
	[sflag:s0] =	ssyncset.done @!p0 $0x0  }
0x494: {  	[sflag:s0] =	ssyncadd.s32 @!p0 s1  }
0x495: {  	[bflag:$0x3] =	sbarrier.arrive $0xFFFF  }
0x496: {  	_ =	shalt  }

</sc_bundles>
